<compile_context>
chip_gen: v7x
topology: tpu7x:2x2x1
jax: 0.10.2.dev20260603
libtpu: 0.0.44.dev20260713+nightly
codegen_flags: <defaults>
</compile_context>

<pallas_src>
import functools

import jax
import jax.numpy as jnp
from jax import lax
from jax.experimental import pallas as pl
from jax.experimental.pallas import tpu as pltpu
from jax.experimental.pallas import tpu_sc as plsc

NUM_FIELDS = 26
BATCH = 16384
EMB_DIM = 16
NUM_WORKERS = 32
BPW = BATCH // NUM_WORKERS


def _make_sc_kernel():
    mesh = plsc.VectorSubcoreMesh(core_axis_name="c", subcore_axis_name="s")

    @functools.partial(
        pl.kernel,
        mesh=mesh,
        out_type=jax.ShapeDtypeStruct((BATCH, NUM_FIELDS * EMB_DIM), jnp.float32),
        scratch_types=[
            pltpu.VMEM((BPW,), jnp.int32),
            pltpu.VMEM((BPW, EMB_DIM), jnp.float32),
            pltpu.SemaphoreType.DMA,
        ],
        compiler_params=pltpu.CompilerParams(use_tc_tiling_on_sc=False),
    )
    def sc_embed(*refs):
        ins = refs[:2 * NUM_FIELDS]
        out = refs[2 * NUM_FIELDS]
        idx_v, rows_v, sem = refs[2 * NUM_FIELDS + 1:]
        wid = lax.axis_index("s") * 2 + lax.axis_index("c")
        base = wid * BPW
        for i in range(NUM_FIELDS):
            f_hbm = ins[2 * i]
            w_hbm = ins[2 * i + 1]
            pltpu.sync_copy(f_hbm.at[pl.ds(base, BPW)], idx_v)
            pltpu.async_copy(w_hbm.at[idx_v], rows_v, sem).wait()
            pltpu.sync_copy(
                rows_v, out.at[pl.ds(base, BPW), pl.ds(i * EMB_DIM, EMB_DIM)]
            )

    return sc_embed


_sc_embed = _make_sc_kernel()


def kernel(f0, W0, f1, W1, f2, W2, f3, W3, f4, W4, f5, W5, f6, W6, f7, W7,
           f8, W8, f9, W9, f10, W10, f11, W11, f12, W12, f13, W13, f14, W14,
           f15, W15, f16, W16, f17, W17, f18, W18, f19, W19, f20, W20,
           f21, W21, f22, W22, f23, W23, f24, W24, f25, W25):
    return _sc_embed(
        f0, W0, f1, W1, f2, W2, f3, W3, f4, W4, f5, W5, f6, W6, f7, W7,
        f8, W8, f9, W9, f10, W10, f11, W11, f12, W12, f13, W13, f14, W14,
        f15, W15, f16, W16, f17, W17, f18, W18, f19, W19, f20, W20,
        f21, W21, f22, W22, f23, W23, f24, W24, f25, W25)

# --- scband reference (transcript-rebuilt; emitter-appended) ---
"""Pipeline reference for scband-cat-embed-block-64931315581196 (READ-ONLY COPY).

The authoritative reference and input builder live on the scoring server;
editing this copy changes nothing except your own understanding.
"""

import jax, jax.numpy as jnp
import numpy as np

NUM_FIELDS = 26
VOCAB = 100000
EMB_DIM = 16
BATCH = 16384

def setup_inputs(seed: int = 0) -> dict:
    key = jax.random.key(seed)
    inputs = {}
    for i in range(NUM_FIELDS):
        k_idx = jax.random.fold_in(key, i)
        k_tab = jax.random.fold_in(key, 1000 + i)
        inputs[f"f{i}"] = jax.random.randint(k_idx, (BATCH,), 0, VOCAB, dtype=jnp.int32)
        inputs[f"W{i}"] = jax.random.normal(k_tab, (VOCAB, EMB_DIM), dtype=jnp.float32)
    return inputs

def reference(f0, W0, f1, W1, f2, W2, f3, W3, f4, W4, f5, W5, f6, W6, f7, W7,
              f8, W8, f9, W9, f10, W10, f11, W11, f12, W12, f13, W13, f14, W14,
              f15, W15, f16, W16, f17, W17, f18, W18, f19, W19, f20, W20,
              f21, W21, f22, W22, f23, W23, f24, W24, f25, W25) -> jnp.ndarray:
    # Faithful translation of CatEmbedBlock.forward: per-field embedding lookup
    # in feature_order, then concat along the last dim.
    kwargs = {
        "f0": f0, "W0": W0, "f1": f1, "W1": W1, "f2": f2, "W2": W2,
        "f3": f3, "W3": W3, "f4": f4, "W4": W4, "f5": f5, "W5": W5,
        "f6": f6, "W6": W6, "f7": f7, "W7": W7, "f8": f8, "W8": W8,
        "f9": f9, "W9": W9, "f10": f10, "W10": W10, "f11": f11, "W11": W11,
        "f12": f12, "W12": W12, "f13": f13, "W13": W13, "f14": f14, "W14": W14,
        "f15": f15, "W15": W15, "f16": f16, "W16": W16, "f17": f17, "W17": W17,
        "f18": f18, "W18": W18, "f19": f19, "W19": W19, "f20": f20, "W20": W20,
        "f21": f21, "W21": W21, "f22": f22, "W22": W22, "f23": f23, "W23": W23,
        "f24": f24, "W24": W24, "f25": f25, "W25": W25,
    }
    outs = []
    for i in range(NUM_FIELDS):
        idx = kwargs[f"f{i}"]
        table = kwargs[f"W{i}"]
        outs.append(jnp.take(table, idx, axis=0))
    return jnp.concatenate(outs, axis=-1)

if __name__ == "__main__":
    import jax
    _d = setup_inputs()
    print(jax.jit(kernel)(*tuple(_d.values())))

</pallas_src>

<mosaic_0001>
#map = affine_map<(d0, d1) -> (0)>
#map1 = affine_map<(d0, d1) -> (0, 0)>
module attributes {stable_mosaic.version = 14 : i64} {
  func.func @sc_embed(%arg0: i32, %arg1: i32, %arg2: memref<16384xi32, #tpu.memory_space<hbm>>, %arg3: memref<100000x16xf32, #tpu.memory_space<hbm>>, %arg4: memref<16384xi32, #tpu.memory_space<hbm>>, %arg5: memref<100000x16xf32, #tpu.memory_space<hbm>>, %arg6: memref<16384xi32, #tpu.memory_space<hbm>>, %arg7: memref<100000x16xf32, #tpu.memory_space<hbm>>, %arg8: memref<16384xi32, #tpu.memory_space<hbm>>, %arg9: memref<100000x16xf32, #tpu.memory_space<hbm>>, %arg10: memref<16384xi32, #tpu.memory_space<hbm>>, %arg11: memref<100000x16xf32, #tpu.memory_space<hbm>>, %arg12: memref<16384xi32, #tpu.memory_space<hbm>>, %arg13: memref<100000x16xf32, #tpu.memory_space<hbm>>, %arg14: memref<16384xi32, #tpu.memory_space<hbm>>, %arg15: memref<100000x16xf32, #tpu.memory_space<hbm>>, %arg16: memref<16384xi32, #tpu.memory_space<hbm>>, %arg17: memref<100000x16xf32, #tpu.memory_space<hbm>>, %arg18: memref<16384xi32, #tpu.memory_space<hbm>>, %arg19: memref<100000x16xf32, #tpu.memory_space<hbm>>, %arg20: memref<16384xi32, #tpu.memory_space<hbm>>, %arg21: memref<100000x16xf32, #tpu.memory_space<hbm>>, %arg22: memref<16384xi32, #tpu.memory_space<hbm>>, %arg23: memref<100000x16xf32, #tpu.memory_space<hbm>>, %arg24: memref<16384xi32, #tpu.memory_space<hbm>>, %arg25: memref<100000x16xf32, #tpu.memory_space<hbm>>, %arg26: memref<16384xi32, #tpu.memory_space<hbm>>, %arg27: memref<100000x16xf32, #tpu.memory_space<hbm>>, %arg28: memref<16384xi32, #tpu.memory_space<hbm>>, %arg29: memref<100000x16xf32, #tpu.memory_space<hbm>>, %arg30: memref<16384xi32, #tpu.memory_space<hbm>>, %arg31: memref<100000x16xf32, #tpu.memory_space<hbm>>, %arg32: memref<16384xi32, #tpu.memory_space<hbm>>, %arg33: memref<100000x16xf32, #tpu.memory_space<hbm>>, %arg34: memref<16384xi32, #tpu.memory_space<hbm>>, %arg35: memref<100000x16xf32, #tpu.memory_space<hbm>>, %arg36: memref<16384xi32, #tpu.memory_space<hbm>>, %arg37: memref<100000x16xf32, #tpu.memory_space<hbm>>, %arg38: memref<16384xi32, #tpu.memory_space<hbm>>, %arg39: memref<100000x16xf32, #tpu.memory_space<hbm>>, %arg40: memref<16384xi32, #tpu.memory_space<hbm>>, %arg41: memref<100000x16xf32, #tpu.memory_space<hbm>>, %arg42: memref<16384xi32, #tpu.memory_space<hbm>>, %arg43: memref<100000x16xf32, #tpu.memory_space<hbm>>, %arg44: memref<16384xi32, #tpu.memory_space<hbm>>, %arg45: memref<100000x16xf32, #tpu.memory_space<hbm>>, %arg46: memref<16384xi32, #tpu.memory_space<hbm>>, %arg47: memref<100000x16xf32, #tpu.memory_space<hbm>>, %arg48: memref<16384xi32, #tpu.memory_space<hbm>>, %arg49: memref<100000x16xf32, #tpu.memory_space<hbm>>, %arg50: memref<16384xi32, #tpu.memory_space<hbm>>, %arg51: memref<100000x16xf32, #tpu.memory_space<hbm>>, %arg52: memref<16384xi32, #tpu.memory_space<hbm>>, %arg53: memref<100000x16xf32, #tpu.memory_space<hbm>>, %arg54: memref<16384x416xf32, #tpu.memory_space<hbm>>, %arg55: memref<512xi32, #tpu.memory_space<vmem>>, %arg56: memref<512x16xf32, #tpu.memory_space<vmem>>, %arg57: memref<!tpu.dma_semaphore, #tpu.memory_space<semaphore_mem>>) attributes {dimension_semantics = [#tpu.dimension_semantics<core_parallel>, #tpu.dimension_semantics<subcore_parallel>], iteration_bounds = array<i64: 2, 16>, scalar_prefetch = 0 : i64, scratch_operands = 3 : i64, tpu.core_type = #tpu.core_type<sc_vector_subcore>, window_params = [{transform_indices = #map}, {transform_indices = #map1}, {transform_indices = #map}, {transform_indices = #map1}, {transform_indices = #map}, {transform_indices = #map1}, {transform_indices = #map}, {transform_indices = #map1}, {transform_indices = #map}, {transform_indices = #map1}, {transform_indices = #map}, {transform_indices = #map1}, {transform_indices = #map}, {transform_indices = #map1}, {transform_indices = #map}, {transform_indices = #map1}, {transform_indices = #map}, {transform_indices = #map1}, {transform_indices = #map}, {transform_indices = #map1}, {transform_indices = #map}, {transform_indices = #map1}, {transform_indices = #map}, {transform_indices = #map1}, {transform_indices = #map}, {transform_indices = #map1}, {transform_indices = #map}, {transform_indices = #map1}, {transform_indices = #map}, {transform_indices = #map1}, {transform_indices = #map}, {transform_indices = #map1}, {transform_indices = #map}, {transform_indices = #map1}, {transform_indices = #map}, {transform_indices = #map1}, {transform_indices = #map}, {transform_indices = #map1}, {transform_indices = #map}, {transform_indices = #map1}, {transform_indices = #map}, {transform_indices = #map1}, {transform_indices = #map}, {transform_indices = #map1}, {transform_indices = #map}, {transform_indices = #map1}, {transform_indices = #map}, {transform_indices = #map1}, {transform_indices = #map}, {transform_indices = #map1}, {transform_indices = #map}, {transform_indices = #map1}, {transform_indices = #map1}]} {
    %mul3A = arith.constant 2 : i32
    %mul3A_0 = arith.muli %arg1, %mul3A : i32
    %add3A = arith.addi %mul3A_0, %arg0 : i32
    %mul3A_1 = arith.constant 512 : i32
    %mul3A_2 = arith.muli %add3A, %mul3A_1 : i32
    "tpu.region"() ({
      %run_scoped3A = tpu.sem_alloc : memref<!tpu.dma_semaphore, #tpu.memory_space<semaphore_mem>>
      %dma_start3A_157 = tpu.memref_slice %arg2[%mul3A_2] : memref<16384xi32, #tpu.memory_space<hbm>> -> memref<512xi32, #tpu.memory_space<hbm>>
      %dma_start3A_158 = tpu.memref_slice %arg2[%mul3A_2] : memref<16384xi32, #tpu.memory_space<hbm>> -> memref<512xi32, #tpu.memory_space<hbm>>
      tpu.enqueue_dma source(%dma_start3A_158 : memref<512xi32, #tpu.memory_space<hbm>>) target(%arg55 : memref<512xi32, #tpu.memory_space<vmem>>) target_semaphore(%run_scoped3A : memref<!tpu.dma_semaphore, #tpu.memory_space<semaphore_mem>>)
      %dma_wait3A_159 = tpu.memref_slice %arg2[%mul3A_2] : memref<16384xi32, #tpu.memory_space<hbm>> -> memref<512xi32, #tpu.memory_space<hbm>>
      %dma_wait3A_160 = tpu.memref_slice %arg2[%mul3A_2] : memref<16384xi32, #tpu.memory_space<hbm>> -> memref<512xi32, #tpu.memory_space<hbm>>
      tpu.wait_dma2 semaphore(%run_scoped3A : memref<!tpu.dma_semaphore, #tpu.memory_space<semaphore_mem>>) src(%dma_wait3A_160 : memref<512xi32, #tpu.memory_space<hbm>>) dst(%arg55 : memref<512xi32, #tpu.memory_space<vmem>>)
      tpu.yield
    }) : () -> ()
    %dma_start3A = arith.constant 0 : i32
    %dma_start3A_3 = arith.constant 0 : i32
    %dma_start3A_4 = tpu.memref_slice %arg3[%dma_start3A, %dma_start3A_3] : memref<100000x16xf32, #tpu.memory_space<hbm>> -> memref<100000x16xf32, #tpu.memory_space<hbm>>
    tpu.enqueue_indirect_dma source(%dma_start3A_4 : memref<100000x16xf32, #tpu.memory_space<hbm>>) target(%arg56 : memref<512x16xf32, #tpu.memory_space<vmem>>) offsets(%arg55 : memref<512xi32, #tpu.memory_space<vmem>>) semaphore(%arg57 : memref<!tpu.dma_semaphore, #tpu.memory_space<semaphore_mem>>)
    %dma_wait3A = arith.constant 0 : i32
    %dma_wait3A_5 = arith.constant 0 : i32
    %dma_wait3A_6 = tpu.memref_slice %arg3[%dma_wait3A, %dma_wait3A_5] : memref<100000x16xf32, #tpu.memory_space<hbm>> -> memref<100000x16xf32, #tpu.memory_space<hbm>>
    tpu.wait_indirect_dma semaphore(%arg57 : memref<!tpu.dma_semaphore, #tpu.memory_space<semaphore_mem>>) src(%dma_wait3A_6 : memref<100000x16xf32, #tpu.memory_space<hbm>>) dst(%arg56 : memref<512x16xf32, #tpu.memory_space<vmem>>)
    "tpu.region"() ({
      %run_scoped3A = tpu.sem_alloc : memref<!tpu.dma_semaphore, #tpu.memory_space<semaphore_mem>>
      %dma_start3A_157 = arith.constant 0 : i32
      %dma_start3A_158 = tpu.memref_slice %arg54[%mul3A_2, %dma_start3A_157] : memref<16384x416xf32, #tpu.memory_space<hbm>> -> memref<512x16xf32, #tpu.memory_space<hbm>>
      %dma_start3A_159 = arith.constant 0 : i32
      %dma_start3A_160 = tpu.memref_slice %arg54[%mul3A_2, %dma_start3A_159] : memref<16384x416xf32, #tpu.memory_space<hbm>> -> memref<512x16xf32, #tpu.memory_space<hbm>>
      tpu.enqueue_dma source(%arg56 : memref<512x16xf32, #tpu.memory_space<vmem>>) target(%dma_start3A_160 : memref<512x16xf32, #tpu.memory_space<hbm>>) target_semaphore(%run_scoped3A : memref<!tpu.dma_semaphore, #tpu.memory_space<semaphore_mem>>)
      %dma_wait3A_161 = arith.constant 0 : i32
      %dma_wait3A_162 = tpu.memref_slice %arg54[%mul3A_2, %dma_wait3A_161] : memref<16384x416xf32, #tpu.memory_space<hbm>> -> memref<512x16xf32, #tpu.memory_space<hbm>>
      %dma_wait3A_163 = arith.constant 0 : i32
      %dma_wait3A_164 = tpu.memref_slice %arg54[%mul3A_2, %dma_wait3A_163] : memref<16384x416xf32, #tpu.memory_space<hbm>> -> memref<512x16xf32, #tpu.memory_space<hbm>>
      tpu.wait_dma2 semaphore(%run_scoped3A : memref<!tpu.dma_semaphore, #tpu.memory_space<semaphore_mem>>) src(%arg56 : memref<512x16xf32, #tpu.memory_space<vmem>>) dst(%dma_wait3A_164 : memref<512x16xf32, #tpu.memory_space<hbm>>)
      tpu.yield
    }) : () -> ()
    "tpu.region"() ({
      %run_scoped3A = tpu.sem_alloc : memref<!tpu.dma_semaphore, #tpu.memory_space<semaphore_mem>>
      %dma_start3A_157 = tpu.memref_slice %arg4[%mul3A_2] : memref<16384xi32, #tpu.memory_space<hbm>> -> memref<512xi32, #tpu.memory_space<hbm>>
      %dma_start3A_158 = tpu.memref_slice %arg4[%mul3A_2] : memref<16384xi32, #tpu.memory_space<hbm>> -> memref<512xi32, #tpu.memory_space<hbm>>
      tpu.enqueue_dma source(%dma_start3A_158 : memref<512xi32, #tpu.memory_space<hbm>>) target(%arg55 : memref<512xi32, #tpu.memory_space<vmem>>) target_semaphore(%run_scoped3A : memref<!tpu.dma_semaphore, #tpu.memory_space<semaphore_mem>>)
      %dma_wait3A_159 = tpu.memref_slice %arg4[%mul3A_2] : memref<16384xi32, #tpu.memory_space<hbm>> -> memref<512xi32, #tpu.memory_space<hbm>>
      %dma_wait3A_160 = tpu.memref_slice %arg4[%mul3A_2] : memref<16384xi32, #tpu.memory_space<hbm>> -> memref<512xi32, #tpu.memory_space<hbm>>
      tpu.wait_dma2 semaphore(%run_scoped3A : memref<!tpu.dma_semaphore, #tpu.memory_space<semaphore_mem>>) src(%dma_wait3A_160 : memref<512xi32, #tpu.memory_space<hbm>>) dst(%arg55 : memref<512xi32, #tpu.memory_space<vmem>>)
      tpu.yield
    }) : () -> ()
    %dma_start3A_7 = arith.constant 0 : i32
    %dma_start3A_8 = arith.constant 0 : i32
    %dma_start3A_9 = tpu.memref_slice %arg5[%dma_start3A_7, %dma_start3A_8] : memref<100000x16xf32, #tpu.memory_space<hbm>> -> memref<100000x16xf32, #tpu.memory_space<hbm>>
    tpu.enqueue_indirect_dma source(%dma_start3A_9 : memref<100000x16xf32, #tpu.memory_space<hbm>>) target(%arg56 : memref<512x16xf32, #tpu.memory_space<vmem>>) offsets(%arg55 : memref<512xi32, #tpu.memory_space<vmem>>) semaphore(%arg57 : memref<!tpu.dma_semaphore, #tpu.memory_space<semaphore_mem>>)
    %dma_wait3A_10 = arith.constant 0 : i32
    %dma_wait3A_11 = arith.constant 0 : i32
    %dma_wait3A_12 = tpu.memref_slice %arg5[%dma_wait3A_10, %dma_wait3A_11] : memref<100000x16xf32, #tpu.memory_space<hbm>> -> memref<100000x16xf32, #tpu.memory_space<hbm>>
    tpu.wait_indirect_dma semaphore(%arg57 : memref<!tpu.dma_semaphore, #tpu.memory_space<semaphore_mem>>) src(%dma_wait3A_12 : memref<100000x16xf32, #tpu.memory_space<hbm>>) dst(%arg56 : memref<512x16xf32, #tpu.memory_space<vmem>>)
    "tpu.region"() ({
      %run_scoped3A = tpu.sem_alloc : memref<!tpu.dma_semaphore, #tpu.memory_space<semaphore_mem>>
      %dma_start3A_157 = arith.constant 16 : i32
      %dma_start3A_158 = tpu.memref_slice %arg54[%mul3A_2, %dma_start3A_157] : memref<16384x416xf32, #tpu.memory_space<hbm>> -> memref<512x16xf32, #tpu.memory_space<hbm>>
      %dma_start3A_159 = arith.constant 16 : i32
      %dma_start3A_160 = tpu.memref_slice %arg54[%mul3A_2, %dma_start3A_159] : memref<16384x416xf32, #tpu.memory_space<hbm>> -> memref<512x16xf32, #tpu.memory_space<hbm>>
      tpu.enqueue_dma source(%arg56 : memref<512x16xf32, #tpu.memory_space<vmem>>) target(%dma_start3A_160 : memref<512x16xf32, #tpu.memory_space<hbm>>) target_semaphore(%run_scoped3A : memref<!tpu.dma_semaphore, #tpu.memory_space<semaphore_mem>>)
      %dma_wait3A_161 = arith.constant 16 : i32
      %dma_wait3A_162 = tpu.memref_slice %arg54[%mul3A_2, %dma_wait3A_161] : memref<16384x416xf32, #tpu.memory_space<hbm>> -> memref<512x16xf32, #tpu.memory_space<hbm>>
      %dma_wait3A_163 = arith.constant 16 : i32
      %dma_wait3A_164 = tpu.memref_slice %arg54[%mul3A_2, %dma_wait3A_163] : memref<16384x416xf32, #tpu.memory_space<hbm>> -> memref<512x16xf32, #tpu.memory_space<hbm>>
      tpu.wait_dma2 semaphore(%run_scoped3A : memref<!tpu.dma_semaphore, #tpu.memory_space<semaphore_mem>>) src(%arg56 : memref<512x16xf32, #tpu.memory_space<vmem>>) dst(%dma_wait3A_164 : memref<512x16xf32, #tpu.memory_space<hbm>>)
      tpu.yield
    }) : () -> ()
    "tpu.region"() ({
      %run_scoped3A = tpu.sem_alloc : memref<!tpu.dma_semaphore, #tpu.memory_space<semaphore_mem>>
      %dma_start3A_157 = tpu.memref_slice %arg6[%mul3A_2] : memref<16384xi32, #tpu.memory_space<hbm>> -> memref<512xi32, #tpu.memory_space<hbm>>
      %dma_start3A_158 = tpu.memref_slice %arg6[%mul3A_2] : memref<16384xi32, #tpu.memory_space<hbm>> -> memref<512xi32, #tpu.memory_space<hbm>>
      tpu.enqueue_dma source(%dma_start3A_158 : memref<512xi32, #tpu.memory_space<hbm>>) target(%arg55 : memref<512xi32, #tpu.memory_space<vmem>>) target_semaphore(%run_scoped3A : memref<!tpu.dma_semaphore, #tpu.memory_space<semaphore_mem>>)
      %dma_wait3A_159 = tpu.memref_slice %arg6[%mul3A_2] : memref<16384xi32, #tpu.memory_space<hbm>> -> memref<512xi32, #tpu.memory_space<hbm>>
      %dma_wait3A_160 = tpu.memref_slice %arg6[%mul3A_2] : memref<16384xi32, #tpu.memory_space<hbm>> -> memref<512xi32, #tpu.memory_space<hbm>>
      tpu.wait_dma2 semaphore(%run_scoped3A : memref<!tpu.dma_semaphore, #tpu.memory_space<semaphore_mem>>) src(%dma_wait3A_160 : memref<512xi32, #tpu.memory_space<hbm>>) dst(%arg55 : memref<512xi32, #tpu.memory_space<vmem>>)
      tpu.yield
    }) : () -> ()
    %dma_start3A_13 = arith.constant 0 : i32
    %dma_start3A_14 = arith.constant 0 : i32
    %dma_start3A_15 = tpu.memref_slice %arg7[%dma_start3A_13, %dma_start3A_14] : memref<100000x16xf32, #tpu.memory_space<hbm>> -> memref<100000x16xf32, #tpu.memory_space<hbm>>
    tpu.enqueue_indirect_dma source(%dma_start3A_15 : memref<100000x16xf32, #tpu.memory_space<hbm>>) target(%arg56 : memref<512x16xf32, #tpu.memory_space<vmem>>) offsets(%arg55 : memref<512xi32, #tpu.memory_space<vmem>>) semaphore(%arg57 : memref<!tpu.dma_semaphore, #tpu.memory_space<semaphore_mem>>)
    %dma_wait3A_16 = arith.constant 0 : i32
    %dma_wait3A_17 = arith.constant 0 : i32
    %dma_wait3A_18 = tpu.memref_slice %arg7[%dma_wait3A_16, %dma_wait3A_17] : memref<100000x16xf32, #tpu.memory_space<hbm>> -> memref<100000x16xf32, #tpu.memory_space<hbm>>
    tpu.wait_indirect_dma semaphore(%arg57 : memref<!tpu.dma_semaphore, #tpu.memory_space<semaphore_mem>>) src(%dma_wait3A_18 : memref<100000x16xf32, #tpu.memory_space<hbm>>) dst(%arg56 : memref<512x16xf32, #tpu.memory_space<vmem>>)
    "tpu.region"() ({
      %run_scoped3A = tpu.sem_alloc : memref<!tpu.dma_semaphore, #tpu.memory_space<semaphore_mem>>
      %dma_start3A_157 = arith.constant 32 : i32
      %dma_start3A_158 = tpu.memref_slice %arg54[%mul3A_2, %dma_start3A_157] : memref<16384x416xf32, #tpu.memory_space<hbm>> -> memref<512x16xf32, #tpu.memory_space<hbm>>
      %dma_start3A_159 = arith.constant 32 : i32
      %dma_start3A_160 = tpu.memref_slice %arg54[%mul3A_2, %dma_start3A_159] : memref<16384x416xf32, #tpu.memory_space<hbm>> -> memref<512x16xf32, #tpu.memory_space<hbm>>
      tpu.enqueue_dma source(%arg56 : memref<512x16xf32, #tpu.memory_space<vmem>>) target(%dma_start3A_160 : memref<512x16xf32, #tpu.memory_space<hbm>>) target_semaphore(%run_scoped3A : memref<!tpu.dma_semaphore, #tpu.memory_space<semaphore_mem>>)
      %dma_wait3A_161 = arith.constant 32 : i32
      %dma_wait3A_162 = tpu.memref_slice %arg54[%mul3A_2, %dma_wait3A_161] : memref<16384x416xf32, #tpu.memory_space<hbm>> -> memref<512x16xf32, #tpu.memory_space<hbm>>
      %dma_wait3A_163 = arith.constant 32 : i32
      %dma_wait3A_164 = tpu.memref_slice %arg54[%mul3A_2, %dma_wait3A_163] : memref<16384x416xf32, #tpu.memory_space<hbm>> -> memref<512x16xf32, #tpu.memory_space<hbm>>
      tpu.wait_dma2 semaphore(%run_scoped3A : memref<!tpu.dma_semaphore, #tpu.memory_space<semaphore_mem>>) src(%arg56 : memref<512x16xf32, #tpu.memory_space<vmem>>) dst(%dma_wait3A_164 : memref<512x16xf32, #tpu.memory_space<hbm>>)
      tpu.yield
    }) : () -> ()
    "tpu.region"() ({
      %run_scoped3A = tpu.sem_alloc : memref<!tpu.dma_semaphore, #tpu.memory_space<semaphore_mem>>
      %dma_start3A_157 = tpu.memref_slice %arg8[%mul3A_2] : memref<16384xi32, #tpu.memory_space<hbm>> -> memref<512xi32, #tpu.memory_space<hbm>>
      %dma_start3A_158 = tpu.memref_slice %arg8[%mul3A_2] : memref<16384xi32, #tpu.memory_space<hbm>> -> memref<512xi32, #tpu.memory_space<hbm>>
      tpu.enqueue_dma source(%dma_start3A_158 : memref<512xi32, #tpu.memory_space<hbm>>) target(%arg55 : memref<512xi32, #tpu.memory_space<vmem>>) target_semaphore(%run_scoped3A : memref<!tpu.dma_semaphore, #tpu.memory_space<semaphore_mem>>)
      %dma_wait3A_159 = tpu.memref_slice %arg8[%mul3A_2] : memref<16384xi32, #tpu.memory_space<hbm>> -> memref<512xi32, #tpu.memory_space<hbm>>
      %dma_wait3A_160 = tpu.memref_slice %arg8[%mul3A_2] : memref<16384xi32, #tpu.memory_space<hbm>> -> memref<512xi32, #tpu.memory_space<hbm>>
      tpu.wait_dma2 semaphore(%run_scoped3A : memref<!tpu.dma_semaphore, #tpu.memory_space<semaphore_mem>>) src(%dma_wait3A_160 : memref<512xi32, #tpu.memory_space<hbm>>) dst(%arg55 : memref<512xi32, #tpu.memory_space<vmem>>)
      tpu.yield
    }) : () -> ()
    %dma_start3A_19 = arith.constant 0 : i32
    %dma_start3A_20 = arith.constant 0 : i32
    %dma_start3A_21 = tpu.memref_slice %arg9[%dma_start3A_19, %dma_start3A_20] : memref<100000x16xf32, #tpu.memory_space<hbm>> -> memref<100000x16xf32, #tpu.memory_space<hbm>>
    tpu.enqueue_indirect_dma source(%dma_start3A_21 : memref<100000x16xf32, #tpu.memory_space<hbm>>) target(%arg56 : memref<512x16xf32, #tpu.memory_space<vmem>>) offsets(%arg55 : memref<512xi32, #tpu.memory_space<vmem>>) semaphore(%arg57 : memref<!tpu.dma_semaphore, #tpu.memory_space<semaphore_mem>>)
    %dma_wait3A_22 = arith.constant 0 : i32
    %dma_wait3A_23 = arith.constant 0 : i32
    %dma_wait3A_24 = tpu.memref_slice %arg9[%dma_wait3A_22, %dma_wait3A_23] : memref<100000x16xf32, #tpu.memory_space<hbm>> -> memref<100000x16xf32, #tpu.memory_space<hbm>>
    tpu.wait_indirect_dma semaphore(%arg57 : memref<!tpu.dma_semaphore, #tpu.memory_space<semaphore_mem>>) src(%dma_wait3A_24 : memref<100000x16xf32, #tpu.memory_space<hbm>>) dst(%arg56 : memref<512x16xf32, #tpu.memory_space<vmem>>)
    "tpu.region"() ({
      %run_scoped3A = tpu.sem_alloc : memref<!tpu.dma_semaphore, #tpu.memory_space<semaphore_mem>>
      %dma_start3A_157 = arith.constant 48 : i32
      %dma_start3A_158 = tpu.memref_slice %arg54[%mul3A_2, %dma_start3A_157] : memref<16384x416xf32, #tpu.memory_space<hbm>> -> memref<512x16xf32, #tpu.memory_space<hbm>>
      %dma_start3A_159 = arith.constant 48 : i32
      %dma_start3A_160 = tpu.memref_slice %arg54[%mul3A_2, %dma_start3A_159] : memref<16384x416xf32, #tpu.memory_space<hbm>> -> memref<512x16xf32, #tpu.memory_space<hbm>>
      tpu.enqueue_dma source(%arg56 : memref<512x16xf32, #tpu.memory_space<vmem>>) target(%dma_start3A_160 : memref<512x16xf32, #tpu.memory_space<hbm>>) target_semaphore(%run_scoped3A : memref<!tpu.dma_semaphore, #tpu.memory_space<semaphore_mem>>)
      %dma_wait3A_161 = arith.constant 48 : i32
      %dma_wait3A_162 = tpu.memref_slice %arg54[%mul3A_2, %dma_wait3A_161] : memref<16384x416xf32, #tpu.memory_space<hbm>> -> memref<512x16xf32, #tpu.memory_space<hbm>>
      %dma_wait3A_163 = arith.constant 48 : i32
      %dma_wait3A_164 = tpu.memref_slice %arg54[%mul3A_2, %dma_wait3A_163] : memref<16384x416xf32, #tpu.memory_space<hbm>> -> memref<512x16xf32, #tpu.memory_space<hbm>>
      tpu.wait_dma2 semaphore(%run_scoped3A : memref<!tpu.dma_semaphore, #tpu.memory_space<semaphore_mem>>) src(%arg56 : memref<512x16xf32, #tpu.memory_space<vmem>>) dst(%dma_wait3A_164 : memref<512x16xf32, #tpu.memory_space<hbm>>)
      tpu.yield
    }) : () -> ()
    "tpu.region"() ({
      %run_scoped3A = tpu.sem_alloc : memref<!tpu.dma_semaphore, #tpu.memory_space<semaphore_mem>>
      %dma_start3A_157 = tpu.memref_slice %arg10[%mul3A_2] : memref<16384xi32, #tpu.memory_space<hbm>> -> memref<512xi32, #tpu.memory_space<hbm>>
      %dma_start3A_158 = tpu.memref_slice %arg10[%mul3A_2] : memref<16384xi32, #tpu.memory_space<hbm>> -> memref<512xi32, #tpu.memory_space<hbm>>
      tpu.enqueue_dma source(%dma_start3A_158 : memref<512xi32, #tpu.memory_space<hbm>>) target(%arg55 : memref<512xi32, #tpu.memory_space<vmem>>) target_semaphore(%run_scoped3A : memref<!tpu.dma_semaphore, #tpu.memory_space<semaphore_mem>>)
      %dma_wait3A_159 = tpu.memref_slice %arg10[%mul3A_2] : memref<16384xi32, #tpu.memory_space<hbm>> -> memref<512xi32, #tpu.memory_space<hbm>>
      %dma_wait3A_160 = tpu.memref_slice %arg10[%mul3A_2] : memref<16384xi32, #tpu.memory_space<hbm>> -> memref<512xi32, #tpu.memory_space<hbm>>
      tpu.wait_dma2 semaphore(%run_scoped3A : memref<!tpu.dma_semaphore, #tpu.memory_space<semaphore_mem>>) src(%dma_wait3A_160 : memref<512xi32, #tpu.memory_space<hbm>>) dst(%arg55 : memref<512xi32, #tpu.memory_space<vmem>>)
      tpu.yield
    }) : () -> ()
    %dma_start3A_25 = arith.constant 0 : i32
    %dma_start3A_26 = arith.constant 0 : i32
    %dma_start3A_27 = tpu.memref_slice %arg11[%dma_start3A_25, %dma_start3A_26] : memref<100000x16xf32, #tpu.memory_space<hbm>> -> memref<100000x16xf32, #tpu.memory_space<hbm>>
    tpu.enqueue_indirect_dma source(%dma_start3A_27 : memref<100000x16xf32, #tpu.memory_space<hbm>>) target(%arg56 : memref<512x16xf32, #tpu.memory_space<vmem>>) offsets(%arg55 : memref<512xi32, #tpu.memory_space<vmem>>) semaphore(%arg57 : memref<!tpu.dma_semaphore, #tpu.memory_space<semaphore_mem>>)
    %dma_wait3A_28 = arith.constant 0 : i32
    %dma_wait3A_29 = arith.constant 0 : i32
    %dma_wait3A_30 = tpu.memref_slice %arg11[%dma_wait3A_28, %dma_wait3A_29] : memref<100000x16xf32, #tpu.memory_space<hbm>> -> memref<100000x16xf32, #tpu.memory_space<hbm>>
    tpu.wait_indirect_dma semaphore(%arg57 : memref<!tpu.dma_semaphore, #tpu.memory_space<semaphore_mem>>) src(%dma_wait3A_30 : memref<100000x16xf32, #tpu.memory_space<hbm>>) dst(%arg56 : memref<512x16xf32, #tpu.memory_space<vmem>>)
    "tpu.region"() ({
      %run_scoped3A = tpu.sem_alloc : memref<!tpu.dma_semaphore, #tpu.memory_space<semaphore_mem>>
      %dma_start3A_157 = arith.constant 64 : i32
      %dma_start3A_158 = tpu.memref_slice %arg54[%mul3A_2, %dma_start3A_157] : memref<16384x416xf32, #tpu.memory_space<hbm>> -> memref<512x16xf32, #tpu.memory_space<hbm>>
      %dma_start3A_159 = arith.constant 64 : i32
      %dma_start3A_160 = tpu.memref_slice %arg54[%mul3A_2, %dma_start3A_159] : memref<16384x416xf32, #tpu.memory_space<hbm>> -> memref<512x16xf32, #tpu.memory_space<hbm>>
      tpu.enqueue_dma source(%arg56 : memref<512x16xf32, #tpu.memory_space<vmem>>) target(%dma_start3A_160 : memref<512x16xf32, #tpu.memory_space<hbm>>) target_semaphore(%run_scoped3A : memref<!tpu.dma_semaphore, #tpu.memory_space<semaphore_mem>>)
      %dma_wait3A_161 = arith.constant 64 : i32
      %dma_wait3A_162 = tpu.memref_slice %arg54[%mul3A_2, %dma_wait3A_161] : memref<16384x416xf32, #tpu.memory_space<hbm>> -> memref<512x16xf32, #tpu.memory_space<hbm>>
      %dma_wait3A_163 = arith.constant 64 : i32
      %dma_wait3A_164 = tpu.memref_slice %arg54[%mul3A_2, %dma_wait3A_163] : memref<16384x416xf32, #tpu.memory_space<hbm>> -> memref<512x16xf32, #tpu.memory_space<hbm>>
      tpu.wait_dma2 semaphore(%run_scoped3A : memref<!tpu.dma_semaphore, #tpu.memory_space<semaphore_mem>>) src(%arg56 : memref<512x16xf32, #tpu.memory_space<vmem>>) dst(%dma_wait3A_164 : memref<512x16xf32, #tpu.memory_space<hbm>>)
      tpu.yield
    }) : () -> ()
    "tpu.region"() ({
      %run_scoped3A = tpu.sem_alloc : memref<!tpu.dma_semaphore, #tpu.memory_space<semaphore_mem>>
      %dma_start3A_157 = tpu.memref_slice %arg12[%mul3A_2] : memref<16384xi32, #tpu.memory_space<hbm>> -> memref<512xi32, #tpu.memory_space<hbm>>
      %dma_start3A_158 = tpu.memref_slice %arg12[%mul3A_2] : memref<16384xi32, #tpu.memory_space<hbm>> -> memref<512xi32, #tpu.memory_space<hbm>>
      tpu.enqueue_dma source(%dma_start3A_158 : memref<512xi32, #tpu.memory_space<hbm>>) target(%arg55 : memref<512xi32, #tpu.memory_space<vmem>>) target_semaphore(%run_scoped3A : memref<!tpu.dma_semaphore, #tpu.memory_space<semaphore_mem>>)
      %dma_wait3A_159 = tpu.memref_slice %arg12[%mul3A_2] : memref<16384xi32, #tpu.memory_space<hbm>> -> memref<512xi32, #tpu.memory_space<hbm>>
      %dma_wait3A_160 = tpu.memref_slice %arg12[%mul3A_2] : memref<16384xi32, #tpu.memory_space<hbm>> -> memref<512xi32, #tpu.memory_space<hbm>>
      tpu.wait_dma2 semaphore(%run_scoped3A : memref<!tpu.dma_semaphore, #tpu.memory_space<semaphore_mem>>) src(%dma_wait3A_160 : memref<512xi32, #tpu.memory_space<hbm>>) dst(%arg55 : memref<512xi32, #tpu.memory_space<vmem>>)
      tpu.yield
    }) : () -> ()
    %dma_start3A_31 = arith.constant 0 : i32
    %dma_start3A_32 = arith.constant 0 : i32
    %dma_start3A_33 = tpu.memref_slice %arg13[%dma_start3A_31, %dma_start3A_32] : memref<100000x16xf32, #tpu.memory_space<hbm>> -> memref<100000x16xf32, #tpu.memory_space<hbm>>
    tpu.enqueue_indirect_dma source(%dma_start3A_33 : memref<100000x16xf32, #tpu.memory_space<hbm>>) target(%arg56 : memref<512x16xf32, #tpu.memory_space<vmem>>) offsets(%arg55 : memref<512xi32, #tpu.memory_space<vmem>>) semaphore(%arg57 : memref<!tpu.dma_semaphore, #tpu.memory_space<semaphore_mem>>)
    %dma_wait3A_34 = arith.constant 0 : i32
    %dma_wait3A_35 = arith.constant 0 : i32
    %dma_wait3A_36 = tpu.memref_slice %arg13[%dma_wait3A_34, %dma_wait3A_35] : memref<100000x16xf32, #tpu.memory_space<hbm>> -> memref<100000x16xf32, #tpu.memory_space<hbm>>
    tpu.wait_indirect_dma semaphore(%arg57 : memref<!tpu.dma_semaphore, #tpu.memory_space<semaphore_mem>>) src(%dma_wait3A_36 : memref<100000x16xf32, #tpu.memory_space<hbm>>) dst(%arg56 : memref<512x16xf32, #tpu.memory_space<vmem>>)
    "tpu.region"() ({
      %run_scoped3A = tpu.sem_alloc : memref<!tpu.dma_semaphore, #tpu.memory_space<semaphore_mem>>
      %dma_start3A_157 = arith.constant 80 : i32
      %dma_start3A_158 = tpu.memref_slice %arg54[%mul3A_2, %dma_start3A_157] : memref<16384x416xf32, #tpu.memory_space<hbm>> -> memref<512x16xf32, #tpu.memory_space<hbm>>
      %dma_start3A_159 = arith.constant 80 : i32
      %dma_start3A_160 = tpu.memref_slice %arg54[%mul3A_2, %dma_start3A_159] : memref<16384x416xf32, #tpu.memory_space<hbm>> -> memref<512x16xf32, #tpu.memory_space<hbm>>
      tpu.enqueue_dma source(%arg56 : memref<512x16xf32, #tpu.memory_space<vmem>>) target(%dma_start3A_160 : memref<512x16xf32, #tpu.memory_space<hbm>>) target_semaphore(%run_scoped3A : memref<!tpu.dma_semaphore, #tpu.memory_space<semaphore_mem>>)
      %dma_wait3A_161 = arith.constant 80 : i32
      %dma_wait3A_162 = tpu.memref_slice %arg54[%mul3A_2, %dma_wait3A_161] : memref<16384x416xf32, #tpu.memory_space<hbm>> -> memref<512x16xf32, #tpu.memory_space<hbm>>
      %dma_wait3A_163 = arith.constant 80 : i32
      %dma_wait3A_164 = tpu.memref_slice %arg54[%mul3A_2, %dma_wait3A_163] : memref<16384x416xf32, #tpu.memory_space<hbm>> -> memref<512x16xf32, #tpu.memory_space<hbm>>
      tpu.wait_dma2 semaphore(%run_scoped3A : memref<!tpu.dma_semaphore, #tpu.memory_space<semaphore_mem>>) src(%arg56 : memref<512x16xf32, #tpu.memory_space<vmem>>) dst(%dma_wait3A_164 : memref<512x16xf32, #tpu.memory_space<hbm>>)
      tpu.yield
    }) : () -> ()
    "tpu.region"() ({
      %run_scoped3A = tpu.sem_alloc : memref<!tpu.dma_semaphore, #tpu.memory_space<semaphore_mem>>
      %dma_start3A_157 = tpu.memref_slice %arg14[%mul3A_2] : memref<16384xi32, #tpu.memory_space<hbm>> -> memref<512xi32, #tpu.memory_space<hbm>>
      %dma_start3A_158 = tpu.memref_slice %arg14[%mul3A_2] : memref<16384xi32, #tpu.memory_space<hbm>> -> memref<512xi32, #tpu.memory_space<hbm>>
      tpu.enqueue_dma source(%dma_start3A_158 : memref<512xi32, #tpu.memory_space<hbm>>) target(%arg55 : memref<512xi32, #tpu.memory_space<vmem>>) target_semaphore(%run_scoped3A : memref<!tpu.dma_semaphore, #tpu.memory_space<semaphore_mem>>)
      %dma_wait3A_159 = tpu.memref_slice %arg14[%mul3A_2] : memref<16384xi32, #tpu.memory_space<hbm>> -> memref<512xi32, #tpu.memory_space<hbm>>
      %dma_wait3A_160 = tpu.memref_slice %arg14[%mul3A_2] : memref<16384xi32, #tpu.memory_space<hbm>> -> memref<512xi32, #tpu.memory_space<hbm>>
      tpu.wait_dma2 semaphore(%run_scoped3A : memref<!tpu.dma_semaphore, #tpu.memory_space<semaphore_mem>>) src(%dma_wait3A_160 : memref<512xi32, #tpu.memory_space<hbm>>) dst(%arg55 : memref<512xi32, #tpu.memory_space<vmem>>)
      tpu.yield
    }) : () -> ()
    %dma_start3A_37 = arith.constant 0 : i32
    %dma_start3A_38 = arith.constant 0 : i32
    %dma_start3A_39 = tpu.memref_slice %arg15[%dma_start3A_37, %dma_start3A_38] : memref<100000x16xf32, #tpu.memory_space<hbm>> -> memref<100000x16xf32, #tpu.memory_space<hbm>>
    tpu.enqueue_indirect_dma source(%dma_start3A_39 : memref<100000x16xf32, #tpu.memory_space<hbm>>) target(%arg56 : memref<512x16xf32, #tpu.memory_space<vmem>>) offsets(%arg55 : memref<512xi32, #tpu.memory_space<vmem>>) semaphore(%arg57 : memref<!tpu.dma_semaphore, #tpu.memory_space<semaphore_mem>>)
    %dma_wait3A_40 = arith.constant 0 : i32
    %dma_wait3A_41 = arith.constant 0 : i32
    %dma_wait3A_42 = tpu.memref_slice %arg15[%dma_wait3A_40, %dma_wait3A_41] : memref<100000x16xf32, #tpu.memory_space<hbm>> -> memref<100000x16xf32, #tpu.memory_space<hbm>>
    tpu.wait_indirect_dma semaphore(%arg57 : memref<!tpu.dma_semaphore, #tpu.memory_space<semaphore_mem>>) src(%dma_wait3A_42 : memref<100000x16xf32, #tpu.memory_space<hbm>>) dst(%arg56 : memref<512x16xf32, #tpu.memory_space<vmem>>)
    "tpu.region"() ({
      %run_scoped3A = tpu.sem_alloc : memref<!tpu.dma_semaphore, #tpu.memory_space<semaphore_mem>>
      %dma_start3A_157 = arith.constant 96 : i32
      %dma_start3A_158 = tpu.memref_slice %arg54[%mul3A_2, %dma_start3A_157] : memref<16384x416xf32, #tpu.memory_space<hbm>> -> memref<512x16xf32, #tpu.memory_space<hbm>>
      %dma_start3A_159 = arith.constant 96 : i32
      %dma_start3A_160 = tpu.memref_slice %arg54[%mul3A_2, %dma_start3A_159] : memref<16384x416xf32, #tpu.memory_space<hbm>> -> memref<512x16xf32, #tpu.memory_space<hbm>>
      tpu.enqueue_dma source(%arg56 : memref<512x16xf32, #tpu.memory_space<vmem>>) target(%dma_start3A_160 : memref<512x16xf32, #tpu.memory_space<hbm>>) target_semaphore(%run_scoped3A : memref<!tpu.dma_semaphore, #tpu.memory_space<semaphore_mem>>)
      %dma_wait3A_161 = arith.constant 96 : i32
      %dma_wait3A_162 = tpu.memref_slice %arg54[%mul3A_2, %dma_wait3A_161] : memref<16384x416xf32, #tpu.memory_space<hbm>> -> memref<512x16xf32, #tpu.memory_space<hbm>>
      %dma_wait3A_163 = arith.constant 96 : i32
      %dma_wait3A_164 = tpu.memref_slice %arg54[%mul3A_2, %dma_wait3A_163] : memref<16384x416xf32, #tpu.memory_space<hbm>> -> memref<512x16xf32, #tpu.memory_space<hbm>>
      tpu.wait_dma2 semaphore(%run_scoped3A : memref<!tpu.dma_semaphore, #tpu.memory_space<semaphore_mem>>) src(%arg56 : memref<512x16xf32, #tpu.memory_space<vmem>>) dst(%dma_wait3A_164 : memref<512x16xf32, #tpu.memory_space<hbm>>)
      tpu.yield
    }) : () -> ()
    "tpu.region"() ({
      %run_scoped3A = tpu.sem_alloc : memref<!tpu.dma_semaphore, #tpu.memory_space<semaphore_mem>>
      %dma_start3A_157 = tpu.memref_slice %arg16[%mul3A_2] : memref<16384xi32, #tpu.memory_space<hbm>> -> memref<512xi32, #tpu.memory_space<hbm>>
      %dma_start3A_158 = tpu.memref_slice %arg16[%mul3A_2] : memref<16384xi32, #tpu.memory_space<hbm>> -> memref<512xi32, #tpu.memory_space<hbm>>
      tpu.enqueue_dma source(%dma_start3A_158 : memref<512xi32, #tpu.memory_space<hbm>>) target(%arg55 : memref<512xi32, #tpu.memory_space<vmem>>) target_semaphore(%run_scoped3A : memref<!tpu.dma_semaphore, #tpu.memory_space<semaphore_mem>>)
      %dma_wait3A_159 = tpu.memref_slice %arg16[%mul3A_2] : memref<16384xi32, #tpu.memory_space<hbm>> -> memref<512xi32, #tpu.memory_space<hbm>>
      %dma_wait3A_160 = tpu.memref_slice %arg16[%mul3A_2] : memref<16384xi32, #tpu.memory_space<hbm>> -> memref<512xi32, #tpu.memory_space<hbm>>
      tpu.wait_dma2 semaphore(%run_scoped3A : memref<!tpu.dma_semaphore, #tpu.memory_space<semaphore_mem>>) src(%dma_wait3A_160 : memref<512xi32, #tpu.memory_space<hbm>>) dst(%arg55 : memref<512xi32, #tpu.memory_space<vmem>>)
      tpu.yield
    }) : () -> ()
    %dma_start3A_43 = arith.constant 0 : i32
    %dma_start3A_44 = arith.constant 0 : i32
    %dma_start3A_45 = tpu.memref_slice %arg17[%dma_start3A_43, %dma_start3A_44] : memref<100000x16xf32, #tpu.memory_space<hbm>> -> memref<100000x16xf32, #tpu.memory_space<hbm>>
    tpu.enqueue_indirect_dma source(%dma_start3A_45 : memref<100000x16xf32, #tpu.memory_space<hbm>>) target(%arg56 : memref<512x16xf32, #tpu.memory_space<vmem>>) offsets(%arg55 : memref<512xi32, #tpu.memory_space<vmem>>) semaphore(%arg57 : memref<!tpu.dma_semaphore, #tpu.memory_space<semaphore_mem>>)
    %dma_wait3A_46 = arith.constant 0 : i32
    %dma_wait3A_47 = arith.constant 0 : i32
    %dma_wait3A_48 = tpu.memref_slice %arg17[%dma_wait3A_46, %dma_wait3A_47] : memref<100000x16xf32, #tpu.memory_space<hbm>> -> memref<100000x16xf32, #tpu.memory_space<hbm>>
    tpu.wait_indirect_dma semaphore(%arg57 : memref<!tpu.dma_semaphore, #tpu.memory_space<semaphore_mem>>) src(%dma_wait3A_48 : memref<100000x16xf32, #tpu.memory_space<hbm>>) dst(%arg56 : memref<512x16xf32, #tpu.memory_space<vmem>>)
    "tpu.region"() ({
      %run_scoped3A = tpu.sem_alloc : memref<!tpu.dma_semaphore, #tpu.memory_space<semaphore_mem>>
      %dma_start3A_157 = arith.constant 112 : i32
      %dma_start3A_158 = tpu.memref_slice %arg54[%mul3A_2, %dma_start3A_157] : memref<16384x416xf32, #tpu.memory_space<hbm>> -> memref<512x16xf32, #tpu.memory_space<hbm>>
      %dma_start3A_159 = arith.constant 112 : i32
      %dma_start3A_160 = tpu.memref_slice %arg54[%mul3A_2, %dma_start3A_159] : memref<16384x416xf32, #tpu.memory_space<hbm>> -> memref<512x16xf32, #tpu.memory_space<hbm>>
      tpu.enqueue_dma source(%arg56 : memref<512x16xf32, #tpu.memory_space<vmem>>) target(%dma_start3A_160 : memref<512x16xf32, #tpu.memory_space<hbm>>) target_semaphore(%run_scoped3A : memref<!tpu.dma_semaphore, #tpu.memory_space<semaphore_mem>>)
      %dma_wait3A_161 = arith.constant 112 : i32
      %dma_wait3A_162 = tpu.memref_slice %arg54[%mul3A_2, %dma_wait3A_161] : memref<16384x416xf32, #tpu.memory_space<hbm>> -> memref<512x16xf32, #tpu.memory_space<hbm>>
      %dma_wait3A_163 = arith.constant 112 : i32
      %dma_wait3A_164 = tpu.memref_slice %arg54[%mul3A_2, %dma_wait3A_163] : memref<16384x416xf32, #tpu.memory_space<hbm>> -> memref<512x16xf32, #tpu.memory_space<hbm>>
      tpu.wait_dma2 semaphore(%run_scoped3A : memref<!tpu.dma_semaphore, #tpu.memory_space<semaphore_mem>>) src(%arg56 : memref<512x16xf32, #tpu.memory_space<vmem>>) dst(%dma_wait3A_164 : memref<512x16xf32, #tpu.memory_space<hbm>>)
      tpu.yield
    }) : () -> ()
    "tpu.region"() ({
      %run_scoped3A = tpu.sem_alloc : memref<!tpu.dma_semaphore, #tpu.memory_space<semaphore_mem>>
      %dma_start3A_157 = tpu.memref_slice %arg18[%mul3A_2] : memref<16384xi32, #tpu.memory_space<hbm>> -> memref<512xi32, #tpu.memory_space<hbm>>
      %dma_start3A_158 = tpu.memref_slice %arg18[%mul3A_2] : memref<16384xi32, #tpu.memory_space<hbm>> -> memref<512xi32, #tpu.memory_space<hbm>>
      tpu.enqueue_dma source(%dma_start3A_158 : memref<512xi32, #tpu.memory_space<hbm>>) target(%arg55 : memref<512xi32, #tpu.memory_space<vmem>>) target_semaphore(%run_scoped3A : memref<!tpu.dma_semaphore, #tpu.memory_space<semaphore_mem>>)
      %dma_wait3A_159 = tpu.memref_slice %arg18[%mul3A_2] : memref<16384xi32, #tpu.memory_space<hbm>> -> memref<512xi32, #tpu.memory_space<hbm>>
      %dma_wait3A_160 = tpu.memref_slice %arg18[%mul3A_2] : memref<16384xi32, #tpu.memory_space<hbm>> -> memref<512xi32, #tpu.memory_space<hbm>>
      tpu.wait_dma2 semaphore(%run_scoped3A : memref<!tpu.dma_semaphore, #tpu.memory_space<semaphore_mem>>) src(%dma_wait3A_160 : memref<512xi32, #tpu.memory_space<hbm>>) dst(%arg55 : memref<512xi32, #tpu.memory_space<vmem>>)
      tpu.yield
    }) : () -> ()
    %dma_start3A_49 = arith.constant 0 : i32
    %dma_start3A_50 = arith.constant 0 : i32
    %dma_start3A_51 = tpu.memref_slice %arg19[%dma_start3A_49, %dma_start3A_50] : memref<100000x16xf32, #tpu.memory_space<hbm>> -> memref<100000x16xf32, #tpu.memory_space<hbm>>
    tpu.enqueue_indirect_dma source(%dma_start3A_51 : memref<100000x16xf32, #tpu.memory_space<hbm>>) target(%arg56 : memref<512x16xf32, #tpu.memory_space<vmem>>) offsets(%arg55 : memref<512xi32, #tpu.memory_space<vmem>>) semaphore(%arg57 : memref<!tpu.dma_semaphore, #tpu.memory_space<semaphore_mem>>)
    %dma_wait3A_52 = arith.constant 0 : i32
    %dma_wait3A_53 = arith.constant 0 : i32
    %dma_wait3A_54 = tpu.memref_slice %arg19[%dma_wait3A_52, %dma_wait3A_53] : memref<100000x16xf32, #tpu.memory_space<hbm>> -> memref<100000x16xf32, #tpu.memory_space<hbm>>
    tpu.wait_indirect_dma semaphore(%arg57 : memref<!tpu.dma_semaphore, #tpu.memory_space<semaphore_mem>>) src(%dma_wait3A_54 : memref<100000x16xf32, #tpu.memory_space<hbm>>) dst(%arg56 : memref<512x16xf32, #tpu.memory_space<vmem>>)
    "tpu.region"() ({
      %run_scoped3A = tpu.sem_alloc : memref<!tpu.dma_semaphore, #tpu.memory_space<semaphore_mem>>
      %dma_start3A_157 = arith.constant 128 : i32
      %dma_start3A_158 = tpu.memref_slice %arg54[%mul3A_2, %dma_start3A_157] : memref<16384x416xf32, #tpu.memory_space<hbm>> -> memref<512x16xf32, #tpu.memory_space<hbm>>
      %dma_start3A_159 = arith.constant 128 : i32
      %dma_start3A_160 = tpu.memref_slice %arg54[%mul3A_2, %dma_start3A_159] : memref<16384x416xf32, #tpu.memory_space<hbm>> -> memref<512x16xf32, #tpu.memory_space<hbm>>
      tpu.enqueue_dma source(%arg56 : memref<512x16xf32, #tpu.memory_space<vmem>>) target(%dma_start3A_160 : memref<512x16xf32, #tpu.memory_space<hbm>>) target_semaphore(%run_scoped3A : memref<!tpu.dma_semaphore, #tpu.memory_space<semaphore_mem>>)
      %dma_wait3A_161 = arith.constant 128 : i32
      %dma_wait3A_162 = tpu.memref_slice %arg54[%mul3A_2, %dma_wait3A_161] : memref<16384x416xf32, #tpu.memory_space<hbm>> -> memref<512x16xf32, #tpu.memory_space<hbm>>
      %dma_wait3A_163 = arith.constant 128 : i32
      %dma_wait3A_164 = tpu.memref_slice %arg54[%mul3A_2, %dma_wait3A_163] : memref<16384x416xf32, #tpu.memory_space<hbm>> -> memref<512x16xf32, #tpu.memory_space<hbm>>
      tpu.wait_dma2 semaphore(%run_scoped3A : memref<!tpu.dma_semaphore, #tpu.memory_space<semaphore_mem>>) src(%arg56 : memref<512x16xf32, #tpu.memory_space<vmem>>) dst(%dma_wait3A_164 : memref<512x16xf32, #tpu.memory_space<hbm>>)
      tpu.yield
    }) : () -> ()
    "tpu.region"() ({
      %run_scoped3A = tpu.sem_alloc : memref<!tpu.dma_semaphore, #tpu.memory_space<semaphore_mem>>
      %dma_start3A_157 = tpu.memref_slice %arg20[%mul3A_2] : memref<16384xi32, #tpu.memory_space<hbm>> -> memref<512xi32, #tpu.memory_space<hbm>>
      %dma_start3A_158 = tpu.memref_slice %arg20[%mul3A_2] : memref<16384xi32, #tpu.memory_space<hbm>> -> memref<512xi32, #tpu.memory_space<hbm>>
      tpu.enqueue_dma source(%dma_start3A_158 : memref<512xi32, #tpu.memory_space<hbm>>) target(%arg55 : memref<512xi32, #tpu.memory_space<vmem>>) target_semaphore(%run_scoped3A : memref<!tpu.dma_semaphore, #tpu.memory_space<semaphore_mem>>)
      %dma_wait3A_159 = tpu.memref_slice %arg20[%mul3A_2] : memref<16384xi32, #tpu.memory_space<hbm>> -> memref<512xi32, #tpu.memory_space<hbm>>
      %dma_wait3A_160 = tpu.memref_slice %arg20[%mul3A_2] : memref<16384xi32, #tpu.memory_space<hbm>> -> memref<512xi32, #tpu.memory_space<hbm>>
      tpu.wait_dma2 semaphore(%run_scoped3A : memref<!tpu.dma_semaphore, #tpu.memory_space<semaphore_mem>>) src(%dma_wait3A_160 : memref<512xi32, #tpu.memory_space<hbm>>) dst(%arg55 : memref<512xi32, #tpu.memory_space<vmem>>)
      tpu.yield
    }) : () -> ()
    %dma_start3A_55 = arith.constant 0 : i32
    %dma_start3A_56 = arith.constant 0 : i32
    %dma_start3A_57 = tpu.memref_slice %arg21[%dma_start3A_55, %dma_start3A_56] : memref<100000x16xf32, #tpu.memory_space<hbm>> -> memref<100000x16xf32, #tpu.memory_space<hbm>>
    tpu.enqueue_indirect_dma source(%dma_start3A_57 : memref<100000x16xf32, #tpu.memory_space<hbm>>) target(%arg56 : memref<512x16xf32, #tpu.memory_space<vmem>>) offsets(%arg55 : memref<512xi32, #tpu.memory_space<vmem>>) semaphore(%arg57 : memref<!tpu.dma_semaphore, #tpu.memory_space<semaphore_mem>>)
    %dma_wait3A_58 = arith.constant 0 : i32
    %dma_wait3A_59 = arith.constant 0 : i32
    %dma_wait3A_60 = tpu.memref_slice %arg21[%dma_wait3A_58, %dma_wait3A_59] : memref<100000x16xf32, #tpu.memory_space<hbm>> -> memref<100000x16xf32, #tpu.memory_space<hbm>>
    tpu.wait_indirect_dma semaphore(%arg57 : memref<!tpu.dma_semaphore, #tpu.memory_space<semaphore_mem>>) src(%dma_wait3A_60 : memref<100000x16xf32, #tpu.memory_space<hbm>>) dst(%arg56 : memref<512x16xf32, #tpu.memory_space<vmem>>)
    "tpu.region"() ({
      %run_scoped3A = tpu.sem_alloc : memref<!tpu.dma_semaphore, #tpu.memory_space<semaphore_mem>>
      %dma_start3A_157 = arith.constant 144 : i32
      %dma_start3A_158 = tpu.memref_slice %arg54[%mul3A_2, %dma_start3A_157] : memref<16384x416xf32, #tpu.memory_space<hbm>> -> memref<512x16xf32, #tpu.memory_space<hbm>>
      %dma_start3A_159 = arith.constant 144 : i32
      %dma_start3A_160 = tpu.memref_slice %arg54[%mul3A_2, %dma_start3A_159] : memref<16384x416xf32, #tpu.memory_space<hbm>> -> memref<512x16xf32, #tpu.memory_space<hbm>>
      tpu.enqueue_dma source(%arg56 : memref<512x16xf32, #tpu.memory_space<vmem>>) target(%dma_start3A_160 : memref<512x16xf32, #tpu.memory_space<hbm>>) target_semaphore(%run_scoped3A : memref<!tpu.dma_semaphore, #tpu.memory_space<semaphore_mem>>)
      %dma_wait3A_161 = arith.constant 144 : i32
      %dma_wait3A_162 = tpu.memref_slice %arg54[%mul3A_2, %dma_wait3A_161] : memref<16384x416xf32, #tpu.memory_space<hbm>> -> memref<512x16xf32, #tpu.memory_space<hbm>>
      %dma_wait3A_163 = arith.constant 144 : i32
      %dma_wait3A_164 = tpu.memref_slice %arg54[%mul3A_2, %dma_wait3A_163] : memref<16384x416xf32, #tpu.memory_space<hbm>> -> memref<512x16xf32, #tpu.memory_space<hbm>>
      tpu.wait_dma2 semaphore(%run_scoped3A : memref<!tpu.dma_semaphore, #tpu.memory_space<semaphore_mem>>) src(%arg56 : memref<512x16xf32, #tpu.memory_space<vmem>>) dst(%dma_wait3A_164 : memref<512x16xf32, #tpu.memory_space<hbm>>)
      tpu.yield
    }) : () -> ()
    "tpu.region"() ({
      %run_scoped3A = tpu.sem_alloc : memref<!tpu.dma_semaphore, #tpu.memory_space<semaphore_mem>>
      %dma_start3A_157 = tpu.memref_slice %arg22[%mul3A_2] : memref<16384xi32, #tpu.memory_space<hbm>> -> memref<512xi32, #tpu.memory_space<hbm>>
      %dma_start3A_158 = tpu.memref_slice %arg22[%mul3A_2] : memref<16384xi32, #tpu.memory_space<hbm>> -> memref<512xi32, #tpu.memory_space<hbm>>
      tpu.enqueue_dma source(%dma_start3A_158 : memref<512xi32, #tpu.memory_space<hbm>>) target(%arg55 : memref<512xi32, #tpu.memory_space<vmem>>) target_semaphore(%run_scoped3A : memref<!tpu.dma_semaphore, #tpu.memory_space<semaphore_mem>>)
      %dma_wait3A_159 = tpu.memref_slice %arg22[%mul3A_2] : memref<16384xi32, #tpu.memory_space<hbm>> -> memref<512xi32, #tpu.memory_space<hbm>>
      %dma_wait3A_160 = tpu.memref_slice %arg22[%mul3A_2] : memref<16384xi32, #tpu.memory_space<hbm>> -> memref<512xi32, #tpu.memory_space<hbm>>
      tpu.wait_dma2 semaphore(%run_scoped3A : memref<!tpu.dma_semaphore, #tpu.memory_space<semaphore_mem>>) src(%dma_wait3A_160 : memref<512xi32, #tpu.memory_space<hbm>>) dst(%arg55 : memref<512xi32, #tpu.memory_space<vmem>>)
      tpu.yield
    }) : () -> ()
    %dma_start3A_61 = arith.constant 0 : i32
    %dma_start3A_62 = arith.constant 0 : i32
    %dma_start3A_63 = tpu.memref_slice %arg23[%dma_start3A_61, %dma_start3A_62] : memref<100000x16xf32, #tpu.memory_space<hbm>> -> memref<100000x16xf32, #tpu.memory_space<hbm>>
    tpu.enqueue_indirect_dma source(%dma_start3A_63 : memref<100000x16xf32, #tpu.memory_space<hbm>>) target(%arg56 : memref<512x16xf32, #tpu.memory_space<vmem>>) offsets(%arg55 : memref<512xi32, #tpu.memory_space<vmem>>) semaphore(%arg57 : memref<!tpu.dma_semaphore, #tpu.memory_space<semaphore_mem>>)
    %dma_wait3A_64 = arith.constant 0 : i32
    %dma_wait3A_65 = arith.constant 0 : i32
    %dma_wait3A_66 = tpu.memref_slice %arg23[%dma_wait3A_64, %dma_wait3A_65] : memref<100000x16xf32, #tpu.memory_space<hbm>> -> memref<100000x16xf32, #tpu.memory_space<hbm>>
    tpu.wait_indirect_dma semaphore(%arg57 : memref<!tpu.dma_semaphore, #tpu.memory_space<semaphore_mem>>) src(%dma_wait3A_66 : memref<100000x16xf32, #tpu.memory_space<hbm>>) dst(%arg56 : memref<512x16xf32, #tpu.memory_space<vmem>>)
    "tpu.region"() ({
      %run_scoped3A = tpu.sem_alloc : memref<!tpu.dma_semaphore, #tpu.memory_space<semaphore_mem>>
      %dma_start3A_157 = arith.constant 160 : i32
      %dma_start3A_158 = tpu.memref_slice %arg54[%mul3A_2, %dma_start3A_157] : memref<16384x416xf32, #tpu.memory_space<hbm>> -> memref<512x16xf32, #tpu.memory_space<hbm>>
      %dma_start3A_159 = arith.constant 160 : i32
      %dma_start3A_160 = tpu.memref_slice %arg54[%mul3A_2, %dma_start3A_159] : memref<16384x416xf32, #tpu.memory_space<hbm>> -> memref<512x16xf32, #tpu.memory_space<hbm>>
      tpu.enqueue_dma source(%arg56 : memref<512x16xf32, #tpu.memory_space<vmem>>) target(%dma_start3A_160 : memref<512x16xf32, #tpu.memory_space<hbm>>) target_semaphore(%run_scoped3A : memref<!tpu.dma_semaphore, #tpu.memory_space<semaphore_mem>>)
      %dma_wait3A_161 = arith.constant 160 : i32
      %dma_wait3A_162 = tpu.memref_slice %arg54[%mul3A_2, %dma_wait3A_161] : memref<16384x416xf32, #tpu.memory_space<hbm>> -> memref<512x16xf32, #tpu.memory_space<hbm>>
      %dma_wait3A_163 = arith.constant 160 : i32
      %dma_wait3A_164 = tpu.memref_slice %arg54[%mul3A_2, %dma_wait3A_163] : memref<16384x416xf32, #tpu.memory_space<hbm>> -> memref<512x16xf32, #tpu.memory_space<hbm>>
      tpu.wait_dma2 semaphore(%run_scoped3A : memref<!tpu.dma_semaphore, #tpu.memory_space<semaphore_mem>>) src(%arg56 : memref<512x16xf32, #tpu.memory_space<vmem>>) dst(%dma_wait3A_164 : memref<512x16xf32, #tpu.memory_space<hbm>>)
      tpu.yield
    }) : () -> ()
    "tpu.region"() ({
      %run_scoped3A = tpu.sem_alloc : memref<!tpu.dma_semaphore, #tpu.memory_space<semaphore_mem>>
      %dma_start3A_157 = tpu.memref_slice %arg24[%mul3A_2] : memref<16384xi32, #tpu.memory_space<hbm>> -> memref<512xi32, #tpu.memory_space<hbm>>
      %dma_start3A_158 = tpu.memref_slice %arg24[%mul3A_2] : memref<16384xi32, #tpu.memory_space<hbm>> -> memref<512xi32, #tpu.memory_space<hbm>>
      tpu.enqueue_dma source(%dma_start3A_158 : memref<512xi32, #tpu.memory_space<hbm>>) target(%arg55 : memref<512xi32, #tpu.memory_space<vmem>>) target_semaphore(%run_scoped3A : memref<!tpu.dma_semaphore, #tpu.memory_space<semaphore_mem>>)
      %dma_wait3A_159 = tpu.memref_slice %arg24[%mul3A_2] : memref<16384xi32, #tpu.memory_space<hbm>> -> memref<512xi32, #tpu.memory_space<hbm>>
      %dma_wait3A_160 = tpu.memref_slice %arg24[%mul3A_2] : memref<16384xi32, #tpu.memory_space<hbm>> -> memref<512xi32, #tpu.memory_space<hbm>>
      tpu.wait_dma2 semaphore(%run_scoped3A : memref<!tpu.dma_semaphore, #tpu.memory_space<semaphore_mem>>) src(%dma_wait3A_160 : memref<512xi32, #tpu.memory_space<hbm>>) dst(%arg55 : memref<512xi32, #tpu.memory_space<vmem>>)
      tpu.yield
    }) : () -> ()
    %dma_start3A_67 = arith.constant 0 : i32
    %dma_start3A_68 = arith.constant 0 : i32
    %dma_start3A_69 = tpu.memref_slice %arg25[%dma_start3A_67, %dma_start3A_68] : memref<100000x16xf32, #tpu.memory_space<hbm>> -> memref<100000x16xf32, #tpu.memory_space<hbm>>
    tpu.enqueue_indirect_dma source(%dma_start3A_69 : memref<100000x16xf32, #tpu.memory_space<hbm>>) target(%arg56 : memref<512x16xf32, #tpu.memory_space<vmem>>) offsets(%arg55 : memref<512xi32, #tpu.memory_space<vmem>>) semaphore(%arg57 : memref<!tpu.dma_semaphore, #tpu.memory_space<semaphore_mem>>)
    %dma_wait3A_70 = arith.constant 0 : i32
    %dma_wait3A_71 = arith.constant 0 : i32
    %dma_wait3A_72 = tpu.memref_slice %arg25[%dma_wait3A_70, %dma_wait3A_71] : memref<100000x16xf32, #tpu.memory_space<hbm>> -> memref<100000x16xf32, #tpu.memory_space<hbm>>
    tpu.wait_indirect_dma semaphore(%arg57 : memref<!tpu.dma_semaphore, #tpu.memory_space<semaphore_mem>>) src(%dma_wait3A_72 : memref<100000x16xf32, #tpu.memory_space<hbm>>) dst(%arg56 : memref<512x16xf32, #tpu.memory_space<vmem>>)
    "tpu.region"() ({
      %run_scoped3A = tpu.sem_alloc : memref<!tpu.dma_semaphore, #tpu.memory_space<semaphore_mem>>
      %dma_start3A_157 = arith.constant 176 : i32
      %dma_start3A_158 = tpu.memref_slice %arg54[%mul3A_2, %dma_start3A_157] : memref<16384x416xf32, #tpu.memory_space<hbm>> -> memref<512x16xf32, #tpu.memory_space<hbm>>
      %dma_start3A_159 = arith.constant 176 : i32
      %dma_start3A_160 = tpu.memref_slice %arg54[%mul3A_2, %dma_start3A_159] : memref<16384x416xf32, #tpu.memory_space<hbm>> -> memref<512x16xf32, #tpu.memory_space<hbm>>
      tpu.enqueue_dma source(%arg56 : memref<512x16xf32, #tpu.memory_space<vmem>>) target(%dma_start3A_160 : memref<512x16xf32, #tpu.memory_space<hbm>>) target_semaphore(%run_scoped3A : memref<!tpu.dma_semaphore, #tpu.memory_space<semaphore_mem>>)
      %dma_wait3A_161 = arith.constant 176 : i32
      %dma_wait3A_162 = tpu.memref_slice %arg54[%mul3A_2, %dma_wait3A_161] : memref<16384x416xf32, #tpu.memory_space<hbm>> -> memref<512x16xf32, #tpu.memory_space<hbm>>
      %dma_wait3A_163 = arith.constant 176 : i32
      %dma_wait3A_164 = tpu.memref_slice %arg54[%mul3A_2, %dma_wait3A_163] : memref<16384x416xf32, #tpu.memory_space<hbm>> -> memref<512x16xf32, #tpu.memory_space<hbm>>
      tpu.wait_dma2 semaphore(%run_scoped3A : memref<!tpu.dma_semaphore, #tpu.memory_space<semaphore_mem>>) src(%arg56 : memref<512x16xf32, #tpu.memory_space<vmem>>) dst(%dma_wait3A_164 : memref<512x16xf32, #tpu.memory_space<hbm>>)
      tpu.yield
    }) : () -> ()
    "tpu.region"() ({
      %run_scoped3A = tpu.sem_alloc : memref<!tpu.dma_semaphore, #tpu.memory_space<semaphore_mem>>
      %dma_start3A_157 = tpu.memref_slice %arg26[%mul3A_2] : memref<16384xi32, #tpu.memory_space<hbm>> -> memref<512xi32, #tpu.memory_space<hbm>>
      %dma_start3A_158 = tpu.memref_slice %arg26[%mul3A_2] : memref<16384xi32, #tpu.memory_space<hbm>> -> memref<512xi32, #tpu.memory_space<hbm>>
      tpu.enqueue_dma source(%dma_start3A_158 : memref<512xi32, #tpu.memory_space<hbm>>) target(%arg55 : memref<512xi32, #tpu.memory_space<vmem>>) target_semaphore(%run_scoped3A : memref<!tpu.dma_semaphore, #tpu.memory_space<semaphore_mem>>)
      %dma_wait3A_159 = tpu.memref_slice %arg26[%mul3A_2] : memref<16384xi32, #tpu.memory_space<hbm>> -> memref<512xi32, #tpu.memory_space<hbm>>
      %dma_wait3A_160 = tpu.memref_slice %arg26[%mul3A_2] : memref<16384xi32, #tpu.memory_space<hbm>> -> memref<512xi32, #tpu.memory_space<hbm>>
      tpu.wait_dma2 semaphore(%run_scoped3A : memref<!tpu.dma_semaphore, #tpu.memory_space<semaphore_mem>>) src(%dma_wait3A_160 : memref<512xi32, #tpu.memory_space<hbm>>) dst(%arg55 : memref<512xi32, #tpu.memory_space<vmem>>)
      tpu.yield
    }) : () -> ()
    %dma_start3A_73 = arith.constant 0 : i32
    %dma_start3A_74 = arith.constant 0 : i32
    %dma_start3A_75 = tpu.memref_slice %arg27[%dma_start3A_73, %dma_start3A_74] : memref<100000x16xf32, #tpu.memory_space<hbm>> -> memref<100000x16xf32, #tpu.memory_space<hbm>>
    tpu.enqueue_indirect_dma source(%dma_start3A_75 : memref<100000x16xf32, #tpu.memory_space<hbm>>) target(%arg56 : memref<512x16xf32, #tpu.memory_space<vmem>>) offsets(%arg55 : memref<512xi32, #tpu.memory_space<vmem>>) semaphore(%arg57 : memref<!tpu.dma_semaphore, #tpu.memory_space<semaphore_mem>>)
    %dma_wait3A_76 = arith.constant 0 : i32
    %dma_wait3A_77 = arith.constant 0 : i32
    %dma_wait3A_78 = tpu.memref_slice %arg27[%dma_wait3A_76, %dma_wait3A_77] : memref<100000x16xf32, #tpu.memory_space<hbm>> -> memref<100000x16xf32, #tpu.memory_space<hbm>>
    tpu.wait_indirect_dma semaphore(%arg57 : memref<!tpu.dma_semaphore, #tpu.memory_space<semaphore_mem>>) src(%dma_wait3A_78 : memref<100000x16xf32, #tpu.memory_space<hbm>>) dst(%arg56 : memref<512x16xf32, #tpu.memory_space<vmem>>)
    "tpu.region"() ({
      %run_scoped3A = tpu.sem_alloc : memref<!tpu.dma_semaphore, #tpu.memory_space<semaphore_mem>>
      %dma_start3A_157 = arith.constant 192 : i32
      %dma_start3A_158 = tpu.memref_slice %arg54[%mul3A_2, %dma_start3A_157] : memref<16384x416xf32, #tpu.memory_space<hbm>> -> memref<512x16xf32, #tpu.memory_space<hbm>>
      %dma_start3A_159 = arith.constant 192 : i32
      %dma_start3A_160 = tpu.memref_slice %arg54[%mul3A_2, %dma_start3A_159] : memref<16384x416xf32, #tpu.memory_space<hbm>> -> memref<512x16xf32, #tpu.memory_space<hbm>>
      tpu.enqueue_dma source(%arg56 : memref<512x16xf32, #tpu.memory_space<vmem>>) target(%dma_start3A_160 : memref<512x16xf32, #tpu.memory_space<hbm>>) target_semaphore(%run_scoped3A : memref<!tpu.dma_semaphore, #tpu.memory_space<semaphore_mem>>)
      %dma_wait3A_161 = arith.constant 192 : i32
      %dma_wait3A_162 = tpu.memref_slice %arg54[%mul3A_2, %dma_wait3A_161] : memref<16384x416xf32, #tpu.memory_space<hbm>> -> memref<512x16xf32, #tpu.memory_space<hbm>>
      %dma_wait3A_163 = arith.constant 192 : i32
      %dma_wait3A_164 = tpu.memref_slice %arg54[%mul3A_2, %dma_wait3A_163] : memref<16384x416xf32, #tpu.memory_space<hbm>> -> memref<512x16xf32, #tpu.memory_space<hbm>>
      tpu.wait_dma2 semaphore(%run_scoped3A : memref<!tpu.dma_semaphore, #tpu.memory_space<semaphore_mem>>) src(%arg56 : memref<512x16xf32, #tpu.memory_space<vmem>>) dst(%dma_wait3A_164 : memref<512x16xf32, #tpu.memory_space<hbm>>)
      tpu.yield
    }) : () -> ()
    "tpu.region"() ({
      %run_scoped3A = tpu.sem_alloc : memref<!tpu.dma_semaphore, #tpu.memory_space<semaphore_mem>>
      %dma_start3A_157 = tpu.memref_slice %arg28[%mul3A_2] : memref<16384xi32, #tpu.memory_space<hbm>> -> memref<512xi32, #tpu.memory_space<hbm>>
      %dma_start3A_158 = tpu.memref_slice %arg28[%mul3A_2] : memref<16384xi32, #tpu.memory_space<hbm>> -> memref<512xi32, #tpu.memory_space<hbm>>
      tpu.enqueue_dma source(%dma_start3A_158 : memref<512xi32, #tpu.memory_space<hbm>>) target(%arg55 : memref<512xi32, #tpu.memory_space<vmem>>) target_semaphore(%run_scoped3A : memref<!tpu.dma_semaphore, #tpu.memory_space<semaphore_mem>>)
      %dma_wait3A_159 = tpu.memref_slice %arg28[%mul3A_2] : memref<16384xi32, #tpu.memory_space<hbm>> -> memref<512xi32, #tpu.memory_space<hbm>>
      %dma_wait3A_160 = tpu.memref_slice %arg28[%mul3A_2] : memref<16384xi32, #tpu.memory_space<hbm>> -> memref<512xi32, #tpu.memory_space<hbm>>
      tpu.wait_dma2 semaphore(%run_scoped3A : memref<!tpu.dma_semaphore, #tpu.memory_space<semaphore_mem>>) src(%dma_wait3A_160 : memref<512xi32, #tpu.memory_space<hbm>>) dst(%arg55 : memref<512xi32, #tpu.memory_space<vmem>>)
      tpu.yield
    }) : () -> ()
    %dma_start3A_79 = arith.constant 0 : i32
    %dma_start3A_80 = arith.constant 0 : i32
    %dma_start3A_81 = tpu.memref_slice %arg29[%dma_start3A_79, %dma_start3A_80] : memref<100000x16xf32, #tpu.memory_space<hbm>> -> memref<100000x16xf32, #tpu.memory_space<hbm>>
    tpu.enqueue_indirect_dma source(%dma_start3A_81 : memref<100000x16xf32, #tpu.memory_space<hbm>>) target(%arg56 : memref<512x16xf32, #tpu.memory_space<vmem>>) offsets(%arg55 : memref<512xi32, #tpu.memory_space<vmem>>) semaphore(%arg57 : memref<!tpu.dma_semaphore, #tpu.memory_space<semaphore_mem>>)
    %dma_wait3A_82 = arith.constant 0 : i32
    %dma_wait3A_83 = arith.constant 0 : i32
    %dma_wait3A_84 = tpu.memref_slice %arg29[%dma_wait3A_82, %dma_wait3A_83] : memref<100000x16xf32, #tpu.memory_space<hbm>> -> memref<100000x16xf32, #tpu.memory_space<hbm>>
    tpu.wait_indirect_dma semaphore(%arg57 : memref<!tpu.dma_semaphore, #tpu.memory_space<semaphore_mem>>) src(%dma_wait3A_84 : memref<100000x16xf32, #tpu.memory_space<hbm>>) dst(%arg56 : memref<512x16xf32, #tpu.memory_space<vmem>>)
    "tpu.region"() ({
      %run_scoped3A = tpu.sem_alloc : memref<!tpu.dma_semaphore, #tpu.memory_space<semaphore_mem>>
      %dma_start3A_157 = arith.constant 208 : i32
      %dma_start3A_158 = tpu.memref_slice %arg54[%mul3A_2, %dma_start3A_157] : memref<16384x416xf32, #tpu.memory_space<hbm>> -> memref<512x16xf32, #tpu.memory_space<hbm>>
      %dma_start3A_159 = arith.constant 208 : i32
      %dma_start3A_160 = tpu.memref_slice %arg54[%mul3A_2, %dma_start3A_159] : memref<16384x416xf32, #tpu.memory_space<hbm>> -> memref<512x16xf32, #tpu.memory_space<hbm>>
      tpu.enqueue_dma source(%arg56 : memref<512x16xf32, #tpu.memory_space<vmem>>) target(%dma_start3A_160 : memref<512x16xf32, #tpu.memory_space<hbm>>) target_semaphore(%run_scoped3A : memref<!tpu.dma_semaphore, #tpu.memory_space<semaphore_mem>>)
      %dma_wait3A_161 = arith.constant 208 : i32
      %dma_wait3A_162 = tpu.memref_slice %arg54[%mul3A_2, %dma_wait3A_161] : memref<16384x416xf32, #tpu.memory_space<hbm>> -> memref<512x16xf32, #tpu.memory_space<hbm>>
      %dma_wait3A_163 = arith.constant 208 : i32
      %dma_wait3A_164 = tpu.memref_slice %arg54[%mul3A_2, %dma_wait3A_163] : memref<16384x416xf32, #tpu.memory_space<hbm>> -> memref<512x16xf32, #tpu.memory_space<hbm>>
      tpu.wait_dma2 semaphore(%run_scoped3A : memref<!tpu.dma_semaphore, #tpu.memory_space<semaphore_mem>>) src(%arg56 : memref<512x16xf32, #tpu.memory_space<vmem>>) dst(%dma_wait3A_164 : memref<512x16xf32, #tpu.memory_space<hbm>>)
      tpu.yield
    }) : () -> ()
    "tpu.region"() ({
      %run_scoped3A = tpu.sem_alloc : memref<!tpu.dma_semaphore, #tpu.memory_space<semaphore_mem>>
      %dma_start3A_157 = tpu.memref_slice %arg30[%mul3A_2] : memref<16384xi32, #tpu.memory_space<hbm>> -> memref<512xi32, #tpu.memory_space<hbm>>
      %dma_start3A_158 = tpu.memref_slice %arg30[%mul3A_2] : memref<16384xi32, #tpu.memory_space<hbm>> -> memref<512xi32, #tpu.memory_space<hbm>>
      tpu.enqueue_dma source(%dma_start3A_158 : memref<512xi32, #tpu.memory_space<hbm>>) target(%arg55 : memref<512xi32, #tpu.memory_space<vmem>>) target_semaphore(%run_scoped3A : memref<!tpu.dma_semaphore, #tpu.memory_space<semaphore_mem>>)
      %dma_wait3A_159 = tpu.memref_slice %arg30[%mul3A_2] : memref<16384xi32, #tpu.memory_space<hbm>> -> memref<512xi32, #tpu.memory_space<hbm>>
      %dma_wait3A_160 = tpu.memref_slice %arg30[%mul3A_2] : memref<16384xi32, #tpu.memory_space<hbm>> -> memref<512xi32, #tpu.memory_space<hbm>>
      tpu.wait_dma2 semaphore(%run_scoped3A : memref<!tpu.dma_semaphore, #tpu.memory_space<semaphore_mem>>) src(%dma_wait3A_160 : memref<512xi32, #tpu.memory_space<hbm>>) dst(%arg55 : memref<512xi32, #tpu.memory_space<vmem>>)
      tpu.yield
    }) : () -> ()
    %dma_start3A_85 = arith.constant 0 : i32
    %dma_start3A_86 = arith.constant 0 : i32
    %dma_start3A_87 = tpu.memref_slice %arg31[%dma_start3A_85, %dma_start3A_86] : memref<100000x16xf32, #tpu.memory_space<hbm>> -> memref<100000x16xf32, #tpu.memory_space<hbm>>
    tpu.enqueue_indirect_dma source(%dma_start3A_87 : memref<100000x16xf32, #tpu.memory_space<hbm>>) target(%arg56 : memref<512x16xf32, #tpu.memory_space<vmem>>) offsets(%arg55 : memref<512xi32, #tpu.memory_space<vmem>>) semaphore(%arg57 : memref<!tpu.dma_semaphore, #tpu.memory_space<semaphore_mem>>)
    %dma_wait3A_88 = arith.constant 0 : i32
    %dma_wait3A_89 = arith.constant 0 : i32
    %dma_wait3A_90 = tpu.memref_slice %arg31[%dma_wait3A_88, %dma_wait3A_89] : memref<100000x16xf32, #tpu.memory_space<hbm>> -> memref<100000x16xf32, #tpu.memory_space<hbm>>
    tpu.wait_indirect_dma semaphore(%arg57 : memref<!tpu.dma_semaphore, #tpu.memory_space<semaphore_mem>>) src(%dma_wait3A_90 : memref<100000x16xf32, #tpu.memory_space<hbm>>) dst(%arg56 : memref<512x16xf32, #tpu.memory_space<vmem>>)
    "tpu.region"() ({
      %run_scoped3A = tpu.sem_alloc : memref<!tpu.dma_semaphore, #tpu.memory_space<semaphore_mem>>
      %dma_start3A_157 = arith.constant 224 : i32
      %dma_start3A_158 = tpu.memref_slice %arg54[%mul3A_2, %dma_start3A_157] : memref<16384x416xf32, #tpu.memory_space<hbm>> -> memref<512x16xf32, #tpu.memory_space<hbm>>
      %dma_start3A_159 = arith.constant 224 : i32
      %dma_start3A_160 = tpu.memref_slice %arg54[%mul3A_2, %dma_start3A_159] : memref<16384x416xf32, #tpu.memory_space<hbm>> -> memref<512x16xf32, #tpu.memory_space<hbm>>
      tpu.enqueue_dma source(%arg56 : memref<512x16xf32, #tpu.memory_space<vmem>>) target(%dma_start3A_160 : memref<512x16xf32, #tpu.memory_space<hbm>>) target_semaphore(%run_scoped3A : memref<!tpu.dma_semaphore, #tpu.memory_space<semaphore_mem>>)
      %dma_wait3A_161 = arith.constant 224 : i32
      %dma_wait3A_162 = tpu.memref_slice %arg54[%mul3A_2, %dma_wait3A_161] : memref<16384x416xf32, #tpu.memory_space<hbm>> -> memref<512x16xf32, #tpu.memory_space<hbm>>
      %dma_wait3A_163 = arith.constant 224 : i32
      %dma_wait3A_164 = tpu.memref_slice %arg54[%mul3A_2, %dma_wait3A_163] : memref<16384x416xf32, #tpu.memory_space<hbm>> -> memref<512x16xf32, #tpu.memory_space<hbm>>
      tpu.wait_dma2 semaphore(%run_scoped3A : memref<!tpu.dma_semaphore, #tpu.memory_space<semaphore_mem>>) src(%arg56 : memref<512x16xf32, #tpu.memory_space<vmem>>) dst(%dma_wait3A_164 : memref<512x16xf32, #tpu.memory_space<hbm>>)
      tpu.yield
    }) : () -> ()
    "tpu.region"() ({
      %run_scoped3A = tpu.sem_alloc : memref<!tpu.dma_semaphore, #tpu.memory_space<semaphore_mem>>
      %dma_start3A_157 = tpu.memref_slice %arg32[%mul3A_2] : memref<16384xi32, #tpu.memory_space<hbm>> -> memref<512xi32, #tpu.memory_space<hbm>>
      %dma_start3A_158 = tpu.memref_slice %arg32[%mul3A_2] : memref<16384xi32, #tpu.memory_space<hbm>> -> memref<512xi32, #tpu.memory_space<hbm>>
      tpu.enqueue_dma source(%dma_start3A_158 : memref<512xi32, #tpu.memory_space<hbm>>) target(%arg55 : memref<512xi32, #tpu.memory_space<vmem>>) target_semaphore(%run_scoped3A : memref<!tpu.dma_semaphore, #tpu.memory_space<semaphore_mem>>)
      %dma_wait3A_159 = tpu.memref_slice %arg32[%mul3A_2] : memref<16384xi32, #tpu.memory_space<hbm>> -> memref<512xi32, #tpu.memory_space<hbm>>
      %dma_wait3A_160 = tpu.memref_slice %arg32[%mul3A_2] : memref<16384xi32, #tpu.memory_space<hbm>> -> memref<512xi32, #tpu.memory_space<hbm>>
      tpu.wait_dma2 semaphore(%run_scoped3A : memref<!tpu.dma_semaphore, #tpu.memory_space<semaphore_mem>>) src(%dma_wait3A_160 : memref<512xi32, #tpu.memory_space<hbm>>) dst(%arg55 : memref<512xi32, #tpu.memory_space<vmem>>)
      tpu.yield
    }) : () -> ()
    %dma_start3A_91 = arith.constant 0 : i32
    %dma_start3A_92 = arith.constant 0 : i32
    %dma_start3A_93 = tpu.memref_slice %arg33[%dma_start3A_91, %dma_start3A_92] : memref<100000x16xf32, #tpu.memory_space<hbm>> -> memref<100000x16xf32, #tpu.memory_space<hbm>>
    tpu.enqueue_indirect_dma source(%dma_start3A_93 : memref<100000x16xf32, #tpu.memory_space<hbm>>) target(%arg56 : memref<512x16xf32, #tpu.memory_space<vmem>>) offsets(%arg55 : memref<512xi32, #tpu.memory_space<vmem>>) semaphore(%arg57 : memref<!tpu.dma_semaphore, #tpu.memory_space<semaphore_mem>>)
    %dma_wait3A_94 = arith.constant 0 : i32
    %dma_wait3A_95 = arith.constant 0 : i32
    %dma_wait3A_96 = tpu.memref_slice %arg33[%dma_wait3A_94, %dma_wait3A_95] : memref<100000x16xf32, #tpu.memory_space<hbm>> -> memref<100000x16xf32, #tpu.memory_space<hbm>>
    tpu.wait_indirect_dma semaphore(%arg57 : memref<!tpu.dma_semaphore, #tpu.memory_space<semaphore_mem>>) src(%dma_wait3A_96 : memref<100000x16xf32, #tpu.memory_space<hbm>>) dst(%arg56 : memref<512x16xf32, #tpu.memory_space<vmem>>)
    "tpu.region"() ({
      %run_scoped3A = tpu.sem_alloc : memref<!tpu.dma_semaphore, #tpu.memory_space<semaphore_mem>>
      %dma_start3A_157 = arith.constant 240 : i32
      %dma_start3A_158 = tpu.memref_slice %arg54[%mul3A_2, %dma_start3A_157] : memref<16384x416xf32, #tpu.memory_space<hbm>> -> memref<512x16xf32, #tpu.memory_space<hbm>>
      %dma_start3A_159 = arith.constant 240 : i32
      %dma_start3A_160 = tpu.memref_slice %arg54[%mul3A_2, %dma_start3A_159] : memref<16384x416xf32, #tpu.memory_space<hbm>> -> memref<512x16xf32, #tpu.memory_space<hbm>>
      tpu.enqueue_dma source(%arg56 : memref<512x16xf32, #tpu.memory_space<vmem>>) target(%dma_start3A_160 : memref<512x16xf32, #tpu.memory_space<hbm>>) target_semaphore(%run_scoped3A : memref<!tpu.dma_semaphore, #tpu.memory_space<semaphore_mem>>)
      %dma_wait3A_161 = arith.constant 240 : i32
      %dma_wait3A_162 = tpu.memref_slice %arg54[%mul3A_2, %dma_wait3A_161] : memref<16384x416xf32, #tpu.memory_space<hbm>> -> memref<512x16xf32, #tpu.memory_space<hbm>>
      %dma_wait3A_163 = arith.constant 240 : i32
      %dma_wait3A_164 = tpu.memref_slice %arg54[%mul3A_2, %dma_wait3A_163] : memref<16384x416xf32, #tpu.memory_space<hbm>> -> memref<512x16xf32, #tpu.memory_space<hbm>>
      tpu.wait_dma2 semaphore(%run_scoped3A : memref<!tpu.dma_semaphore, #tpu.memory_space<semaphore_mem>>) src(%arg56 : memref<512x16xf32, #tpu.memory_space<vmem>>) dst(%dma_wait3A_164 : memref<512x16xf32, #tpu.memory_space<hbm>>)
      tpu.yield
    }) : () -> ()
    "tpu.region"() ({
      %run_scoped3A = tpu.sem_alloc : memref<!tpu.dma_semaphore, #tpu.memory_space<semaphore_mem>>
      %dma_start3A_157 = tpu.memref_slice %arg34[%mul3A_2] : memref<16384xi32, #tpu.memory_space<hbm>> -> memref<512xi32, #tpu.memory_space<hbm>>
      %dma_start3A_158 = tpu.memref_slice %arg34[%mul3A_2] : memref<16384xi32, #tpu.memory_space<hbm>> -> memref<512xi32, #tpu.memory_space<hbm>>
      tpu.enqueue_dma source(%dma_start3A_158 : memref<512xi32, #tpu.memory_space<hbm>>) target(%arg55 : memref<512xi32, #tpu.memory_space<vmem>>) target_semaphore(%run_scoped3A : memref<!tpu.dma_semaphore, #tpu.memory_space<semaphore_mem>>)
      %dma_wait3A_159 = tpu.memref_slice %arg34[%mul3A_2] : memref<16384xi32, #tpu.memory_space<hbm>> -> memref<512xi32, #tpu.memory_space<hbm>>
      %dma_wait3A_160 = tpu.memref_slice %arg34[%mul3A_2] : memref<16384xi32, #tpu.memory_space<hbm>> -> memref<512xi32, #tpu.memory_space<hbm>>
      tpu.wait_dma2 semaphore(%run_scoped3A : memref<!tpu.dma_semaphore, #tpu.memory_space<semaphore_mem>>) src(%dma_wait3A_160 : memref<512xi32, #tpu.memory_space<hbm>>) dst(%arg55 : memref<512xi32, #tpu.memory_space<vmem>>)
      tpu.yield
    }) : () -> ()
    %dma_start3A_97 = arith.constant 0 : i32
    %dma_start3A_98 = arith.constant 0 : i32
    %dma_start3A_99 = tpu.memref_slice %arg35[%dma_start3A_97, %dma_start3A_98] : memref<100000x16xf32, #tpu.memory_space<hbm>> -> memref<100000x16xf32, #tpu.memory_space<hbm>>
    tpu.enqueue_indirect_dma source(%dma_start3A_99 : memref<100000x16xf32, #tpu.memory_space<hbm>>) target(%arg56 : memref<512x16xf32, #tpu.memory_space<vmem>>) offsets(%arg55 : memref<512xi32, #tpu.memory_space<vmem>>) semaphore(%arg57 : memref<!tpu.dma_semaphore, #tpu.memory_space<semaphore_mem>>)
    %dma_wait3A_100 = arith.constant 0 : i32
    %dma_wait3A_101 = arith.constant 0 : i32
    %dma_wait3A_102 = tpu.memref_slice %arg35[%dma_wait3A_100, %dma_wait3A_101] : memref<100000x16xf32, #tpu.memory_space<hbm>> -> memref<100000x16xf32, #tpu.memory_space<hbm>>
    tpu.wait_indirect_dma semaphore(%arg57 : memref<!tpu.dma_semaphore, #tpu.memory_space<semaphore_mem>>) src(%dma_wait3A_102 : memref<100000x16xf32, #tpu.memory_space<hbm>>) dst(%arg56 : memref<512x16xf32, #tpu.memory_space<vmem>>)
    "tpu.region"() ({
      %run_scoped3A = tpu.sem_alloc : memref<!tpu.dma_semaphore, #tpu.memory_space<semaphore_mem>>
      %dma_start3A_157 = arith.constant 256 : i32
      %dma_start3A_158 = tpu.memref_slice %arg54[%mul3A_2, %dma_start3A_157] : memref<16384x416xf32, #tpu.memory_space<hbm>> -> memref<512x16xf32, #tpu.memory_space<hbm>>
      %dma_start3A_159 = arith.constant 256 : i32
      %dma_start3A_160 = tpu.memref_slice %arg54[%mul3A_2, %dma_start3A_159] : memref<16384x416xf32, #tpu.memory_space<hbm>> -> memref<512x16xf32, #tpu.memory_space<hbm>>
      tpu.enqueue_dma source(%arg56 : memref<512x16xf32, #tpu.memory_space<vmem>>) target(%dma_start3A_160 : memref<512x16xf32, #tpu.memory_space<hbm>>) target_semaphore(%run_scoped3A : memref<!tpu.dma_semaphore, #tpu.memory_space<semaphore_mem>>)
      %dma_wait3A_161 = arith.constant 256 : i32
      %dma_wait3A_162 = tpu.memref_slice %arg54[%mul3A_2, %dma_wait3A_161] : memref<16384x416xf32, #tpu.memory_space<hbm>> -> memref<512x16xf32, #tpu.memory_space<hbm>>
      %dma_wait3A_163 = arith.constant 256 : i32
      %dma_wait3A_164 = tpu.memref_slice %arg54[%mul3A_2, %dma_wait3A_163] : memref<16384x416xf32, #tpu.memory_space<hbm>> -> memref<512x16xf32, #tpu.memory_space<hbm>>
      tpu.wait_dma2 semaphore(%run_scoped3A : memref<!tpu.dma_semaphore, #tpu.memory_space<semaphore_mem>>) src(%arg56 : memref<512x16xf32, #tpu.memory_space<vmem>>) dst(%dma_wait3A_164 : memref<512x16xf32, #tpu.memory_space<hbm>>)
      tpu.yield
    }) : () -> ()
    "tpu.region"() ({
      %run_scoped3A = tpu.sem_alloc : memref<!tpu.dma_semaphore, #tpu.memory_space<semaphore_mem>>
      %dma_start3A_157 = tpu.memref_slice %arg36[%mul3A_2] : memref<16384xi32, #tpu.memory_space<hbm>> -> memref<512xi32, #tpu.memory_space<hbm>>
      %dma_start3A_158 = tpu.memref_slice %arg36[%mul3A_2] : memref<16384xi32, #tpu.memory_space<hbm>> -> memref<512xi32, #tpu.memory_space<hbm>>
      tpu.enqueue_dma source(%dma_start3A_158 : memref<512xi32, #tpu.memory_space<hbm>>) target(%arg55 : memref<512xi32, #tpu.memory_space<vmem>>) target_semaphore(%run_scoped3A : memref<!tpu.dma_semaphore, #tpu.memory_space<semaphore_mem>>)
      %dma_wait3A_159 = tpu.memref_slice %arg36[%mul3A_2] : memref<16384xi32, #tpu.memory_space<hbm>> -> memref<512xi32, #tpu.memory_space<hbm>>
      %dma_wait3A_160 = tpu.memref_slice %arg36[%mul3A_2] : memref<16384xi32, #tpu.memory_space<hbm>> -> memref<512xi32, #tpu.memory_space<hbm>>
      tpu.wait_dma2 semaphore(%run_scoped3A : memref<!tpu.dma_semaphore, #tpu.memory_space<semaphore_mem>>) src(%dma_wait3A_160 : memref<512xi32, #tpu.memory_space<hbm>>) dst(%arg55 : memref<512xi32, #tpu.memory_space<vmem>>)
      tpu.yield
    }) : () -> ()
    %dma_start3A_103 = arith.constant 0 : i32
    %dma_start3A_104 = arith.constant 0 : i32
    %dma_start3A_105 = tpu.memref_slice %arg37[%dma_start3A_103, %dma_start3A_104] : memref<100000x16xf32, #tpu.memory_space<hbm>> -> memref<100000x16xf32, #tpu.memory_space<hbm>>
    tpu.enqueue_indirect_dma source(%dma_start3A_105 : memref<100000x16xf32, #tpu.memory_space<hbm>>) target(%arg56 : memref<512x16xf32, #tpu.memory_space<vmem>>) offsets(%arg55 : memref<512xi32, #tpu.memory_space<vmem>>) semaphore(%arg57 : memref<!tpu.dma_semaphore, #tpu.memory_space<semaphore_mem>>)
    %dma_wait3A_106 = arith.constant 0 : i32
    %dma_wait3A_107 = arith.constant 0 : i32
    %dma_wait3A_108 = tpu.memref_slice %arg37[%dma_wait3A_106, %dma_wait3A_107] : memref<100000x16xf32, #tpu.memory_space<hbm>> -> memref<100000x16xf32, #tpu.memory_space<hbm>>
    tpu.wait_indirect_dma semaphore(%arg57 : memref<!tpu.dma_semaphore, #tpu.memory_space<semaphore_mem>>) src(%dma_wait3A_108 : memref<100000x16xf32, #tpu.memory_space<hbm>>) dst(%arg56 : memref<512x16xf32, #tpu.memory_space<vmem>>)
    "tpu.region"() ({
      %run_scoped3A = tpu.sem_alloc : memref<!tpu.dma_semaphore, #tpu.memory_space<semaphore_mem>>
      %dma_start3A_157 = arith.constant 272 : i32
      %dma_start3A_158 = tpu.memref_slice %arg54[%mul3A_2, %dma_start3A_157] : memref<16384x416xf32, #tpu.memory_space<hbm>> -> memref<512x16xf32, #tpu.memory_space<hbm>>
      %dma_start3A_159 = arith.constant 272 : i32
      %dma_start3A_160 = tpu.memref_slice %arg54[%mul3A_2, %dma_start3A_159] : memref<16384x416xf32, #tpu.memory_space<hbm>> -> memref<512x16xf32, #tpu.memory_space<hbm>>
      tpu.enqueue_dma source(%arg56 : memref<512x16xf32, #tpu.memory_space<vmem>>) target(%dma_start3A_160 : memref<512x16xf32, #tpu.memory_space<hbm>>) target_semaphore(%run_scoped3A : memref<!tpu.dma_semaphore, #tpu.memory_space<semaphore_mem>>)
      %dma_wait3A_161 = arith.constant 272 : i32
      %dma_wait3A_162 = tpu.memref_slice %arg54[%mul3A_2, %dma_wait3A_161] : memref<16384x416xf32, #tpu.memory_space<hbm>> -> memref<512x16xf32, #tpu.memory_space<hbm>>
      %dma_wait3A_163 = arith.constant 272 : i32
      %dma_wait3A_164 = tpu.memref_slice %arg54[%mul3A_2, %dma_wait3A_163] : memref<16384x416xf32, #tpu.memory_space<hbm>> -> memref<512x16xf32, #tpu.memory_space<hbm>>
      tpu.wait_dma2 semaphore(%run_scoped3A : memref<!tpu.dma_semaphore, #tpu.memory_space<semaphore_mem>>) src(%arg56 : memref<512x16xf32, #tpu.memory_space<vmem>>) dst(%dma_wait3A_164 : memref<512x16xf32, #tpu.memory_space<hbm>>)
      tpu.yield
    }) : () -> ()
    "tpu.region"() ({
      %run_scoped3A = tpu.sem_alloc : memref<!tpu.dma_semaphore, #tpu.memory_space<semaphore_mem>>
      %dma_start3A_157 = tpu.memref_slice %arg38[%mul3A_2] : memref<16384xi32, #tpu.memory_space<hbm>> -> memref<512xi32, #tpu.memory_space<hbm>>
      %dma_start3A_158 = tpu.memref_slice %arg38[%mul3A_2] : memref<16384xi32, #tpu.memory_space<hbm>> -> memref<512xi32, #tpu.memory_space<hbm>>
      tpu.enqueue_dma source(%dma_start3A_158 : memref<512xi32, #tpu.memory_space<hbm>>) target(%arg55 : memref<512xi32, #tpu.memory_space<vmem>>) target_semaphore(%run_scoped3A : memref<!tpu.dma_semaphore, #tpu.memory_space<semaphore_mem>>)
      %dma_wait3A_159 = tpu.memref_slice %arg38[%mul3A_2] : memref<16384xi32, #tpu.memory_space<hbm>> -> memref<512xi32, #tpu.memory_space<hbm>>
      %dma_wait3A_160 = tpu.memref_slice %arg38[%mul3A_2] : memref<16384xi32, #tpu.memory_space<hbm>> -> memref<512xi32, #tpu.memory_space<hbm>>
      tpu.wait_dma2 semaphore(%run_scoped3A : memref<!tpu.dma_semaphore, #tpu.memory_space<semaphore_mem>>) src(%dma_wait3A_160 : memref<512xi32, #tpu.memory_space<hbm>>) dst(%arg55 : memref<512xi32, #tpu.memory_space<vmem>>)
      tpu.yield
    }) : () -> ()
    %dma_start3A_109 = arith.constant 0 : i32
    %dma_start3A_110 = arith.constant 0 : i32
    %dma_start3A_111 = tpu.memref_slice %arg39[%dma_start3A_109, %dma_start3A_110] : memref<100000x16xf32, #tpu.memory_space<hbm>> -> memref<100000x16xf32, #tpu.memory_space<hbm>>
    tpu.enqueue_indirect_dma source(%dma_start3A_111 : memref<100000x16xf32, #tpu.memory_space<hbm>>) target(%arg56 : memref<512x16xf32, #tpu.memory_space<vmem>>) offsets(%arg55 : memref<512xi32, #tpu.memory_space<vmem>>) semaphore(%arg57 : memref<!tpu.dma_semaphore, #tpu.memory_space<semaphore_mem>>)
    %dma_wait3A_112 = arith.constant 0 : i32
    %dma_wait3A_113 = arith.constant 0 : i32
    %dma_wait3A_114 = tpu.memref_slice %arg39[%dma_wait3A_112, %dma_wait3A_113] : memref<100000x16xf32, #tpu.memory_space<hbm>> -> memref<100000x16xf32, #tpu.memory_space<hbm>>
    tpu.wait_indirect_dma semaphore(%arg57 : memref<!tpu.dma_semaphore, #tpu.memory_space<semaphore_mem>>) src(%dma_wait3A_114 : memref<100000x16xf32, #tpu.memory_space<hbm>>) dst(%arg56 : memref<512x16xf32, #tpu.memory_space<vmem>>)
    "tpu.region"() ({
      %run_scoped3A = tpu.sem_alloc : memref<!tpu.dma_semaphore, #tpu.memory_space<semaphore_mem>>
      %dma_start3A_157 = arith.constant 288 : i32
      %dma_start3A_158 = tpu.memref_slice %arg54[%mul3A_2, %dma_start3A_157] : memref<16384x416xf32, #tpu.memory_space<hbm>> -> memref<512x16xf32, #tpu.memory_space<hbm>>
      %dma_start3A_159 = arith.constant 288 : i32
      %dma_start3A_160 = tpu.memref_slice %arg54[%mul3A_2, %dma_start3A_159] : memref<16384x416xf32, #tpu.memory_space<hbm>> -> memref<512x16xf32, #tpu.memory_space<hbm>>
      tpu.enqueue_dma source(%arg56 : memref<512x16xf32, #tpu.memory_space<vmem>>) target(%dma_start3A_160 : memref<512x16xf32, #tpu.memory_space<hbm>>) target_semaphore(%run_scoped3A : memref<!tpu.dma_semaphore, #tpu.memory_space<semaphore_mem>>)
      %dma_wait3A_161 = arith.constant 288 : i32
      %dma_wait3A_162 = tpu.memref_slice %arg54[%mul3A_2, %dma_wait3A_161] : memref<16384x416xf32, #tpu.memory_space<hbm>> -> memref<512x16xf32, #tpu.memory_space<hbm>>
      %dma_wait3A_163 = arith.constant 288 : i32
      %dma_wait3A_164 = tpu.memref_slice %arg54[%mul3A_2, %dma_wait3A_163] : memref<16384x416xf32, #tpu.memory_space<hbm>> -> memref<512x16xf32, #tpu.memory_space<hbm>>
      tpu.wait_dma2 semaphore(%run_scoped3A : memref<!tpu.dma_semaphore, #tpu.memory_space<semaphore_mem>>) src(%arg56 : memref<512x16xf32, #tpu.memory_space<vmem>>) dst(%dma_wait3A_164 : memref<512x16xf32, #tpu.memory_space<hbm>>)
      tpu.yield
    }) : () -> ()
    "tpu.region"() ({
      %run_scoped3A = tpu.sem_alloc : memref<!tpu.dma_semaphore, #tpu.memory_space<semaphore_mem>>
      %dma_start3A_157 = tpu.memref_slice %arg40[%mul3A_2] : memref<16384xi32, #tpu.memory_space<hbm>> -> memref<512xi32, #tpu.memory_space<hbm>>
      %dma_start3A_158 = tpu.memref_slice %arg40[%mul3A_2] : memref<16384xi32, #tpu.memory_space<hbm>> -> memref<512xi32, #tpu.memory_space<hbm>>
      tpu.enqueue_dma source(%dma_start3A_158 : memref<512xi32, #tpu.memory_space<hbm>>) target(%arg55 : memref<512xi32, #tpu.memory_space<vmem>>) target_semaphore(%run_scoped3A : memref<!tpu.dma_semaphore, #tpu.memory_space<semaphore_mem>>)
      %dma_wait3A_159 = tpu.memref_slice %arg40[%mul3A_2] : memref<16384xi32, #tpu.memory_space<hbm>> -> memref<512xi32, #tpu.memory_space<hbm>>
      %dma_wait3A_160 = tpu.memref_slice %arg40[%mul3A_2] : memref<16384xi32, #tpu.memory_space<hbm>> -> memref<512xi32, #tpu.memory_space<hbm>>
      tpu.wait_dma2 semaphore(%run_scoped3A : memref<!tpu.dma_semaphore, #tpu.memory_space<semaphore_mem>>) src(%dma_wait3A_160 : memref<512xi32, #tpu.memory_space<hbm>>) dst(%arg55 : memref<512xi32, #tpu.memory_space<vmem>>)
      tpu.yield
    }) : () -> ()
    %dma_start3A_115 = arith.constant 0 : i32
    %dma_start3A_116 = arith.constant 0 : i32
    %dma_start3A_117 = tpu.memref_slice %arg41[%dma_start3A_115, %dma_start3A_116] : memref<100000x16xf32, #tpu.memory_space<hbm>> -> memref<100000x16xf32, #tpu.memory_space<hbm>>
    tpu.enqueue_indirect_dma source(%dma_start3A_117 : memref<100000x16xf32, #tpu.memory_space<hbm>>) target(%arg56 : memref<512x16xf32, #tpu.memory_space<vmem>>) offsets(%arg55 : memref<512xi32, #tpu.memory_space<vmem>>) semaphore(%arg57 : memref<!tpu.dma_semaphore, #tpu.memory_space<semaphore_mem>>)
    %dma_wait3A_118 = arith.constant 0 : i32
    %dma_wait3A_119 = arith.constant 0 : i32
    %dma_wait3A_120 = tpu.memref_slice %arg41[%dma_wait3A_118, %dma_wait3A_119] : memref<100000x16xf32, #tpu.memory_space<hbm>> -> memref<100000x16xf32, #tpu.memory_space<hbm>>
    tpu.wait_indirect_dma semaphore(%arg57 : memref<!tpu.dma_semaphore, #tpu.memory_space<semaphore_mem>>) src(%dma_wait3A_120 : memref<100000x16xf32, #tpu.memory_space<hbm>>) dst(%arg56 : memref<512x16xf32, #tpu.memory_space<vmem>>)
    "tpu.region"() ({
      %run_scoped3A = tpu.sem_alloc : memref<!tpu.dma_semaphore, #tpu.memory_space<semaphore_mem>>
      %dma_start3A_157 = arith.constant 304 : i32
      %dma_start3A_158 = tpu.memref_slice %arg54[%mul3A_2, %dma_start3A_157] : memref<16384x416xf32, #tpu.memory_space<hbm>> -> memref<512x16xf32, #tpu.memory_space<hbm>>
      %dma_start3A_159 = arith.constant 304 : i32
      %dma_start3A_160 = tpu.memref_slice %arg54[%mul3A_2, %dma_start3A_159] : memref<16384x416xf32, #tpu.memory_space<hbm>> -> memref<512x16xf32, #tpu.memory_space<hbm>>
      tpu.enqueue_dma source(%arg56 : memref<512x16xf32, #tpu.memory_space<vmem>>) target(%dma_start3A_160 : memref<512x16xf32, #tpu.memory_space<hbm>>) target_semaphore(%run_scoped3A : memref<!tpu.dma_semaphore, #tpu.memory_space<semaphore_mem>>)
      %dma_wait3A_161 = arith.constant 304 : i32
      %dma_wait3A_162 = tpu.memref_slice %arg54[%mul3A_2, %dma_wait3A_161] : memref<16384x416xf32, #tpu.memory_space<hbm>> -> memref<512x16xf32, #tpu.memory_space<hbm>>
      %dma_wait3A_163 = arith.constant 304 : i32
      %dma_wait3A_164 = tpu.memref_slice %arg54[%mul3A_2, %dma_wait3A_163] : memref<16384x416xf32, #tpu.memory_space<hbm>> -> memref<512x16xf32, #tpu.memory_space<hbm>>
      tpu.wait_dma2 semaphore(%run_scoped3A : memref<!tpu.dma_semaphore, #tpu.memory_space<semaphore_mem>>) src(%arg56 : memref<512x16xf32, #tpu.memory_space<vmem>>) dst(%dma_wait3A_164 : memref<512x16xf32, #tpu.memory_space<hbm>>)
      tpu.yield
    }) : () -> ()
    "tpu.region"() ({
      %run_scoped3A = tpu.sem_alloc : memref<!tpu.dma_semaphore, #tpu.memory_space<semaphore_mem>>
      %dma_start3A_157 = tpu.memref_slice %arg42[%mul3A_2] : memref<16384xi32, #tpu.memory_space<hbm>> -> memref<512xi32, #tpu.memory_space<hbm>>
      %dma_start3A_158 = tpu.memref_slice %arg42[%mul3A_2] : memref<16384xi32, #tpu.memory_space<hbm>> -> memref<512xi32, #tpu.memory_space<hbm>>
      tpu.enqueue_dma source(%dma_start3A_158 : memref<512xi32, #tpu.memory_space<hbm>>) target(%arg55 : memref<512xi32, #tpu.memory_space<vmem>>) target_semaphore(%run_scoped3A : memref<!tpu.dma_semaphore, #tpu.memory_space<semaphore_mem>>)
      %dma_wait3A_159 = tpu.memref_slice %arg42[%mul3A_2] : memref<16384xi32, #tpu.memory_space<hbm>> -> memref<512xi32, #tpu.memory_space<hbm>>
      %dma_wait3A_160 = tpu.memref_slice %arg42[%mul3A_2] : memref<16384xi32, #tpu.memory_space<hbm>> -> memref<512xi32, #tpu.memory_space<hbm>>
      tpu.wait_dma2 semaphore(%run_scoped3A : memref<!tpu.dma_semaphore, #tpu.memory_space<semaphore_mem>>) src(%dma_wait3A_160 : memref<512xi32, #tpu.memory_space<hbm>>) dst(%arg55 : memref<512xi32, #tpu.memory_space<vmem>>)
      tpu.yield
    }) : () -> ()
    %dma_start3A_121 = arith.constant 0 : i32
    %dma_start3A_122 = arith.constant 0 : i32
    %dma_start3A_123 = tpu.memref_slice %arg43[%dma_start3A_121, %dma_start3A_122] : memref<100000x16xf32, #tpu.memory_space<hbm>> -> memref<100000x16xf32, #tpu.memory_space<hbm>>
    tpu.enqueue_indirect_dma source(%dma_start3A_123 : memref<100000x16xf32, #tpu.memory_space<hbm>>) target(%arg56 : memref<512x16xf32, #tpu.memory_space<vmem>>) offsets(%arg55 : memref<512xi32, #tpu.memory_space<vmem>>) semaphore(%arg57 : memref<!tpu.dma_semaphore, #tpu.memory_space<semaphore_mem>>)
    %dma_wait3A_124 = arith.constant 0 : i32
    %dma_wait3A_125 = arith.constant 0 : i32
    %dma_wait3A_126 = tpu.memref_slice %arg43[%dma_wait3A_124, %dma_wait3A_125] : memref<100000x16xf32, #tpu.memory_space<hbm>> -> memref<100000x16xf32, #tpu.memory_space<hbm>>
    tpu.wait_indirect_dma semaphore(%arg57 : memref<!tpu.dma_semaphore, #tpu.memory_space<semaphore_mem>>) src(%dma_wait3A_126 : memref<100000x16xf32, #tpu.memory_space<hbm>>) dst(%arg56 : memref<512x16xf32, #tpu.memory_space<vmem>>)
    "tpu.region"() ({
      %run_scoped3A = tpu.sem_alloc : memref<!tpu.dma_semaphore, #tpu.memory_space<semaphore_mem>>
      %dma_start3A_157 = arith.constant 320 : i32
      %dma_start3A_158 = tpu.memref_slice %arg54[%mul3A_2, %dma_start3A_157] : memref<16384x416xf32, #tpu.memory_space<hbm>> -> memref<512x16xf32, #tpu.memory_space<hbm>>
      %dma_start3A_159 = arith.constant 320 : i32
      %dma_start3A_160 = tpu.memref_slice %arg54[%mul3A_2, %dma_start3A_159] : memref<16384x416xf32, #tpu.memory_space<hbm>> -> memref<512x16xf32, #tpu.memory_space<hbm>>
      tpu.enqueue_dma source(%arg56 : memref<512x16xf32, #tpu.memory_space<vmem>>) target(%dma_start3A_160 : memref<512x16xf32, #tpu.memory_space<hbm>>) target_semaphore(%run_scoped3A : memref<!tpu.dma_semaphore, #tpu.memory_space<semaphore_mem>>)
      %dma_wait3A_161 = arith.constant 320 : i32
      %dma_wait3A_162 = tpu.memref_slice %arg54[%mul3A_2, %dma_wait3A_161] : memref<16384x416xf32, #tpu.memory_space<hbm>> -> memref<512x16xf32, #tpu.memory_space<hbm>>
      %dma_wait3A_163 = arith.constant 320 : i32
      %dma_wait3A_164 = tpu.memref_slice %arg54[%mul3A_2, %dma_wait3A_163] : memref<16384x416xf32, #tpu.memory_space<hbm>> -> memref<512x16xf32, #tpu.memory_space<hbm>>
      tpu.wait_dma2 semaphore(%run_scoped3A : memref<!tpu.dma_semaphore, #tpu.memory_space<semaphore_mem>>) src(%arg56 : memref<512x16xf32, #tpu.memory_space<vmem>>) dst(%dma_wait3A_164 : memref<512x16xf32, #tpu.memory_space<hbm>>)
      tpu.yield
    }) : () -> ()
    "tpu.region"() ({
      %run_scoped3A = tpu.sem_alloc : memref<!tpu.dma_semaphore, #tpu.memory_space<semaphore_mem>>
      %dma_start3A_157 = tpu.memref_slice %arg44[%mul3A_2] : memref<16384xi32, #tpu.memory_space<hbm>> -> memref<512xi32, #tpu.memory_space<hbm>>
      %dma_start3A_158 = tpu.memref_slice %arg44[%mul3A_2] : memref<16384xi32, #tpu.memory_space<hbm>> -> memref<512xi32, #tpu.memory_space<hbm>>
      tpu.enqueue_dma source(%dma_start3A_158 : memref<512xi32, #tpu.memory_space<hbm>>) target(%arg55 : memref<512xi32, #tpu.memory_space<vmem>>) target_semaphore(%run_scoped3A : memref<!tpu.dma_semaphore, #tpu.memory_space<semaphore_mem>>)
      %dma_wait3A_159 = tpu.memref_slice %arg44[%mul3A_2] : memref<16384xi32, #tpu.memory_space<hbm>> -> memref<512xi32, #tpu.memory_space<hbm>>
      %dma_wait3A_160 = tpu.memref_slice %arg44[%mul3A_2] : memref<16384xi32, #tpu.memory_space<hbm>> -> memref<512xi32, #tpu.memory_space<hbm>>
      tpu.wait_dma2 semaphore(%run_scoped3A : memref<!tpu.dma_semaphore, #tpu.memory_space<semaphore_mem>>) src(%dma_wait3A_160 : memref<512xi32, #tpu.memory_space<hbm>>) dst(%arg55 : memref<512xi32, #tpu.memory_space<vmem>>)
      tpu.yield
    }) : () -> ()
    %dma_start3A_127 = arith.constant 0 : i32
    %dma_start3A_128 = arith.constant 0 : i32
    %dma_start3A_129 = tpu.memref_slice %arg45[%dma_start3A_127, %dma_start3A_128] : memref<100000x16xf32, #tpu.memory_space<hbm>> -> memref<100000x16xf32, #tpu.memory_space<hbm>>
    tpu.enqueue_indirect_dma source(%dma_start3A_129 : memref<100000x16xf32, #tpu.memory_space<hbm>>) target(%arg56 : memref<512x16xf32, #tpu.memory_space<vmem>>) offsets(%arg55 : memref<512xi32, #tpu.memory_space<vmem>>) semaphore(%arg57 : memref<!tpu.dma_semaphore, #tpu.memory_space<semaphore_mem>>)
    %dma_wait3A_130 = arith.constant 0 : i32
    %dma_wait3A_131 = arith.constant 0 : i32
    %dma_wait3A_132 = tpu.memref_slice %arg45[%dma_wait3A_130, %dma_wait3A_131] : memref<100000x16xf32, #tpu.memory_space<hbm>> -> memref<100000x16xf32, #tpu.memory_space<hbm>>
    tpu.wait_indirect_dma semaphore(%arg57 : memref<!tpu.dma_semaphore, #tpu.memory_space<semaphore_mem>>) src(%dma_wait3A_132 : memref<100000x16xf32, #tpu.memory_space<hbm>>) dst(%arg56 : memref<512x16xf32, #tpu.memory_space<vmem>>)
    "tpu.region"() ({
      %run_scoped3A = tpu.sem_alloc : memref<!tpu.dma_semaphore, #tpu.memory_space<semaphore_mem>>
      %dma_start3A_157 = arith.constant 336 : i32
      %dma_start3A_158 = tpu.memref_slice %arg54[%mul3A_2, %dma_start3A_157] : memref<16384x416xf32, #tpu.memory_space<hbm>> -> memref<512x16xf32, #tpu.memory_space<hbm>>
      %dma_start3A_159 = arith.constant 336 : i32
      %dma_start3A_160 = tpu.memref_slice %arg54[%mul3A_2, %dma_start3A_159] : memref<16384x416xf32, #tpu.memory_space<hbm>> -> memref<512x16xf32, #tpu.memory_space<hbm>>
      tpu.enqueue_dma source(%arg56 : memref<512x16xf32, #tpu.memory_space<vmem>>) target(%dma_start3A_160 : memref<512x16xf32, #tpu.memory_space<hbm>>) target_semaphore(%run_scoped3A : memref<!tpu.dma_semaphore, #tpu.memory_space<semaphore_mem>>)
      %dma_wait3A_161 = arith.constant 336 : i32
      %dma_wait3A_162 = tpu.memref_slice %arg54[%mul3A_2, %dma_wait3A_161] : memref<16384x416xf32, #tpu.memory_space<hbm>> -> memref<512x16xf32, #tpu.memory_space<hbm>>
      %dma_wait3A_163 = arith.constant 336 : i32
      %dma_wait3A_164 = tpu.memref_slice %arg54[%mul3A_2, %dma_wait3A_163] : memref<16384x416xf32, #tpu.memory_space<hbm>> -> memref<512x16xf32, #tpu.memory_space<hbm>>
      tpu.wait_dma2 semaphore(%run_scoped3A : memref<!tpu.dma_semaphore, #tpu.memory_space<semaphore_mem>>) src(%arg56 : memref<512x16xf32, #tpu.memory_space<vmem>>) dst(%dma_wait3A_164 : memref<512x16xf32, #tpu.memory_space<hbm>>)
      tpu.yield
    }) : () -> ()
    "tpu.region"() ({
      %run_scoped3A = tpu.sem_alloc : memref<!tpu.dma_semaphore, #tpu.memory_space<semaphore_mem>>
      %dma_start3A_157 = tpu.memref_slice %arg46[%mul3A_2] : memref<16384xi32, #tpu.memory_space<hbm>> -> memref<512xi32, #tpu.memory_space<hbm>>
      %dma_start3A_158 = tpu.memref_slice %arg46[%mul3A_2] : memref<16384xi32, #tpu.memory_space<hbm>> -> memref<512xi32, #tpu.memory_space<hbm>>
      tpu.enqueue_dma source(%dma_start3A_158 : memref<512xi32, #tpu.memory_space<hbm>>) target(%arg55 : memref<512xi32, #tpu.memory_space<vmem>>) target_semaphore(%run_scoped3A : memref<!tpu.dma_semaphore, #tpu.memory_space<semaphore_mem>>)
      %dma_wait3A_159 = tpu.memref_slice %arg46[%mul3A_2] : memref<16384xi32, #tpu.memory_space<hbm>> -> memref<512xi32, #tpu.memory_space<hbm>>
      %dma_wait3A_160 = tpu.memref_slice %arg46[%mul3A_2] : memref<16384xi32, #tpu.memory_space<hbm>> -> memref<512xi32, #tpu.memory_space<hbm>>
      tpu.wait_dma2 semaphore(%run_scoped3A : memref<!tpu.dma_semaphore, #tpu.memory_space<semaphore_mem>>) src(%dma_wait3A_160 : memref<512xi32, #tpu.memory_space<hbm>>) dst(%arg55 : memref<512xi32, #tpu.memory_space<vmem>>)
      tpu.yield
    }) : () -> ()
    %dma_start3A_133 = arith.constant 0 : i32
    %dma_start3A_134 = arith.constant 0 : i32
    %dma_start3A_135 = tpu.memref_slice %arg47[%dma_start3A_133, %dma_start3A_134] : memref<100000x16xf32, #tpu.memory_space<hbm>> -> memref<100000x16xf32, #tpu.memory_space<hbm>>
    tpu.enqueue_indirect_dma source(%dma_start3A_135 : memref<100000x16xf32, #tpu.memory_space<hbm>>) target(%arg56 : memref<512x16xf32, #tpu.memory_space<vmem>>) offsets(%arg55 : memref<512xi32, #tpu.memory_space<vmem>>) semaphore(%arg57 : memref<!tpu.dma_semaphore, #tpu.memory_space<semaphore_mem>>)
    %dma_wait3A_136 = arith.constant 0 : i32
    %dma_wait3A_137 = arith.constant 0 : i32
    %dma_wait3A_138 = tpu.memref_slice %arg47[%dma_wait3A_136, %dma_wait3A_137] : memref<100000x16xf32, #tpu.memory_space<hbm>> -> memref<100000x16xf32, #tpu.memory_space<hbm>>
    tpu.wait_indirect_dma semaphore(%arg57 : memref<!tpu.dma_semaphore, #tpu.memory_space<semaphore_mem>>) src(%dma_wait3A_138 : memref<100000x16xf32, #tpu.memory_space<hbm>>) dst(%arg56 : memref<512x16xf32, #tpu.memory_space<vmem>>)
    "tpu.region"() ({
      %run_scoped3A = tpu.sem_alloc : memref<!tpu.dma_semaphore, #tpu.memory_space<semaphore_mem>>
      %dma_start3A_157 = arith.constant 352 : i32
      %dma_start3A_158 = tpu.memref_slice %arg54[%mul3A_2, %dma_start3A_157] : memref<16384x416xf32, #tpu.memory_space<hbm>> -> memref<512x16xf32, #tpu.memory_space<hbm>>
      %dma_start3A_159 = arith.constant 352 : i32
      %dma_start3A_160 = tpu.memref_slice %arg54[%mul3A_2, %dma_start3A_159] : memref<16384x416xf32, #tpu.memory_space<hbm>> -> memref<512x16xf32, #tpu.memory_space<hbm>>
      tpu.enqueue_dma source(%arg56 : memref<512x16xf32, #tpu.memory_space<vmem>>) target(%dma_start3A_160 : memref<512x16xf32, #tpu.memory_space<hbm>>) target_semaphore(%run_scoped3A : memref<!tpu.dma_semaphore, #tpu.memory_space<semaphore_mem>>)
      %dma_wait3A_161 = arith.constant 352 : i32
      %dma_wait3A_162 = tpu.memref_slice %arg54[%mul3A_2, %dma_wait3A_161] : memref<16384x416xf32, #tpu.memory_space<hbm>> -> memref<512x16xf32, #tpu.memory_space<hbm>>
      %dma_wait3A_163 = arith.constant 352 : i32
      %dma_wait3A_164 = tpu.memref_slice %arg54[%mul3A_2, %dma_wait3A_163] : memref<16384x416xf32, #tpu.memory_space<hbm>> -> memref<512x16xf32, #tpu.memory_space<hbm>>
      tpu.wait_dma2 semaphore(%run_scoped3A : memref<!tpu.dma_semaphore, #tpu.memory_space<semaphore_mem>>) src(%arg56 : memref<512x16xf32, #tpu.memory_space<vmem>>) dst(%dma_wait3A_164 : memref<512x16xf32, #tpu.memory_space<hbm>>)
      tpu.yield
    }) : () -> ()
    "tpu.region"() ({
      %run_scoped3A = tpu.sem_alloc : memref<!tpu.dma_semaphore, #tpu.memory_space<semaphore_mem>>
      %dma_start3A_157 = tpu.memref_slice %arg48[%mul3A_2] : memref<16384xi32, #tpu.memory_space<hbm>> -> memref<512xi32, #tpu.memory_space<hbm>>
      %dma_start3A_158 = tpu.memref_slice %arg48[%mul3A_2] : memref<16384xi32, #tpu.memory_space<hbm>> -> memref<512xi32, #tpu.memory_space<hbm>>
      tpu.enqueue_dma source(%dma_start3A_158 : memref<512xi32, #tpu.memory_space<hbm>>) target(%arg55 : memref<512xi32, #tpu.memory_space<vmem>>) target_semaphore(%run_scoped3A : memref<!tpu.dma_semaphore, #tpu.memory_space<semaphore_mem>>)
      %dma_wait3A_159 = tpu.memref_slice %arg48[%mul3A_2] : memref<16384xi32, #tpu.memory_space<hbm>> -> memref<512xi32, #tpu.memory_space<hbm>>
      %dma_wait3A_160 = tpu.memref_slice %arg48[%mul3A_2] : memref<16384xi32, #tpu.memory_space<hbm>> -> memref<512xi32, #tpu.memory_space<hbm>>
      tpu.wait_dma2 semaphore(%run_scoped3A : memref<!tpu.dma_semaphore, #tpu.memory_space<semaphore_mem>>) src(%dma_wait3A_160 : memref<512xi32, #tpu.memory_space<hbm>>) dst(%arg55 : memref<512xi32, #tpu.memory_space<vmem>>)
      tpu.yield
    }) : () -> ()
    %dma_start3A_139 = arith.constant 0 : i32
    %dma_start3A_140 = arith.constant 0 : i32
    %dma_start3A_141 = tpu.memref_slice %arg49[%dma_start3A_139, %dma_start3A_140] : memref<100000x16xf32, #tpu.memory_space<hbm>> -> memref<100000x16xf32, #tpu.memory_space<hbm>>
    tpu.enqueue_indirect_dma source(%dma_start3A_141 : memref<100000x16xf32, #tpu.memory_space<hbm>>) target(%arg56 : memref<512x16xf32, #tpu.memory_space<vmem>>) offsets(%arg55 : memref<512xi32, #tpu.memory_space<vmem>>) semaphore(%arg57 : memref<!tpu.dma_semaphore, #tpu.memory_space<semaphore_mem>>)
    %dma_wait3A_142 = arith.constant 0 : i32
    %dma_wait3A_143 = arith.constant 0 : i32
    %dma_wait3A_144 = tpu.memref_slice %arg49[%dma_wait3A_142, %dma_wait3A_143] : memref<100000x16xf32, #tpu.memory_space<hbm>> -> memref<100000x16xf32, #tpu.memory_space<hbm>>
    tpu.wait_indirect_dma semaphore(%arg57 : memref<!tpu.dma_semaphore, #tpu.memory_space<semaphore_mem>>) src(%dma_wait3A_144 : memref<100000x16xf32, #tpu.memory_space<hbm>>) dst(%arg56 : memref<512x16xf32, #tpu.memory_space<vmem>>)
    "tpu.region"() ({
      %run_scoped3A = tpu.sem_alloc : memref<!tpu.dma_semaphore, #tpu.memory_space<semaphore_mem>>
      %dma_start3A_157 = arith.constant 368 : i32
      %dma_start3A_158 = tpu.memref_slice %arg54[%mul3A_2, %dma_start3A_157] : memref<16384x416xf32, #tpu.memory_space<hbm>> -> memref<512x16xf32, #tpu.memory_space<hbm>>
      %dma_start3A_159 = arith.constant 368 : i32
      %dma_start3A_160 = tpu.memref_slice %arg54[%mul3A_2, %dma_start3A_159] : memref<16384x416xf32, #tpu.memory_space<hbm>> -> memref<512x16xf32, #tpu.memory_space<hbm>>
      tpu.enqueue_dma source(%arg56 : memref<512x16xf32, #tpu.memory_space<vmem>>) target(%dma_start3A_160 : memref<512x16xf32, #tpu.memory_space<hbm>>) target_semaphore(%run_scoped3A : memref<!tpu.dma_semaphore, #tpu.memory_space<semaphore_mem>>)
      %dma_wait3A_161 = arith.constant 368 : i32
      %dma_wait3A_162 = tpu.memref_slice %arg54[%mul3A_2, %dma_wait3A_161] : memref<16384x416xf32, #tpu.memory_space<hbm>> -> memref<512x16xf32, #tpu.memory_space<hbm>>
      %dma_wait3A_163 = arith.constant 368 : i32
      %dma_wait3A_164 = tpu.memref_slice %arg54[%mul3A_2, %dma_wait3A_163] : memref<16384x416xf32, #tpu.memory_space<hbm>> -> memref<512x16xf32, #tpu.memory_space<hbm>>
      tpu.wait_dma2 semaphore(%run_scoped3A : memref<!tpu.dma_semaphore, #tpu.memory_space<semaphore_mem>>) src(%arg56 : memref<512x16xf32, #tpu.memory_space<vmem>>) dst(%dma_wait3A_164 : memref<512x16xf32, #tpu.memory_space<hbm>>)
      tpu.yield
    }) : () -> ()
    "tpu.region"() ({
      %run_scoped3A = tpu.sem_alloc : memref<!tpu.dma_semaphore, #tpu.memory_space<semaphore_mem>>
      %dma_start3A_157 = tpu.memref_slice %arg50[%mul3A_2] : memref<16384xi32, #tpu.memory_space<hbm>> -> memref<512xi32, #tpu.memory_space<hbm>>
      %dma_start3A_158 = tpu.memref_slice %arg50[%mul3A_2] : memref<16384xi32, #tpu.memory_space<hbm>> -> memref<512xi32, #tpu.memory_space<hbm>>
      tpu.enqueue_dma source(%dma_start3A_158 : memref<512xi32, #tpu.memory_space<hbm>>) target(%arg55 : memref<512xi32, #tpu.memory_space<vmem>>) target_semaphore(%run_scoped3A : memref<!tpu.dma_semaphore, #tpu.memory_space<semaphore_mem>>)
      %dma_wait3A_159 = tpu.memref_slice %arg50[%mul3A_2] : memref<16384xi32, #tpu.memory_space<hbm>> -> memref<512xi32, #tpu.memory_space<hbm>>
      %dma_wait3A_160 = tpu.memref_slice %arg50[%mul3A_2] : memref<16384xi32, #tpu.memory_space<hbm>> -> memref<512xi32, #tpu.memory_space<hbm>>
      tpu.wait_dma2 semaphore(%run_scoped3A : memref<!tpu.dma_semaphore, #tpu.memory_space<semaphore_mem>>) src(%dma_wait3A_160 : memref<512xi32, #tpu.memory_space<hbm>>) dst(%arg55 : memref<512xi32, #tpu.memory_space<vmem>>)
      tpu.yield
    }) : () -> ()
    %dma_start3A_145 = arith.constant 0 : i32
    %dma_start3A_146 = arith.constant 0 : i32
    %dma_start3A_147 = tpu.memref_slice %arg51[%dma_start3A_145, %dma_start3A_146] : memref<100000x16xf32, #tpu.memory_space<hbm>> -> memref<100000x16xf32, #tpu.memory_space<hbm>>
    tpu.enqueue_indirect_dma source(%dma_start3A_147 : memref<100000x16xf32, #tpu.memory_space<hbm>>) target(%arg56 : memref<512x16xf32, #tpu.memory_space<vmem>>) offsets(%arg55 : memref<512xi32, #tpu.memory_space<vmem>>) semaphore(%arg57 : memref<!tpu.dma_semaphore, #tpu.memory_space<semaphore_mem>>)
    %dma_wait3A_148 = arith.constant 0 : i32
    %dma_wait3A_149 = arith.constant 0 : i32
    %dma_wait3A_150 = tpu.memref_slice %arg51[%dma_wait3A_148, %dma_wait3A_149] : memref<100000x16xf32, #tpu.memory_space<hbm>> -> memref<100000x16xf32, #tpu.memory_space<hbm>>
    tpu.wait_indirect_dma semaphore(%arg57 : memref<!tpu.dma_semaphore, #tpu.memory_space<semaphore_mem>>) src(%dma_wait3A_150 : memref<100000x16xf32, #tpu.memory_space<hbm>>) dst(%arg56 : memref<512x16xf32, #tpu.memory_space<vmem>>)
    "tpu.region"() ({
      %run_scoped3A = tpu.sem_alloc : memref<!tpu.dma_semaphore, #tpu.memory_space<semaphore_mem>>
      %dma_start3A_157 = arith.constant 384 : i32
      %dma_start3A_158 = tpu.memref_slice %arg54[%mul3A_2, %dma_start3A_157] : memref<16384x416xf32, #tpu.memory_space<hbm>> -> memref<512x16xf32, #tpu.memory_space<hbm>>
      %dma_start3A_159 = arith.constant 384 : i32
      %dma_start3A_160 = tpu.memref_slice %arg54[%mul3A_2, %dma_start3A_159] : memref<16384x416xf32, #tpu.memory_space<hbm>> -> memref<512x16xf32, #tpu.memory_space<hbm>>
      tpu.enqueue_dma source(%arg56 : memref<512x16xf32, #tpu.memory_space<vmem>>) target(%dma_start3A_160 : memref<512x16xf32, #tpu.memory_space<hbm>>) target_semaphore(%run_scoped3A : memref<!tpu.dma_semaphore, #tpu.memory_space<semaphore_mem>>)
      %dma_wait3A_161 = arith.constant 384 : i32
      %dma_wait3A_162 = tpu.memref_slice %arg54[%mul3A_2, %dma_wait3A_161] : memref<16384x416xf32, #tpu.memory_space<hbm>> -> memref<512x16xf32, #tpu.memory_space<hbm>>
      %dma_wait3A_163 = arith.constant 384 : i32
      %dma_wait3A_164 = tpu.memref_slice %arg54[%mul3A_2, %dma_wait3A_163] : memref<16384x416xf32, #tpu.memory_space<hbm>> -> memref<512x16xf32, #tpu.memory_space<hbm>>
      tpu.wait_dma2 semaphore(%run_scoped3A : memref<!tpu.dma_semaphore, #tpu.memory_space<semaphore_mem>>) src(%arg56 : memref<512x16xf32, #tpu.memory_space<vmem>>) dst(%dma_wait3A_164 : memref<512x16xf32, #tpu.memory_space<hbm>>)
      tpu.yield
    }) : () -> ()
    "tpu.region"() ({
      %run_scoped3A = tpu.sem_alloc : memref<!tpu.dma_semaphore, #tpu.memory_space<semaphore_mem>>
      %dma_start3A_157 = tpu.memref_slice %arg52[%mul3A_2] : memref<16384xi32, #tpu.memory_space<hbm>> -> memref<512xi32, #tpu.memory_space<hbm>>
      %dma_start3A_158 = tpu.memref_slice %arg52[%mul3A_2] : memref<16384xi32, #tpu.memory_space<hbm>> -> memref<512xi32, #tpu.memory_space<hbm>>
      tpu.enqueue_dma source(%dma_start3A_158 : memref<512xi32, #tpu.memory_space<hbm>>) target(%arg55 : memref<512xi32, #tpu.memory_space<vmem>>) target_semaphore(%run_scoped3A : memref<!tpu.dma_semaphore, #tpu.memory_space<semaphore_mem>>)
      %dma_wait3A_159 = tpu.memref_slice %arg52[%mul3A_2] : memref<16384xi32, #tpu.memory_space<hbm>> -> memref<512xi32, #tpu.memory_space<hbm>>
      %dma_wait3A_160 = tpu.memref_slice %arg52[%mul3A_2] : memref<16384xi32, #tpu.memory_space<hbm>> -> memref<512xi32, #tpu.memory_space<hbm>>
      tpu.wait_dma2 semaphore(%run_scoped3A : memref<!tpu.dma_semaphore, #tpu.memory_space<semaphore_mem>>) src(%dma_wait3A_160 : memref<512xi32, #tpu.memory_space<hbm>>) dst(%arg55 : memref<512xi32, #tpu.memory_space<vmem>>)
      tpu.yield
    }) : () -> ()
    %dma_start3A_151 = arith.constant 0 : i32
    %dma_start3A_152 = arith.constant 0 : i32
    %dma_start3A_153 = tpu.memref_slice %arg53[%dma_start3A_151, %dma_start3A_152] : memref<100000x16xf32, #tpu.memory_space<hbm>> -> memref<100000x16xf32, #tpu.memory_space<hbm>>
    tpu.enqueue_indirect_dma source(%dma_start3A_153 : memref<100000x16xf32, #tpu.memory_space<hbm>>) target(%arg56 : memref<512x16xf32, #tpu.memory_space<vmem>>) offsets(%arg55 : memref<512xi32, #tpu.memory_space<vmem>>) semaphore(%arg57 : memref<!tpu.dma_semaphore, #tpu.memory_space<semaphore_mem>>)
    %dma_wait3A_154 = arith.constant 0 : i32
    %dma_wait3A_155 = arith.constant 0 : i32
    %dma_wait3A_156 = tpu.memref_slice %arg53[%dma_wait3A_154, %dma_wait3A_155] : memref<100000x16xf32, #tpu.memory_space<hbm>> -> memref<100000x16xf32, #tpu.memory_space<hbm>>
    tpu.wait_indirect_dma semaphore(%arg57 : memref<!tpu.dma_semaphore, #tpu.memory_space<semaphore_mem>>) src(%dma_wait3A_156 : memref<100000x16xf32, #tpu.memory_space<hbm>>) dst(%arg56 : memref<512x16xf32, #tpu.memory_space<vmem>>)
    "tpu.region"() ({
      %run_scoped3A = tpu.sem_alloc : memref<!tpu.dma_semaphore, #tpu.memory_space<semaphore_mem>>
      %dma_start3A_157 = arith.constant 400 : i32
      %dma_start3A_158 = tpu.memref_slice %arg54[%mul3A_2, %dma_start3A_157] : memref<16384x416xf32, #tpu.memory_space<hbm>> -> memref<512x16xf32, #tpu.memory_space<hbm>>
      %dma_start3A_159 = arith.constant 400 : i32
      %dma_start3A_160 = tpu.memref_slice %arg54[%mul3A_2, %dma_start3A_159] : memref<16384x416xf32, #tpu.memory_space<hbm>> -> memref<512x16xf32, #tpu.memory_space<hbm>>
      tpu.enqueue_dma source(%arg56 : memref<512x16xf32, #tpu.memory_space<vmem>>) target(%dma_start3A_160 : memref<512x16xf32, #tpu.memory_space<hbm>>) target_semaphore(%run_scoped3A : memref<!tpu.dma_semaphore, #tpu.memory_space<semaphore_mem>>)
      %dma_wait3A_161 = arith.constant 400 : i32
      %dma_wait3A_162 = tpu.memref_slice %arg54[%mul3A_2, %dma_wait3A_161] : memref<16384x416xf32, #tpu.memory_space<hbm>> -> memref<512x16xf32, #tpu.memory_space<hbm>>
      %dma_wait3A_163 = arith.constant 400 : i32
      %dma_wait3A_164 = tpu.memref_slice %arg54[%mul3A_2, %dma_wait3A_163] : memref<16384x416xf32, #tpu.memory_space<hbm>> -> memref<512x16xf32, #tpu.memory_space<hbm>>
      tpu.wait_dma2 semaphore(%run_scoped3A : memref<!tpu.dma_semaphore, #tpu.memory_space<semaphore_mem>>) src(%arg56 : memref<512x16xf32, #tpu.memory_space<vmem>>) dst(%dma_wait3A_164 : memref<512x16xf32, #tpu.memory_space<hbm>>)
      tpu.yield
    }) : () -> ()
    return
  }
}

</mosaic_0001>

<sc_bundles>
// kernel: kernel.3.cloned.1.call-start
scs
__scs_entry_jumppad:
0x0: {  	(pc) =	sbr.rel $0x88, $3  }
0x1: {  	(tag) =	ssettag $0x0;
	lr =	simm.s32 $0x1  }
0x2: {  	[smem:$0x3F6D] =	sst lr;
	_ =	strace $0xD0000000  }
0x3: {  	_ = 	snop  }
0x4: {  	_ = 	snop  }
0x5: {  	_ = 	snop  }
0x6: {  	_ = 	snop  }
0x7: {  	_ = 	snop  }
__scs_overlays_trampoline_lowered:
0x8: {  	[smem:$0x3F7C] =	sst s0  }
0x9: {  	[smem:$0x3F7D] =	sst s1  }
0xa: {  	[smem:$0x3F7E] =	sst s2  }
0xb: {  	[smem:$0x3F7F] =	sst s3  }
0xc: {  	[smem:$0x3F80] =	sst s4  }
0xd: {  	[smem:$0x3F81] =	sst s5  }
0xe: {  	[smem:$0x3F82] =	sst s6  }
0xf: {  	[smem:$0x3F83] =	sst s7  }
0x10: {  	[smem:$0x3F84] =	sst s8  }
0x11: {  	[smem:$0x3F85] =	sst s9;
	s0 =	simm.s32 @!p0 $0x0  }
0x12: {  	s1 =	sld [smem:$0x3F6B];
	s0 =	simm.s32 @p0 $0x1  }
0x13: {  	[smem:$0x3F86] =	sst s0;
	s0 =	simm.s32 @!p1 $0x0  }
0x14: {  	s2 =	sld [smem:$0x3F6A];
	s0 =	simm.s32 @p1 $0x1  }
0x15: {  	[smem:$0x3F87] =	sst s0;
	s0 =	simm.s32 @!p2 $0x0  }
0x16: {  	s3 =	sld [smem:$0x3FDB];
	s0 =	simm.s32 @p2 $0x1  }
0x17: {  	s4 =	simm.s32 $0x1BF5;
	[smem:$0x3F89] =	sst s0  }
0x18: {  	s0 =	sld [smem:$0x3F6C];
	_ =	swait.ge [sflag:s4], $0x0  }
0x19: {  	s7 =	sld [smem:$0x3F6D]  }
0x1a: {  	s8 =	sadd.s32 $0xFFFFE003, lr  }
0x1b: {  	s9 =	sadd.s32 $0xFFFFFEF7, lr;
	s5 =	simm.s32 $0xFFFFFFFF;
	p2 =	slt.u32 s8, $0xFFFFF086  }
0x1c: {  	p1 =	slt.u32 s9, $0xF7A;
	s5 =	simm.s32 @!p2 $0x0  }
0x1d: {  	s5 =	simm.s32 @p1 $0x1;
	p0 =	seq.s32 s7, s2  }
0x1e: {  	s7 =	smul.u32 @!p0 $0xF7A, s2;
	p2 =	seq.s32 @!p0 s5, $0x0  }
0x1f: {  	s9 =	smul.u32 $0xF7A, s1;
	s8 =	simm.s32 @!p0 $0x1BF5;
	p2 =	por !p2, p0  }
0x20: {  	[sflag:s8] =	ssyncset.s32 @!p0 $0xFFFFF086;
	s6 =	sadd.s32 @!p0 s3, s7;
	s7 =	simm.s32 @!p0 $0x108  }
0x21: {  	s3 =	sadd.s32 s3, s9;
	s6 =	sadd.s32 @!p0 $0x88, s6;
	s7 =	simm.s32 @p2 $0x1082  }
0x22: {  	[simem:s7], [sflag:s8] =	dma.local @!p0 [hbm:s6], $0xF7A  }
0x23: {  	s9 =	sor.u32 $0xD0000000, s2;
	s6 =	simm.s32 $0x108;
	_ =	swait.ge @!p0 [sflag:s8], $0x0  }
0x24: {  	s3 =	sadd.s32 $0x88, s3;
	s6 =	simm.s32 @!p1 $0x1082;
	[sflag:s4] =	ssyncset.s32 $0xFFFFF086  }
0x25: {  	[simem:s6], [sflag:s4] =	dma.local [hbm:s3], $0xF7A  }
0x26: {  	[smem:$0x3F6D] =	sst s1;
	(tag) =	ssettag s2;
	_ =	strace s9  }
0x27: {  	s1 =	sld [smem:$0x3F7D]  }
0x28: {  	s2 =	sld [smem:$0x3F7E]  }
0x29: {  	s4 =	sld [smem:$0x3F80]  }
0x2a: {  	p0 =	seq.s32 s5, $0x0;
	s5 =	sld [smem:$0x3F81]  }
0x2b: {  	s6 =	sld [smem:$0x3F82]  }
0x2c: {  	s7 =	sld [smem:$0x3F83]  }
0x2d: {  	s3 =	simm.s32 $0x108;
	s8 =	sld [smem:$0x3F84]  }
0x2e: {  	s3 =	simm.s32 @!p0 $0x1082;
	s9 =	sld [smem:$0x3F85]  }
0x2f: {  	lr =	sadd.s32 s0, s3;
	s0 =	sld [smem:$0x3F7C]  }
0x30: {  	s3 =	sld [smem:$0x3F7F]  }
0x31: {  	[smem:$0x3F88] =	sst s10  }
0x32: {  	s10 =	sld [smem:$0x3F86];
	_ =	sdelay $0x3  }
0x33: {  	p0 =	seq.s32 s10, $0x1;
	s10 =	sld [smem:$0x3F88];
	_ =	sdelay $0x3  }
0x34: {  	[smem:$0x3F88] =	sst s10  }
0x35: {  	s10 =	sld [smem:$0x3F87];
	_ =	sdelay $0x3  }
0x36: {  	p1 =	seq.s32 s10, $0x1;
	s10 =	sld [smem:$0x3F88];
	_ =	sdelay $0x3  }
0x37: {  	[smem:$0x3F88] =	sst s10  }
0x38: {  	s10 =	sld [smem:$0x3F89]  }
0x39: {  	_ = 	snop;
	(pc) =	sbr.ind lr, $3  }
0x3a: {  	_ = 	snop  }
0x3b: {  	_ = 	snop  }
0x3c: {  	p2 =	seq.s32 s10, $0x1;
	s10 =	sld [smem:$0x3F88]  }
0x3d: {  	_ =	shalt  }
0x3e: {  	_ =	shalt  }
0x3f: {  	_ =	shalt  }
0x40: {  	_ =	shalt  }
0x41: {  	_ =	shalt  }
0x42: {  	_ =	shalt  }
0x43: {  	_ =	shalt  }
0x44: {  	_ =	shalt  }
0x45: {  	_ =	shalt  }
0x46: {  	_ =	shalt  }
0x47: {  	_ =	shalt  }
0x48: {  	_ =	shalt  }
0x49: {  	_ =	shalt  }
0x4a: {  	_ =	shalt  }
0x4b: {  	_ =	shalt  }
0x4c: {  	_ =	shalt  }
0x4d: {  	_ =	shalt  }
0x4e: {  	_ =	shalt  }
0x4f: {  	_ =	shalt  }
0x50: {  	_ =	shalt  }
0x51: {  	_ =	shalt  }
0x52: {  	_ =	shalt  }
0x53: {  	_ =	shalt  }
0x54: {  	_ =	shalt  }
0x55: {  	_ =	shalt  }
0x56: {  	_ =	shalt  }
0x57: {  	_ =	shalt  }
0x58: {  	_ =	shalt  }
0x59: {  	_ =	shalt  }
0x5a: {  	_ =	shalt  }
0x5b: {  	_ =	shalt  }
0x5c: {  	_ =	shalt  }
0x5d: {  	_ =	shalt  }
0x5e: {  	_ =	shalt  }
0x5f: {  	_ =	shalt  }
0x60: {  	_ =	shalt  }
0x61: {  	_ =	shalt  }
0x62: {  	_ =	shalt  }
0x63: {  	_ =	shalt  }
0x64: {  	_ =	shalt  }
0x65: {  	_ =	shalt  }
0x66: {  	_ =	shalt  }
0x67: {  	_ =	shalt  }
0x68: {  	_ =	shalt  }
0x69: {  	_ =	shalt  }
0x6a: {  	_ =	shalt  }
0x6b: {  	_ =	shalt  }
0x6c: {  	_ =	shalt  }
0x6d: {  	_ =	shalt  }
0x6e: {  	_ =	shalt  }
0x6f: {  	_ =	shalt  }
0x70: {  	_ =	shalt  }
0x71: {  	_ =	shalt  }
0x72: {  	_ =	shalt  }
0x73: {  	_ =	shalt  }
0x74: {  	_ =	shalt  }
0x75: {  	_ =	shalt  }
0x76: {  	_ =	shalt  }
0x77: {  	_ =	shalt  }
0x78: {  	_ =	shalt  }
0x79: {  	_ =	shalt  }
0x7a: {  	_ =	shalt  }
0x7b: {  	_ =	shalt  }
0x7c: {  	_ =	shalt  }
0x7d: {  	_ =	shalt  }
0x7e: {  	_ =	shalt  }
0x7f: {  	_ =	shalt  }
0x80: {  	_ =	shalt  }
0x81: {  	_ =	shalt  }
0x82: {  	_ =	shalt  }
0x83: {  	_ =	shalt  }
0x84: {  	_ =	shalt  }
0x85: {  	_ =	shalt  }
0x86: {  	_ =	shalt  }
0x87: {  	_ =	shalt  }
.Lfunc_end0:
.L_simem_size_0:
called_computation_lowered:
.L_overlay_start_0:
0x88: {  	s2 =	sld [smem:$0x3FD9]  }
0x89: {  	s3 =	sld [smem:$0x3FFE];
	_ =	sdelay $0x1  }
0x8a: {  	s5 =	srdreg.scid  }
0x8b: {  	s4 =	sand.u32 $0x1, s5  }
0x8c: {  	s1 =	sshll.u32 s4, $0xA;
	s2 =	sadd.s32 s3, s2  }
0x8d: {  	s2 =	sadd.s32 s2, s1  }
0x8e: {  	[smem:$0x3F94] =	sst s2  }
0x8f: {  	_ = 	snop  }
0x90: {  	s14 =	sld [smem:$0x3FC9]  }
0x91: {  	s3 =	sld [smem:$0x3FC5]  }
0x92: {  	s6 =	sld [smem:$0x3FBF]  }
0x93: {  	s7 =	sld [smem:$0x3FBD]  }
0x94: {  	s8 =	sld [smem:$0x3FBB]  }
0x95: {  	s9 =	sld [smem:$0x3FB9]  }
0x96: {  	s10 =	sld [smem:$0x3FB7]  }
0x97: {  	s11 =	sld [smem:$0x3FB5]  }
0x98: {  	s12 =	sld [smem:$0x3FB3]  }
0x99: {  	s13 =	sld [smem:$0x3FB1]  }
0x9a: {  	s17 =	sld [smem:$0x3FAF]  }
0x9b: {  	s18 =	sld [smem:$0x3FAD]  }
0x9c: {  	s19 =	sld [smem:$0x3FAB]  }
0x9d: {  	s20 =	sld [smem:$0x3FA9]  }
0x9e: {  	s21 =	sld [smem:$0x3FA7]  }
0x9f: {  	s22 =	sld [smem:$0x3FA5]  }
0xa0: {  	s23 =	sld [smem:$0x3FA3]  }
0xa1: {  	s24 =	sld [smem:$0x3FA1]  }
0xa2: {  	s25 =	sld [smem:$0x3F9F]  }
0xa3: {  	s26 =	sld [smem:$0x3F9D]  }
0xa4: {  	s28 =	sld [smem:$0x3F9B]  }
0xa5: {  	s29 =	sld [smem:$0x3F99]  }
0xa6: {  	s30 =	sld [smem:$0x3F97]  }
0xa7: {  	s16 =	sld [smem:$0x3FD0];
	(tm) =	ssettm $0x1  }
0xa8: {  	s15 =	sld [smem:$0x3FFB];
	_ =	sdelay $0x3  }
0xa9: {  	_ =	strace s15  }
0xaa: {  	s15 =	sld [smem:$0x3FFC];
	_ =	sdelay $0x3  }
0xab: {  	_ =	strace s15  }
0xac: {  	s15 =	sld [smem:$0x3FFD];
	_ =	sdelay $0x3  }
0xad: {  	_ =	strace s15  }
0xae: {  	_ =	strace $0x8FFFFFFF  }
0xaf: {  	s2 =	sld [smem:$0x3FDB];
	_ =	sdelay $0x1  }
0xb0: {  	s31 =	simm.s32 $_scs_section_size  }
0xb1: {  	s0 =	simm.s32 $_size__tile_task_arg_handler_lowered;
	s1 =	simm.s32 $_tile_task_arg_handler_lowered  }
0xb2: {  	s0 =	sshll.u32 s0, $0x1;
	s1 =	sshll.u32 s1, $0x1;
	s31 =	sadd.s32 s31, s2  }
0xb3: {  	s15 =	simm.s32 $0x1BFF;
	s2 =	simm.s32 $0x60;
	s1 =	sadd.s32 s1, s31  }
0xb4: {  	[timem:s2], [sflag:s15] =	dma.local [hbm:s1], s0  }
0xb5: {  	_ =	swait.ge [sflag:s15], s0  }
0xb6: {  	s2 =	simm.s32 $_tile_overlayer_lowered;
	s0 =	ssub.s32 $0x0, s0;
	[sflag:s15] =	ssyncset.done $0x0  }
0xb7: {  	[sflag:s15] =	ssyncadd.s32 s0;
	s0 =	sshll.u32 s2, $0x1;
	s2 =	simm.s32 $_size__tile_overlayer_lowered  }
0xb8: {  	s1 =	sshll.u32 s2, $0x1;
	s2 =	sadd.s32 s0, s31;
	s0 =	simm.s32 $0x0  }
0xb9: {  	[timem:s0], [sflag:s15] =	dma.local [hbm:s2], s1  }
0xba: {  	_ =	swait.ge [sflag:s15], s1  }
0xbb: {  	s1 =	ssub.s32 $0x0, s1;
	[sflag:s15] =	ssyncset.done $0x0  }
0xbc: {  	[sflag:s15] =	ssyncadd.s32 s1;
	_ =	sdelay $0x1  }
0xbd: {  	s15 =	simm.s32 $0x1B8B  }
0xbe: {  	_ =	swait.ge [sflag:s15], $0x1  }
0xbf: {  	[sflag:s15] =	ssyncset.done $0x0  }
0xc0: {  	s2 =	simm.s32 $0x1B8E;
	s1 =	sld [smem:$0x3FFE];
	[sflag:s15] =	ssyncadd.s32 $0xFFFFFFFF  }
0xc1: {  	s15 =	simm.s32 $execute0_lowered;
	[smem:$0x3FD2] =	sst s2  }
0xc2: {  	s2 =	sshll.u32 s15, $0x1;
	_ =	strace $0x80000046;
	[dreg:$0x1] =	wrdreg $0xFFFFFFFF  }
0xc3: {  	s2 =	sadd.s32 s31, s2;
	s31 =	simm.s32 $_size_execute0_lowered;
	[dreg:$0x0] =	wrdreg $0x0  }
0xc4: {  	s15 =	sshll.u32 s31, $0x1;
	[dreg:$0x2] =	wrdreg s2  }
0xc5: {  	[dreg:$0x3] =	wrdreg s15  }
0xc6: {  	[dreg:$0x4] =	wrdreg $0xC0  }
0xc7: {  	_ =	task [dreg:s0], $0x5FFFF  }
0xc8: {  	[dreg:$0x1] =	wrdreg $0xFFFFFFFF  }
0xc9: {  	[dreg:$0x0] =	wrdreg $0x30  }
0xca: {  	[dreg:$0x2] =	wrdreg $0x0  }
0xcb: {  	[dreg:$0x3] =	wrdreg s17  }
0xcc: {  	[dreg:$0x4] =	wrdreg s18  }
0xcd: {  	[dreg:$0x5] =	wrdreg s19  }
0xce: {  	[dreg:$0x6] =	wrdreg s20  }
0xcf: {  	[dreg:$0x7] =	wrdreg s21  }
0xd0: {  	[dreg:$0x8] =	wrdreg s22  }
0xd1: {  	[dreg:$0x9] =	wrdreg s23  }
0xd2: {  	[dreg:$0xa] =	wrdreg s24  }
0xd3: {  	[dreg:$0xb] =	wrdreg s25  }
0xd4: {  	[dreg:$0xc] =	wrdreg s26  }
0xd5: {  	[dreg:$0xd] =	wrdreg s28  }
0xd6: {  	[dreg:$0xe] =	wrdreg s29  }
0xd7: {  	[dreg:$0xf] =	wrdreg s30  }
0xd8: {  	_ =	task [dreg:s0], $0x10FFFF  }
0xd9: {  	[dreg:$0x1] =	wrdreg $0xFFFFFFFF  }
0xda: {  	[dreg:$0x0] =	wrdreg $0x30  }
0xdb: {  	[dreg:$0x2] =	wrdreg $0xD  }
0xdc: {  	[dreg:$0x3] =	wrdreg s16  }
0xdd: {  	[dreg:$0x4] =	wrdreg $0x9  }
0xde: {  	_ =	task [dreg:s0], $0x5FFFF  }
0xdf: {  	[dreg:$0x1] =	wrdreg $0xFFFFFFFF  }
0xe0: {  	s24 =	sld [smem:$0x3FC7]  }
0xe1: {  	s25 =	sld [smem:$0x3FC3]  }
0xe2: {  	s26 =	sld [smem:$0x3FC1]  }
0xe3: {  	[dreg:$0x0] =	wrdreg $0x60  }
0xe4: {  	[dreg:$0x2] =	wrdreg s14  }
0xe5: {  	[dreg:$0x3] =	wrdreg s1  }
0xe6: {  	[dreg:$0x4] =	wrdreg s24  }
0xe7: {  	[dreg:$0x5] =	wrdreg s3  }
0xe8: {  	[dreg:$0x6] =	wrdreg s25  }
0xe9: {  	[dreg:$0x7] =	wrdreg s26  }
0xea: {  	[dreg:$0x8] =	wrdreg s6  }
0xeb: {  	[dreg:$0x9] =	wrdreg s7  }
0xec: {  	[dreg:$0xa] =	wrdreg s8  }
0xed: {  	[dreg:$0xb] =	wrdreg s9  }
0xee: {  	[dreg:$0xc] =	wrdreg s10  }
0xef: {  	[dreg:$0xd] =	wrdreg s11  }
0xf0: {  	[dreg:$0xe] =	wrdreg s12  }
0xf1: {  	[dreg:$0xf] =	wrdreg s13  }
0xf2: {  	_ =	task.clear_ibuf [dreg:s0], $0x10FFFF;
	_ =	strace $0x90000046  }
0xf3: {  	s28 =	simm.s32 $0x9;
	_ =	strace $0x80000048  }
0xf4: {  	_ =	swait.ge [sflag:s28], $0x1  }
0xf5: {  	[sflag:s28] =	ssyncadd.s32 $0xFFFFFFFF  }
0xf6: {  	_ =	strace $0x90000048  }
0xf7: {  	_ =	sfence  }
0xf8: {  	s29 =	sld [smem:$0x0];
	_ =	sdelay $0x2  }
0xf9: {  	s31 =	sshrl.u32 s5, $0x2;
	s30 =	sshll.u32 s5, $0xD  }
0xfa: {  	s2 =	sand.u32 $0x4000, s30;
	s1 =	sadd.s32 s31, s29  }
0xfb: {  	s2 =	sor.u32 s2, s4;
	s1 =	sshll.u32 s1, $0x11  }
0xfc: {  	s1 =	sor.u32 s1, s2  }
0xfd: {  	s1 =	sadd.s32 $0x8F2B, s1  }
0xfe: {  	[sflag:s1] =	ssyncadd.remote.s32 $0x1  }
0xff: {  	_ =	sfence.sel $0xFFFF  }
0x100: {  	[dreg:$0x0] =	wrdreg $0xFFFFFFFF;
	(pc) =	sbr.abs _section_cstart, $3  }
0x101: {  	[dreg:$0x1] =	wrdreg $0xFFFFFFFF  }
0x102: {  	_ =	task.clear_ibuf [dreg:s0], $0x2FFFF;
	_ =	strace $0x9FFFFFFF  }
0x103: {  	(tm) =	ssettm $0x7FFFFFFF  }
tec
_tile_task_arg_handler_lowered:
.L_overlay_start_1:
0x0: {  	(tag) =	ssettag $0x1  }
0x1: {  	s0 =	rddreg [dreg:$0x0]  }
0x2: {  	s1 =	rddreg [dreg:$0x1]  }
0x3: {  	s2 =	rddreg [dreg:$0x2]  }
0x4: {  	s3 =	rddreg [dreg:$0x3]  }
0x5: {  	s4 =	rddreg [dreg:$0x4]  }
0x6: {  	s5 =	rddreg [dreg:$0x5]  }
0x7: {  	s6 =	rddreg [dreg:$0x6]  }
0x8: {  	s7 =	rddreg [dreg:$0x7]  }
0x9: {  	s8 =	rddreg [dreg:$0x8]  }
0xa: {  	s9 =	rddreg [dreg:$0x9]  }
0xb: {  	s10 =	rddreg [dreg:$0xa]  }
0xc: {  	s11 =	rddreg [dreg:$0xb]  }
0xd: {  	s12 =	rddreg [dreg:$0xc]  }
0xe: {  	s13 =	rddreg [dreg:$0xd]  }
0xf: {  	[smem:s0] =	sst s1  }
0x10: {  	[smem:s0+$0x1] =	sst s2  }
0x11: {  	[smem:s0+$0x2] =	sst s3  }
0x12: {  	[smem:s0+$0x3] =	sst s4  }
0x13: {  	[smem:s0+$0x4] =	sst s5  }
0x14: {  	[smem:s0+$0x5] =	sst s6  }
0x15: {  	[smem:s0+$0x6] =	sst s7  }
0x16: {  	[smem:s0+$0x7] =	sst s8  }
0x17: {  	[smem:s0+$0x8] =	sst s9  }
0x18: {  	[smem:s0+$0x9] =	sst s10  }
0x19: {  	[smem:s0+$0xA] =	sst s11  }
0x1a: {  	[smem:s0+$0xB] =	sst s12  }
0x1b: {  	[smem:s0+$0xC] =	sst s13;
	_ =	shalt  }
.Lfunc_end2:
execute0_lowered:
.L_overlay_start_2:
0x1c: {  	(tag) =	ssettag $0x2  }
0x1d: {  	s31 =	rddreg [dreg:$0x0]  }
0x1e: {  	s29 =	rddreg [dreg:$0x1]  }
0x1f: {  	s26 =	rddreg [dreg:$0x2]  }
0x20: {  	s25 =	rddreg [dreg:$0x3]  }
0x21: {  	s24 =	rddreg [dreg:$0x4]  }
0x22: {  	s23 =	rddreg [dreg:$0x5]  }
0x23: {  	s22 =	rddreg [dreg:$0x6]  }
0x24: {  	s21 =	rddreg [dreg:$0x7]  }
0x25: {  	s20 =	rddreg [dreg:$0x8]  }
0x26: {  	s19 =	rddreg [dreg:$0x9]  }
0x27: {  	s18 =	rddreg [dreg:$0xa]  }
0x28: {  	s17 =	rddreg [dreg:$0xb]  }
0x29: {  	s16 =	rddreg [dreg:$0xc]  }
0x2a: {  	s15 =	rddreg [dreg:$0xd];
	s0 =	simm.s32 $0x0  }
0x2b: {  	[smem:$0x7FF] =	sst s0  }
0x2c: {  	s14 =	sld [smem:$0x0]  }
0x2d: {  	s13 =	sld [smem:$0x1]  }
0x2e: {  	s12 =	sld [smem:$0x2]  }
0x2f: {  	s11 =	sld [smem:$0x3]  }
0x30: {  	s10 =	sld [smem:$0x4]  }
0x31: {  	s9 =	sld [smem:$0x5]  }
0x32: {  	s8 =	sld [smem:$0x6]  }
0x33: {  	s7 =	sld [smem:$0x7]  }
0x34: {  	s6 =	sld [smem:$0x8]  }
0x35: {  	s5 =	sld [smem:$0x9]  }
0x36: {  	s4 =	sld [smem:$0xA]  }
0x37: {  	s1 =	sld [smem:$0xB]  }
0x38: {  	s2 =	sld [smem:$0xC]  }
0x39: {  	s30 =	sld [smem:$0xD]  }
0x3a: {  	s3 =	sld [smem:$0xE]  }
0x3b: {  	[smem:$0x7FB] =	sst s1  }
0x3c: {  	[smem:$0x7FC] =	sst s2  }
0x3d: {  	[smem:$0x7D6] =	sst s3;
	s2 =	sadd.s32 $0x193000, s29  }
0x3e: {  	s3 =	sadd.s32 $0x1C3E00, s29;
	_ =	strace $0x80000047;
	[dreg:$0xe] =	wrdreg s2  }
0x3f: {  	[dreg:$0xf] =	wrdreg s3;
	s2 =	sadd.s32 $0x1F4C00, s29  }
0x40: {  	s3 =	sadd.s32 $0x225A00, s29;
	[dreg:$0x10] =	wrdreg s2  }
0x41: {  	[dreg:$0x11] =	wrdreg s3;
	s2 =	sadd.s32 $0x256800, s29  }
0x42: {  	s3 =	sadd.s32 $0x287600, s29;
	[dreg:$0x12] =	wrdreg s2  }
0x43: {  	[dreg:$0x13] =	wrdreg s3;
	s2 =	sadd.s32 $0x2B8400, s29  }
0x44: {  	s3 =	sadd.s32 $0x2E9200, s29;
	[dreg:$0x14] =	wrdreg s2  }
0x45: {  	[dreg:$0x15] =	wrdreg s3;
	s2 =	sadd.s32 $0x31A000, s29  }
0x46: {  	s3 =	sadd.s32 $0x34AE00, s29;
	[dreg:$0x16] =	wrdreg s2  }
0x47: {  	[dreg:$0x17] =	wrdreg s3;
	s2 =	sadd.s32 $0x37BC00, s29  }
0x48: {  	s3 =	sadd.s32 $0x3ACA00, s29;
	[dreg:$0x18] =	wrdreg s2  }
0x49: {  	[dreg:$0x19] =	wrdreg s3;
	s2 =	sadd.s32 $0x3DD800, s29  }
0x4a: {  	s3 =	sadd.s32 $0x40E600, s29;
	[dreg:$0x1a] =	wrdreg s2  }
0x4b: {  	[dreg:$0x1b] =	wrdreg s3;
	s2 =	sadd.s32 $0x43F400, s29  }
0x4c: {  	s3 =	sadd.s32 $0x470200, s29;
	[dreg:$0x1c] =	wrdreg s2  }
0x4d: {  	[dreg:$0x1d] =	wrdreg s3;
	s2 =	sadd.s32 $0x4A1000, s29  }
0x4e: {  	s3 =	sadd.s32 $0x4D1E00, s29;
	[dreg:$0x1e] =	wrdreg s2  }
0x4f: {  	[dreg:$0x1f] =	wrdreg s3;
	s2 =	sadd.s32 $0x502C00, s29  }
0x50: {  	s28 =	srdreg.scid;
	s3 =	sadd.s32 $0x533A00, s29;
	[smem:$0x7D7] =	sst s2  }
0x51: {  	s28 =	sand.u32 $0x1, s28;
	[smem:$0x7D8] =	sst s3;
	s2 =	sadd.s32 $0x564800, s29  }
0x52: {  	s1 =	sshll.u32 s28, $0x9;
	[smem:$0x7D9] =	sst s2;
	s2 =	sadd.s32 $0x5C6400, s29  }
0x53: {  	s3 =	sadd.s32 $0x595600, s29;
	[smem:$0x7DB] =	sst s2;
	s2 =	stileid.u32  }
0x54: {  	[smem:$0x7DA] =	sst s3;
	s3 =	sadd.s32 $0x5F7200, s29;
	s2 =	sshll.u32 s2, $0xA  }
0x55: {  	[smem:$0x7DC] =	sst s3;
	s3 =	sadd.s32 $0x628000, s29;
	s2 =	sor.u32 s1, s2  }
0x56: {  	[smem:$0x7DD] =	sst s3;
	s3 =	sadd.s32 $0x658E00, s29;
	s1 =	sshrl.u32 s2, $0x3  }
0x57: {  	[smem:$0x7DE] =	sst s3;
	s3 =	sadd.s32 s31, s1  }
0x58: {  	s26 =	sadd.s32 s26, s1;
	[smem:$0x7FD] =	sst s3  }
0x59: {  	s20 =	sadd.s32 s20, s1;
	[smem:$0x7DF] =	sst s26  }
0x5a: {  	s26 =	sadd.s32 s25, s1;
	[smem:$0x7EB] =	sst s20  }
0x5b: {  	s25 =	sadd.s32 s24, s1;
	[smem:$0x7E1] =	sst s26  }
0x5c: {  	s2 =	smul.u32 $0x34, s2;
	s24 =	sadd.s32 s22, s1;
	[smem:$0x7E3] =	sst s25  }
0x5d: {  	s22 =	sadd.s32 s19, s1;
	[smem:$0x7E7] =	sst s24  }
0x5e: {  	s31 =	sadd.s32 s30, s2;
	s19 =	sadd.s32 s15, s1;
	[smem:$0x7ED] =	sst s22  }
0x5f: {  	s3 =	sadd.s32 $0x2, s31;
	[smem:$0x7F5] =	sst s19  }
0x60: {  	s26 =	sadd.s32 $0x6, s31;
	[smem:$0x7E0] =	sst s3  }
0x61: {  	s25 =	sadd.s32 $0xA, s31;
	[smem:$0x7E4] =	sst s26  }
0x62: {  	p0 =	por $0x0, $0x0;
	s24 =	sadd.s32 s18, s1;
	[smem:$0x7E8] =	sst s25  }
0x63: {  	s30 =	sadd.s32 s12, s1;
	s18 =	sadd.s32 $0x16, s31;
	[smem:$0x7EF] =	sst s24  }
0x64: {  	s15 =	sadd.s32 s5, s1;
	s20 =	sadd.s32 $0x18, s31;
	[smem:$0x7F4] =	sst s18  }
0x65: {  	s5 =	simm.s32 $0x200;
	s3 =	sadd.s32 $0x4, s31;
	[smem:$0x7F6] =	sst s20  }
0x66: {  	s22 =	ssub.s32 $0x2, s28;
	s26 =	sadd.s32 s21, s1;
	[smem:$0x7E2] =	sst s3  }
0x67: {  	s29 =	sadd.s32 $0x1E, s31;
	s21 =	sadd.s32 $0xE, s31;
	[smem:$0x7E9] =	sst s26  }
0x68: {  	s28 =	sadd.s32 s11, s1;
	s25 =	sadd.s32 $0x12, s31;
	[smem:$0x7EC] =	sst s21  }
0x69: {  	s19 =	sadd.s32 s7, s1;
	s3 =	sadd.s32 s23, s1;
	[smem:$0x7F0] =	sst s25  }
0x6a: {  	s12 =	sadd.s32 $0x2E, s31;
	s23 =	sadd.s32 $0x8, s31;
	[smem:$0x7E5] =	sst s3  }
0x6b: {  	s7 =	simm.s32 $0x1;
	s26 =	sadd.s32 s17, s1;
	[smem:$0x7E6] =	sst s23  }
0x6c: {  	s24 =	sshrl.u32 s22, $0x1;
	s17 =	sadd.s32 s16, s1;
	[smem:$0x7F1] =	sst s26  }
0x6d: {  	s20 =	sadd.s32 $0x26, s31;
	s21 =	sadd.s32 s14, s1;
	[smem:$0x7F3] =	sst s17  }
0x6e: {  	s18 =	sadd.s32 $0x28, s31;
	s25 =	sadd.s32 s13, s1;
	[smem:$0x7F7] =	sst s21  }
0x6f: {  	s16 =	sadd.s32 $0x2A, s31;
	s14 =	sadd.s32 $0x2C, s31;
	[smem:$0x7F9] =	sst s25  }
0x70: {  	s3 =	sadd.s32 $0xC, s31;
	s21 =	sadd.s32 s8, s1;
	s8 =	sld [smem:$0x7FB]  }
0x71: {  	s13 =	sadd.s32 s4, s1;
	s23 =	sadd.s32 $0x10, s31;
	[smem:$0x7EA] =	sst s3  }
0x72: {  	s4 =	sadd.s32 $0x32, s31;
	[smem:$0x7EE] =	sst s23;
	s3 =	sadd.s32 $0x14, s31  }
0x73: {  	s23 =	sadd.s32 $0x1A, s31;
	[smem:$0x7F2] =	sst s3;
	s3 =	ssub.s32 s22, s24  }
0x74: {  	[smem:$0x7F8] =	sst s23;
	s23 =	sadd.s32 s9, s1;
	s9 =	smax.u32 s3, $0x1  }
0x75: {  	s25 =	sadd.s32 s10, s1;
	s10 =	sld [smem:$0x7FC];
	p1 =	sne.s32 s9, $0x1  }
.Ltmp0:
0x76: {  	s26 =	sadd.s32 $0x1C, s31;
	s17 =	sadd.s32 s6, s1;
	(pc) =	sbr.rel @!p1 .LBB3_3-.Ltmp0, $4  }
0x77: {  	[smem:$0x7FA] =	sst s26;
	s26 =	sadd.s32 $0x20, s31;
	s24 =	sadd.s32 $0x22, s31  }
0x78: {  	s22 =	sadd.s32 $0x24, s31;
	s11 =	sadd.s32 s8, s1;
	s6 =	sadd.s32 s10, s1  }
0x79: {  	s10 =	sadd.s32 $0x30, s31;
	s3 =	simm.s32 $0x2;
	s8 =	simm.s32 $0x10  }
0x7a: {  	s1 =	sld [smem:$0x7FD];
	s2 =	sadd.s32 $0xFFFFFFFF, s9;
	s9 =	simm.s32 $0x1A0  }
0x7b: {  	_ =	sdelay $0x1  }
0x7c: {  	[tilespmem:s0], [sflag:$0x2] =	stream.linear.gather [hbm4b:s1+s0], $0x200, $0x38;
	[tilespmem:$0x2200] =	vst v63  }
0x7d: {  	_ =	swait.ge [sflag:s3], $0x200  }
0x7e: {  	[sflag:s3] =	ssyncset.done $0x0  }
0x7f: {  	s1 =	rddreg [dreg:$0xe];
	[sflag:s3] =	ssyncadd.s32 $0xFFFFFE00  }
0x80: {  	[tilespmem:s5], [sflag:$0x1] =	stream.indirect.gather [hbm4b:s1+s5], $0x10, s0, s5, $0xb8;
	[tilespmem:$0x2200] =	vst v63  }
0x81: {  	_ =	swait.ge [sflag:s7], $0x2000  }
0x82: {  	[sflag:s7] =	ssyncset.done $0x0  }
0x83: {  	[sflag:s7] =	ssyncadd.s32 $0xFFFFE000  }
0x84: {  	[hbm4b:s31+s8] =	stream.strided.scatter [tilespmem:s5], [sflag:$0x2], $0x2000, s9, s8, $0x38;
	[tilespmem:$0x2200] =	vst v63  }
0x85: {  	_ =	swait.ge [sflag:s3], $0x2000  }
0x86: {  	s1 =	sld [smem:$0x7DF]  }
0x87: {  	[sflag:s3] =	ssyncset.done $0x0  }
0x88: {  	[sflag:s3] =	ssyncadd.s32 $0xFFFFE000  }
0x89: {  	[tilespmem:s0], [sflag:$0x2] =	stream.linear.gather [hbm4b:s1+s0], $0x200, $0x38;
	[tilespmem:$0x2200] =	vst v63  }
0x8a: {  	_ =	swait.ge [sflag:s3], $0x200  }
0x8b: {  	[sflag:s3] =	ssyncset.done $0x0  }
0x8c: {  	s1 =	rddreg [dreg:$0xf];
	[sflag:s3] =	ssyncadd.s32 $0xFFFFFE00  }
0x8d: {  	[tilespmem:s5], [sflag:$0x1] =	stream.indirect.gather [hbm4b:s1+s5], $0x10, s0, s5, $0xb8;
	[tilespmem:$0x2200] =	vst v63  }
0x8e: {  	_ =	swait.ge [sflag:s7], $0x2000  }
0x8f: {  	s1 =	sld [smem:$0x7E0]  }
0x90: {  	[sflag:s7] =	ssyncset.done $0x0  }
0x91: {  	[sflag:s7] =	ssyncadd.s32 $0xFFFFE000  }
0x92: {  	[hbm4b:s1+s8] =	stream.strided.scatter [tilespmem:s5], [sflag:$0x2], $0x2000, s9, s8, $0x38;
	[tilespmem:$0x2200] =	vst v63  }
0x93: {  	_ =	swait.ge [sflag:s3], $0x2000  }
0x94: {  	s1 =	sld [smem:$0x7E1]  }
0x95: {  	[sflag:s3] =	ssyncset.done $0x0  }
0x96: {  	[sflag:s3] =	ssyncadd.s32 $0xFFFFE000  }
0x97: {  	[tilespmem:s0], [sflag:$0x2] =	stream.linear.gather [hbm4b:s1+s0], $0x200, $0x38;
	[tilespmem:$0x2200] =	vst v63  }
0x98: {  	_ =	swait.ge [sflag:s3], $0x200  }
0x99: {  	[sflag:s3] =	ssyncset.done $0x0  }
0x9a: {  	s1 =	rddreg [dreg:$0x10];
	[sflag:s3] =	ssyncadd.s32 $0xFFFFFE00  }
0x9b: {  	[tilespmem:s5], [sflag:$0x1] =	stream.indirect.gather [hbm4b:s1+s5], $0x10, s0, s5, $0xb8;
	[tilespmem:$0x2200] =	vst v63  }
0x9c: {  	_ =	swait.ge [sflag:s7], $0x2000  }
0x9d: {  	s1 =	sld [smem:$0x7E2]  }
0x9e: {  	[sflag:s7] =	ssyncset.done $0x0  }
0x9f: {  	[sflag:s7] =	ssyncadd.s32 $0xFFFFE000  }
0xa0: {  	[hbm4b:s1+s8] =	stream.strided.scatter [tilespmem:s5], [sflag:$0x2], $0x2000, s9, s8, $0x38;
	[tilespmem:$0x2200] =	vst v63  }
0xa1: {  	_ =	swait.ge [sflag:s3], $0x2000  }
0xa2: {  	s1 =	sld [smem:$0x7E3]  }
0xa3: {  	[sflag:s3] =	ssyncset.done $0x0  }
0xa4: {  	[sflag:s3] =	ssyncadd.s32 $0xFFFFE000  }
0xa5: {  	[tilespmem:s0], [sflag:$0x2] =	stream.linear.gather [hbm4b:s1+s0], $0x200, $0x38;
	[tilespmem:$0x2200] =	vst v63  }
0xa6: {  	_ =	swait.ge [sflag:s3], $0x200  }
0xa7: {  	[sflag:s3] =	ssyncset.done $0x0  }
0xa8: {  	s1 =	rddreg [dreg:$0x11];
	[sflag:s3] =	ssyncadd.s32 $0xFFFFFE00  }
0xa9: {  	[tilespmem:s5], [sflag:$0x1] =	stream.indirect.gather [hbm4b:s1+s5], $0x10, s0, s5, $0xb8;
	[tilespmem:$0x2200] =	vst v63  }
0xaa: {  	_ =	swait.ge [sflag:s7], $0x2000  }
0xab: {  	s1 =	sld [smem:$0x7E4]  }
0xac: {  	[sflag:s7] =	ssyncset.done $0x0  }
0xad: {  	[sflag:s7] =	ssyncadd.s32 $0xFFFFE000  }
0xae: {  	[hbm4b:s1+s8] =	stream.strided.scatter [tilespmem:s5], [sflag:$0x2], $0x2000, s9, s8, $0x38;
	[tilespmem:$0x2200] =	vst v63  }
0xaf: {  	_ =	swait.ge [sflag:s3], $0x2000  }
0xb0: {  	s1 =	sld [smem:$0x7E5]  }
0xb1: {  	[sflag:s3] =	ssyncset.done $0x0  }
0xb2: {  	[sflag:s3] =	ssyncadd.s32 $0xFFFFE000  }
0xb3: {  	[tilespmem:s0], [sflag:$0x2] =	stream.linear.gather [hbm4b:s1+s0], $0x200, $0x38;
	[tilespmem:$0x2200] =	vst v63  }
0xb4: {  	_ =	swait.ge [sflag:s3], $0x200  }
0xb5: {  	[sflag:s3] =	ssyncset.done $0x0  }
0xb6: {  	s1 =	rddreg [dreg:$0x12];
	[sflag:s3] =	ssyncadd.s32 $0xFFFFFE00  }
0xb7: {  	[tilespmem:s5], [sflag:$0x1] =	stream.indirect.gather [hbm4b:s1+s5], $0x10, s0, s5, $0xb8;
	[tilespmem:$0x2200] =	vst v63  }
0xb8: {  	_ =	swait.ge [sflag:s7], $0x2000  }
0xb9: {  	s1 =	sld [smem:$0x7E6]  }
0xba: {  	[sflag:s7] =	ssyncset.done $0x0  }
0xbb: {  	[sflag:s7] =	ssyncadd.s32 $0xFFFFE000  }
0xbc: {  	[hbm4b:s1+s8] =	stream.strided.scatter [tilespmem:s5], [sflag:$0x2], $0x2000, s9, s8, $0x38;
	[tilespmem:$0x2200] =	vst v63  }
0xbd: {  	_ =	swait.ge [sflag:s3], $0x2000  }
0xbe: {  	s1 =	sld [smem:$0x7E7]  }
0xbf: {  	[sflag:s3] =	ssyncset.done $0x0  }
0xc0: {  	[sflag:s3] =	ssyncadd.s32 $0xFFFFE000  }
0xc1: {  	[tilespmem:s0], [sflag:$0x2] =	stream.linear.gather [hbm4b:s1+s0], $0x200, $0x38;
	[tilespmem:$0x2200] =	vst v63  }
0xc2: {  	_ =	swait.ge [sflag:s3], $0x200  }
0xc3: {  	[sflag:s3] =	ssyncset.done $0x0  }
0xc4: {  	s1 =	rddreg [dreg:$0x13];
	[sflag:s3] =	ssyncadd.s32 $0xFFFFFE00  }
0xc5: {  	[tilespmem:s5], [sflag:$0x1] =	stream.indirect.gather [hbm4b:s1+s5], $0x10, s0, s5, $0xb8;
	[tilespmem:$0x2200] =	vst v63  }
0xc6: {  	_ =	swait.ge [sflag:s7], $0x2000  }
0xc7: {  	s1 =	sld [smem:$0x7E8]  }
0xc8: {  	[sflag:s7] =	ssyncset.done $0x0  }
0xc9: {  	[sflag:s7] =	ssyncadd.s32 $0xFFFFE000  }
0xca: {  	[hbm4b:s1+s8] =	stream.strided.scatter [tilespmem:s5], [sflag:$0x2], $0x2000, s9, s8, $0x38;
	[tilespmem:$0x2200] =	vst v63  }
0xcb: {  	_ =	swait.ge [sflag:s3], $0x2000  }
0xcc: {  	s1 =	sld [smem:$0x7E9]  }
0xcd: {  	[sflag:s3] =	ssyncset.done $0x0  }
0xce: {  	[sflag:s3] =	ssyncadd.s32 $0xFFFFE000  }
0xcf: {  	[tilespmem:s0], [sflag:$0x2] =	stream.linear.gather [hbm4b:s1+s0], $0x200, $0x38;
	[tilespmem:$0x2200] =	vst v63  }
0xd0: {  	_ =	swait.ge [sflag:s3], $0x200  }
0xd1: {  	[sflag:s3] =	ssyncset.done $0x0  }
0xd2: {  	s1 =	rddreg [dreg:$0x14];
	[sflag:s3] =	ssyncadd.s32 $0xFFFFFE00  }
0xd3: {  	[tilespmem:s5], [sflag:$0x1] =	stream.indirect.gather [hbm4b:s1+s5], $0x10, s0, s5, $0xb8;
	[tilespmem:$0x2200] =	vst v63  }
0xd4: {  	_ =	swait.ge [sflag:s7], $0x2000  }
0xd5: {  	s1 =	sld [smem:$0x7EA]  }
0xd6: {  	[sflag:s7] =	ssyncset.done $0x0  }
0xd7: {  	[sflag:s7] =	ssyncadd.s32 $0xFFFFE000  }
0xd8: {  	[hbm4b:s1+s8] =	stream.strided.scatter [tilespmem:s5], [sflag:$0x2], $0x2000, s9, s8, $0x38;
	[tilespmem:$0x2200] =	vst v63  }
0xd9: {  	_ =	swait.ge [sflag:s3], $0x2000  }
0xda: {  	s1 =	sld [smem:$0x7EB]  }
0xdb: {  	[sflag:s3] =	ssyncset.done $0x0  }
0xdc: {  	[sflag:s3] =	ssyncadd.s32 $0xFFFFE000  }
0xdd: {  	[tilespmem:s0], [sflag:$0x2] =	stream.linear.gather [hbm4b:s1+s0], $0x200, $0x38;
	[tilespmem:$0x2200] =	vst v63  }
0xde: {  	_ =	swait.ge [sflag:s3], $0x200  }
0xdf: {  	[sflag:s3] =	ssyncset.done $0x0  }
0xe0: {  	s1 =	rddreg [dreg:$0x15];
	[sflag:s3] =	ssyncadd.s32 $0xFFFFFE00  }
0xe1: {  	[tilespmem:s5], [sflag:$0x1] =	stream.indirect.gather [hbm4b:s1+s5], $0x10, s0, s5, $0xb8;
	[tilespmem:$0x2200] =	vst v63  }
0xe2: {  	_ =	swait.ge [sflag:s7], $0x2000  }
0xe3: {  	s1 =	sld [smem:$0x7EC]  }
0xe4: {  	[sflag:s7] =	ssyncset.done $0x0  }
0xe5: {  	[sflag:s7] =	ssyncadd.s32 $0xFFFFE000  }
0xe6: {  	[hbm4b:s1+s8] =	stream.strided.scatter [tilespmem:s5], [sflag:$0x2], $0x2000, s9, s8, $0x38;
	[tilespmem:$0x2200] =	vst v63  }
0xe7: {  	_ =	swait.ge [sflag:s3], $0x2000  }
0xe8: {  	s1 =	sld [smem:$0x7ED]  }
0xe9: {  	[sflag:s3] =	ssyncset.done $0x0  }
0xea: {  	[sflag:s3] =	ssyncadd.s32 $0xFFFFE000  }
0xeb: {  	[tilespmem:s0], [sflag:$0x2] =	stream.linear.gather [hbm4b:s1+s0], $0x200, $0x38;
	[tilespmem:$0x2200] =	vst v63  }
0xec: {  	_ =	swait.ge [sflag:s3], $0x200  }
0xed: {  	[sflag:s3] =	ssyncset.done $0x0  }
0xee: {  	s1 =	rddreg [dreg:$0x16];
	[sflag:s3] =	ssyncadd.s32 $0xFFFFFE00  }
0xef: {  	[tilespmem:s5], [sflag:$0x1] =	stream.indirect.gather [hbm4b:s1+s5], $0x10, s0, s5, $0xb8;
	[tilespmem:$0x2200] =	vst v63  }
0xf0: {  	_ =	swait.ge [sflag:s7], $0x2000  }
0xf1: {  	s1 =	sld [smem:$0x7EE]  }
0xf2: {  	[sflag:s7] =	ssyncset.done $0x0  }
0xf3: {  	[sflag:s7] =	ssyncadd.s32 $0xFFFFE000  }
0xf4: {  	[hbm4b:s1+s8] =	stream.strided.scatter [tilespmem:s5], [sflag:$0x2], $0x2000, s9, s8, $0x38;
	[tilespmem:$0x2200] =	vst v63  }
0xf5: {  	_ =	swait.ge [sflag:s3], $0x2000  }
0xf6: {  	s1 =	sld [smem:$0x7EF]  }
0xf7: {  	[sflag:s3] =	ssyncset.done $0x0  }
0xf8: {  	[sflag:s3] =	ssyncadd.s32 $0xFFFFE000  }
0xf9: {  	[tilespmem:s0], [sflag:$0x2] =	stream.linear.gather [hbm4b:s1+s0], $0x200, $0x38;
	[tilespmem:$0x2200] =	vst v63  }
0xfa: {  	_ =	swait.ge [sflag:s3], $0x200  }
0xfb: {  	[sflag:s3] =	ssyncset.done $0x0  }
0xfc: {  	s1 =	rddreg [dreg:$0x17];
	[sflag:s3] =	ssyncadd.s32 $0xFFFFFE00  }
0xfd: {  	[tilespmem:s5], [sflag:$0x1] =	stream.indirect.gather [hbm4b:s1+s5], $0x10, s0, s5, $0xb8;
	[tilespmem:$0x2200] =	vst v63  }
0xfe: {  	_ =	swait.ge [sflag:s7], $0x2000  }
0xff: {  	s1 =	sld [smem:$0x7F0]  }
0x100: {  	[sflag:s7] =	ssyncset.done $0x0  }
0x101: {  	[sflag:s7] =	ssyncadd.s32 $0xFFFFE000  }
0x102: {  	[hbm4b:s1+s8] =	stream.strided.scatter [tilespmem:s5], [sflag:$0x2], $0x2000, s9, s8, $0x38;
	[tilespmem:$0x2200] =	vst v63  }
0x103: {  	_ =	swait.ge [sflag:s3], $0x2000  }
0x104: {  	s1 =	sld [smem:$0x7F1]  }
0x105: {  	[sflag:s3] =	ssyncset.done $0x0  }
0x106: {  	[sflag:s3] =	ssyncadd.s32 $0xFFFFE000  }
0x107: {  	[tilespmem:s0], [sflag:$0x2] =	stream.linear.gather [hbm4b:s1+s0], $0x200, $0x38;
	[tilespmem:$0x2200] =	vst v63  }
0x108: {  	_ =	swait.ge [sflag:s3], $0x200  }
0x109: {  	[sflag:s3] =	ssyncset.done $0x0  }
0x10a: {  	s1 =	rddreg [dreg:$0x18];
	[sflag:s3] =	ssyncadd.s32 $0xFFFFFE00  }
0x10b: {  	[tilespmem:s5], [sflag:$0x1] =	stream.indirect.gather [hbm4b:s1+s5], $0x10, s0, s5, $0xb8;
	[tilespmem:$0x2200] =	vst v63  }
0x10c: {  	_ =	swait.ge [sflag:s7], $0x2000  }
0x10d: {  	s1 =	sld [smem:$0x7F2]  }
0x10e: {  	[sflag:s7] =	ssyncset.done $0x0  }
0x10f: {  	[sflag:s7] =	ssyncadd.s32 $0xFFFFE000  }
0x110: {  	[hbm4b:s1+s8] =	stream.strided.scatter [tilespmem:s5], [sflag:$0x2], $0x2000, s9, s8, $0x38;
	[tilespmem:$0x2200] =	vst v63  }
0x111: {  	_ =	swait.ge [sflag:s3], $0x2000  }
0x112: {  	s1 =	sld [smem:$0x7F3]  }
0x113: {  	[sflag:s3] =	ssyncset.done $0x0  }
0x114: {  	[sflag:s3] =	ssyncadd.s32 $0xFFFFE000  }
0x115: {  	[tilespmem:s0], [sflag:$0x2] =	stream.linear.gather [hbm4b:s1+s0], $0x200, $0x38;
	[tilespmem:$0x2200] =	vst v63  }
0x116: {  	_ =	swait.ge [sflag:s3], $0x200  }
0x117: {  	[sflag:s3] =	ssyncset.done $0x0  }
0x118: {  	s1 =	rddreg [dreg:$0x19];
	[sflag:s3] =	ssyncadd.s32 $0xFFFFFE00  }
0x119: {  	[tilespmem:s5], [sflag:$0x1] =	stream.indirect.gather [hbm4b:s1+s5], $0x10, s0, s5, $0xb8;
	[tilespmem:$0x2200] =	vst v63  }
0x11a: {  	_ =	swait.ge [sflag:s7], $0x2000  }
0x11b: {  	s1 =	sld [smem:$0x7F4]  }
0x11c: {  	[sflag:s7] =	ssyncset.done $0x0  }
0x11d: {  	[sflag:s7] =	ssyncadd.s32 $0xFFFFE000  }
0x11e: {  	[hbm4b:s1+s8] =	stream.strided.scatter [tilespmem:s5], [sflag:$0x2], $0x2000, s9, s8, $0x38;
	[tilespmem:$0x2200] =	vst v63  }
0x11f: {  	_ =	swait.ge [sflag:s3], $0x2000  }
0x120: {  	s1 =	sld [smem:$0x7F5]  }
0x121: {  	[sflag:s3] =	ssyncset.done $0x0  }
0x122: {  	[sflag:s3] =	ssyncadd.s32 $0xFFFFE000  }
0x123: {  	[tilespmem:s0], [sflag:$0x2] =	stream.linear.gather [hbm4b:s1+s0], $0x200, $0x38;
	[tilespmem:$0x2200] =	vst v63  }
0x124: {  	_ =	swait.ge [sflag:s3], $0x200  }
0x125: {  	[sflag:s3] =	ssyncset.done $0x0  }
0x126: {  	s1 =	rddreg [dreg:$0x1a];
	[sflag:s3] =	ssyncadd.s32 $0xFFFFFE00  }
0x127: {  	[tilespmem:s5], [sflag:$0x1] =	stream.indirect.gather [hbm4b:s1+s5], $0x10, s0, s5, $0xb8;
	[tilespmem:$0x2200] =	vst v63  }
0x128: {  	_ =	swait.ge [sflag:s7], $0x2000  }
0x129: {  	s1 =	sld [smem:$0x7F6]  }
0x12a: {  	[sflag:s7] =	ssyncset.done $0x0  }
0x12b: {  	[sflag:s7] =	ssyncadd.s32 $0xFFFFE000  }
0x12c: {  	[hbm4b:s1+s8] =	stream.strided.scatter [tilespmem:s5], [sflag:$0x2], $0x2000, s9, s8, $0x38;
	[tilespmem:$0x2200] =	vst v63  }
0x12d: {  	_ =	swait.ge [sflag:s3], $0x2000  }
0x12e: {  	s1 =	sld [smem:$0x7F7]  }
0x12f: {  	[sflag:s3] =	ssyncset.done $0x0  }
0x130: {  	[sflag:s3] =	ssyncadd.s32 $0xFFFFE000  }
0x131: {  	[tilespmem:s0], [sflag:$0x2] =	stream.linear.gather [hbm4b:s1+s0], $0x200, $0x38;
	[tilespmem:$0x2200] =	vst v63  }
0x132: {  	_ =	swait.ge [sflag:s3], $0x200  }
0x133: {  	[sflag:s3] =	ssyncset.done $0x0  }
0x134: {  	s1 =	rddreg [dreg:$0x1b];
	[sflag:s3] =	ssyncadd.s32 $0xFFFFFE00  }
0x135: {  	[tilespmem:s5], [sflag:$0x1] =	stream.indirect.gather [hbm4b:s1+s5], $0x10, s0, s5, $0xb8;
	[tilespmem:$0x2200] =	vst v63  }
0x136: {  	_ =	swait.ge [sflag:s7], $0x2000  }
0x137: {  	s1 =	sld [smem:$0x7F8]  }
0x138: {  	[sflag:s7] =	ssyncset.done $0x0  }
0x139: {  	[sflag:s7] =	ssyncadd.s32 $0xFFFFE000  }
0x13a: {  	[hbm4b:s1+s8] =	stream.strided.scatter [tilespmem:s5], [sflag:$0x2], $0x2000, s9, s8, $0x38;
	[tilespmem:$0x2200] =	vst v63  }
0x13b: {  	_ =	swait.ge [sflag:s3], $0x2000  }
0x13c: {  	s1 =	sld [smem:$0x7F9]  }
0x13d: {  	[sflag:s3] =	ssyncset.done $0x0  }
0x13e: {  	[sflag:s3] =	ssyncadd.s32 $0xFFFFE000  }
0x13f: {  	[tilespmem:s0], [sflag:$0x2] =	stream.linear.gather [hbm4b:s1+s0], $0x200, $0x38;
	[tilespmem:$0x2200] =	vst v63  }
0x140: {  	_ =	swait.ge [sflag:s3], $0x200  }
0x141: {  	[sflag:s3] =	ssyncset.done $0x0  }
0x142: {  	s1 =	rddreg [dreg:$0x1c];
	[sflag:s3] =	ssyncadd.s32 $0xFFFFFE00  }
0x143: {  	[tilespmem:s5], [sflag:$0x1] =	stream.indirect.gather [hbm4b:s1+s5], $0x10, s0, s5, $0xb8;
	[tilespmem:$0x2200] =	vst v63  }
0x144: {  	_ =	swait.ge [sflag:s7], $0x2000  }
0x145: {  	s1 =	sld [smem:$0x7FA]  }
0x146: {  	[sflag:s7] =	ssyncset.done $0x0  }
0x147: {  	[sflag:s7] =	ssyncadd.s32 $0xFFFFE000  }
0x148: {  	[hbm4b:s1+s8] =	stream.strided.scatter [tilespmem:s5], [sflag:$0x2], $0x2000, s9, s8, $0x38;
	[tilespmem:$0x2200] =	vst v63  }
0x149: {  	_ =	swait.ge [sflag:s3], $0x2000  }
0x14a: {  	[sflag:s3] =	ssyncset.done $0x0  }
0x14b: {  	[sflag:s3] =	ssyncadd.s32 $0xFFFFE000  }
0x14c: {  	[tilespmem:s0], [sflag:$0x2] =	stream.linear.gather [hbm4b:s30+s0], $0x200, $0x38;
	[tilespmem:$0x2200] =	vst v63  }
0x14d: {  	_ =	swait.ge [sflag:s3], $0x200  }
0x14e: {  	[sflag:s3] =	ssyncset.done $0x0  }
0x14f: {  	s1 =	rddreg [dreg:$0x1d];
	[sflag:s3] =	ssyncadd.s32 $0xFFFFFE00  }
0x150: {  	[tilespmem:s5], [sflag:$0x1] =	stream.indirect.gather [hbm4b:s1+s5], $0x10, s0, s5, $0xb8;
	[tilespmem:$0x2200] =	vst v63  }
0x151: {  	_ =	swait.ge [sflag:s7], $0x2000  }
0x152: {  	[sflag:s7] =	ssyncset.done $0x0  }
0x153: {  	[sflag:s7] =	ssyncadd.s32 $0xFFFFE000  }
0x154: {  	[hbm4b:s29+s8] =	stream.strided.scatter [tilespmem:s5], [sflag:$0x2], $0x2000, s9, s8, $0x38;
	[tilespmem:$0x2200] =	vst v63  }
0x155: {  	_ =	swait.ge [sflag:s3], $0x2000  }
0x156: {  	[sflag:s3] =	ssyncset.done $0x0  }
0x157: {  	[sflag:s3] =	ssyncadd.s32 $0xFFFFE000  }
0x158: {  	[tilespmem:s0], [sflag:$0x2] =	stream.linear.gather [hbm4b:s28+s0], $0x200, $0x38;
	[tilespmem:$0x2200] =	vst v63  }
0x159: {  	_ =	swait.ge [sflag:s3], $0x200  }
0x15a: {  	[sflag:s3] =	ssyncset.done $0x0  }
0x15b: {  	s1 =	rddreg [dreg:$0x1e];
	[sflag:s3] =	ssyncadd.s32 $0xFFFFFE00  }
0x15c: {  	[tilespmem:s5], [sflag:$0x1] =	stream.indirect.gather [hbm4b:s1+s5], $0x10, s0, s5, $0xb8;
	[tilespmem:$0x2200] =	vst v63  }
0x15d: {  	_ =	swait.ge [sflag:s7], $0x2000  }
0x15e: {  	[sflag:s7] =	ssyncset.done $0x0  }
0x15f: {  	[sflag:s7] =	ssyncadd.s32 $0xFFFFE000  }
0x160: {  	[hbm4b:s26+s8] =	stream.strided.scatter [tilespmem:s5], [sflag:$0x2], $0x2000, s9, s8, $0x38;
	[tilespmem:$0x2200] =	vst v63  }
0x161: {  	_ =	swait.ge [sflag:s3], $0x2000  }
0x162: {  	[sflag:s3] =	ssyncset.done $0x0  }
0x163: {  	[sflag:s3] =	ssyncadd.s32 $0xFFFFE000  }
0x164: {  	[tilespmem:s0], [sflag:$0x2] =	stream.linear.gather [hbm4b:s25+s0], $0x200, $0x38;
	[tilespmem:$0x2200] =	vst v63  }
0x165: {  	_ =	swait.ge [sflag:s3], $0x200  }
0x166: {  	[sflag:s3] =	ssyncset.done $0x0  }
0x167: {  	s1 =	rddreg [dreg:$0x1f];
	[sflag:s3] =	ssyncadd.s32 $0xFFFFFE00  }
0x168: {  	[tilespmem:s5], [sflag:$0x1] =	stream.indirect.gather [hbm4b:s1+s5], $0x10, s0, s5, $0xb8;
	[tilespmem:$0x2200] =	vst v63  }
0x169: {  	_ =	swait.ge [sflag:s7], $0x2000  }
0x16a: {  	[sflag:s7] =	ssyncset.done $0x0  }
0x16b: {  	[sflag:s7] =	ssyncadd.s32 $0xFFFFE000  }
0x16c: {  	[hbm4b:s24+s8] =	stream.strided.scatter [tilespmem:s5], [sflag:$0x2], $0x2000, s9, s8, $0x38;
	[tilespmem:$0x2200] =	vst v63  }
0x16d: {  	_ =	swait.ge [sflag:s3], $0x2000  }
0x16e: {  	[sflag:s3] =	ssyncset.done $0x0  }
0x16f: {  	[sflag:s3] =	ssyncadd.s32 $0xFFFFE000  }
0x170: {  	[tilespmem:s0], [sflag:$0x2] =	stream.linear.gather [hbm4b:s23+s0], $0x200, $0x38;
	[tilespmem:$0x2200] =	vst v63  }
0x171: {  	_ =	swait.ge [sflag:s3], $0x200  }
0x172: {  	s1 =	sld [smem:$0x7D7]  }
0x173: {  	[sflag:s3] =	ssyncset.done $0x0  }
0x174: {  	[sflag:s3] =	ssyncadd.s32 $0xFFFFFE00  }
0x175: {  	[tilespmem:s5], [sflag:$0x1] =	stream.indirect.gather [hbm4b:s1+s5], $0x10, s0, s5, $0xb8;
	[tilespmem:$0x2200] =	vst v63  }
0x176: {  	_ =	swait.ge [sflag:s7], $0x2000  }
0x177: {  	[sflag:s7] =	ssyncset.done $0x0  }
0x178: {  	[sflag:s7] =	ssyncadd.s32 $0xFFFFE000  }
0x179: {  	[hbm4b:s22+s8] =	stream.strided.scatter [tilespmem:s5], [sflag:$0x2], $0x2000, s9, s8, $0x38;
	[tilespmem:$0x2200] =	vst v63  }
0x17a: {  	_ =	swait.ge [sflag:s3], $0x2000  }
0x17b: {  	[sflag:s3] =	ssyncset.done $0x0  }
0x17c: {  	[sflag:s3] =	ssyncadd.s32 $0xFFFFE000  }
0x17d: {  	[tilespmem:s0], [sflag:$0x2] =	stream.linear.gather [hbm4b:s21+s0], $0x200, $0x38;
	[tilespmem:$0x2200] =	vst v63  }
0x17e: {  	_ =	swait.ge [sflag:s3], $0x200  }
0x17f: {  	s1 =	sld [smem:$0x7D8]  }
0x180: {  	[sflag:s3] =	ssyncset.done $0x0  }
0x181: {  	[sflag:s3] =	ssyncadd.s32 $0xFFFFFE00  }
0x182: {  	[tilespmem:s5], [sflag:$0x1] =	stream.indirect.gather [hbm4b:s1+s5], $0x10, s0, s5, $0xb8;
	[tilespmem:$0x2200] =	vst v63  }
0x183: {  	_ =	swait.ge [sflag:s7], $0x2000  }
0x184: {  	[sflag:s7] =	ssyncset.done $0x0  }
0x185: {  	[sflag:s7] =	ssyncadd.s32 $0xFFFFE000  }
0x186: {  	[hbm4b:s20+s8] =	stream.strided.scatter [tilespmem:s5], [sflag:$0x2], $0x2000, s9, s8, $0x38;
	[tilespmem:$0x2200] =	vst v63  }
0x187: {  	_ =	swait.ge [sflag:s3], $0x2000  }
0x188: {  	[sflag:s3] =	ssyncset.done $0x0  }
0x189: {  	[sflag:s3] =	ssyncadd.s32 $0xFFFFE000  }
0x18a: {  	[tilespmem:s0], [sflag:$0x2] =	stream.linear.gather [hbm4b:s19+s0], $0x200, $0x38;
	[tilespmem:$0x2200] =	vst v63  }
0x18b: {  	_ =	swait.ge [sflag:s3], $0x200  }
0x18c: {  	s1 =	sld [smem:$0x7D9]  }
0x18d: {  	[sflag:s3] =	ssyncset.done $0x0  }
0x18e: {  	[sflag:s3] =	ssyncadd.s32 $0xFFFFFE00  }
0x18f: {  	[tilespmem:s5], [sflag:$0x1] =	stream.indirect.gather [hbm4b:s1+s5], $0x10, s0, s5, $0xb8;
	[tilespmem:$0x2200] =	vst v63  }
0x190: {  	_ =	swait.ge [sflag:s7], $0x2000  }
0x191: {  	[sflag:s7] =	ssyncset.done $0x0  }
0x192: {  	[sflag:s7] =	ssyncadd.s32 $0xFFFFE000  }
0x193: {  	[hbm4b:s18+s8] =	stream.strided.scatter [tilespmem:s5], [sflag:$0x2], $0x2000, s9, s8, $0x38;
	[tilespmem:$0x2200] =	vst v63  }
0x194: {  	_ =	swait.ge [sflag:s3], $0x2000  }
0x195: {  	[sflag:s3] =	ssyncset.done $0x0  }
0x196: {  	[sflag:s3] =	ssyncadd.s32 $0xFFFFE000  }
0x197: {  	[tilespmem:s0], [sflag:$0x2] =	stream.linear.gather [hbm4b:s17+s0], $0x200, $0x38;
	[tilespmem:$0x2200] =	vst v63  }
0x198: {  	_ =	swait.ge [sflag:s3], $0x200  }
0x199: {  	s1 =	sld [smem:$0x7DA]  }
0x19a: {  	[sflag:s3] =	ssyncset.done $0x0  }
0x19b: {  	[sflag:s3] =	ssyncadd.s32 $0xFFFFFE00  }
0x19c: {  	[tilespmem:s5], [sflag:$0x1] =	stream.indirect.gather [hbm4b:s1+s5], $0x10, s0, s5, $0xb8;
	[tilespmem:$0x2200] =	vst v63  }
0x19d: {  	_ =	swait.ge [sflag:s7], $0x2000  }
0x19e: {  	[sflag:s7] =	ssyncset.done $0x0  }
0x19f: {  	[sflag:s7] =	ssyncadd.s32 $0xFFFFE000  }
0x1a0: {  	[hbm4b:s16+s8] =	stream.strided.scatter [tilespmem:s5], [sflag:$0x2], $0x2000, s9, s8, $0x38;
	[tilespmem:$0x2200] =	vst v63  }
0x1a1: {  	_ =	swait.ge [sflag:s3], $0x2000  }
0x1a2: {  	[sflag:s3] =	ssyncset.done $0x0  }
0x1a3: {  	[sflag:s3] =	ssyncadd.s32 $0xFFFFE000  }
0x1a4: {  	[tilespmem:s0], [sflag:$0x2] =	stream.linear.gather [hbm4b:s15+s0], $0x200, $0x38;
	[tilespmem:$0x2200] =	vst v63  }
0x1a5: {  	_ =	swait.ge [sflag:s3], $0x200  }
0x1a6: {  	s1 =	sld [smem:$0x7DB]  }
0x1a7: {  	[sflag:s3] =	ssyncset.done $0x0  }
0x1a8: {  	[sflag:s3] =	ssyncadd.s32 $0xFFFFFE00  }
0x1a9: {  	[tilespmem:s5], [sflag:$0x1] =	stream.indirect.gather [hbm4b:s1+s5], $0x10, s0, s5, $0xb8;
	[tilespmem:$0x2200] =	vst v63  }
0x1aa: {  	_ =	swait.ge [sflag:s7], $0x2000  }
0x1ab: {  	[sflag:s7] =	ssyncset.done $0x0  }
0x1ac: {  	[sflag:s7] =	ssyncadd.s32 $0xFFFFE000  }
0x1ad: {  	[hbm4b:s14+s8] =	stream.strided.scatter [tilespmem:s5], [sflag:$0x2], $0x2000, s9, s8, $0x38;
	[tilespmem:$0x2200] =	vst v63  }
0x1ae: {  	_ =	swait.ge [sflag:s3], $0x2000  }
0x1af: {  	[sflag:s3] =	ssyncset.done $0x0  }
0x1b0: {  	[sflag:s3] =	ssyncadd.s32 $0xFFFFE000  }
0x1b1: {  	[tilespmem:s0], [sflag:$0x2] =	stream.linear.gather [hbm4b:s13+s0], $0x200, $0x38;
	[tilespmem:$0x2200] =	vst v63  }
0x1b2: {  	_ =	swait.ge [sflag:s3], $0x200  }
0x1b3: {  	s1 =	sld [smem:$0x7DC]  }
0x1b4: {  	[sflag:s3] =	ssyncset.done $0x0  }
0x1b5: {  	[sflag:s3] =	ssyncadd.s32 $0xFFFFFE00  }
0x1b6: {  	[tilespmem:s5], [sflag:$0x1] =	stream.indirect.gather [hbm4b:s1+s5], $0x10, s0, s5, $0xb8;
	[tilespmem:$0x2200] =	vst v63  }
0x1b7: {  	_ =	swait.ge [sflag:s7], $0x2000  }
0x1b8: {  	[sflag:s7] =	ssyncset.done $0x0  }
0x1b9: {  	[sflag:s7] =	ssyncadd.s32 $0xFFFFE000  }
0x1ba: {  	[hbm4b:s12+s8] =	stream.strided.scatter [tilespmem:s5], [sflag:$0x2], $0x2000, s9, s8, $0x38;
	[tilespmem:$0x2200] =	vst v63  }
0x1bb: {  	_ =	swait.ge [sflag:s3], $0x2000  }
0x1bc: {  	[sflag:s3] =	ssyncset.done $0x0  }
0x1bd: {  	[sflag:s3] =	ssyncadd.s32 $0xFFFFE000  }
0x1be: {  	[tilespmem:s0], [sflag:$0x2] =	stream.linear.gather [hbm4b:s11+s0], $0x200, $0x38;
	[tilespmem:$0x2200] =	vst v63  }
0x1bf: {  	_ =	swait.ge [sflag:s3], $0x200  }
0x1c0: {  	s1 =	sld [smem:$0x7DD]  }
0x1c1: {  	[sflag:s3] =	ssyncset.done $0x0  }
0x1c2: {  	[sflag:s3] =	ssyncadd.s32 $0xFFFFFE00  }
0x1c3: {  	[tilespmem:s5], [sflag:$0x1] =	stream.indirect.gather [hbm4b:s1+s5], $0x10, s0, s5, $0xb8;
	[tilespmem:$0x2200] =	vst v63  }
0x1c4: {  	_ =	swait.ge [sflag:s7], $0x2000  }
0x1c5: {  	[sflag:s7] =	ssyncset.done $0x0  }
0x1c6: {  	[sflag:s7] =	ssyncadd.s32 $0xFFFFE000  }
0x1c7: {  	[hbm4b:s10+s8] =	stream.strided.scatter [tilespmem:s5], [sflag:$0x2], $0x2000, s9, s8, $0x38;
	[tilespmem:$0x2200] =	vst v63  }
0x1c8: {  	_ =	swait.ge [sflag:s3], $0x2000  }
0x1c9: {  	[sflag:s3] =	ssyncset.done $0x0  }
0x1ca: {  	[sflag:s3] =	ssyncadd.s32 $0xFFFFE000  }
0x1cb: {  	[tilespmem:s0], [sflag:$0x2] =	stream.linear.gather [hbm4b:s6+s0], $0x200, $0x38;
	[tilespmem:$0x2200] =	vst v63  }
0x1cc: {  	_ =	swait.ge [sflag:s3], $0x200  }
0x1cd: {  	s1 =	sld [smem:$0x7DE]  }
0x1ce: {  	[sflag:s3] =	ssyncset.done $0x0  }
0x1cf: {  	[sflag:s3] =	ssyncadd.s32 $0xFFFFFE00  }
0x1d0: {  	[tilespmem:s5], [sflag:$0x1] =	stream.indirect.gather [hbm4b:s1+s5], $0x10, s0, s5, $0xb8;
	[tilespmem:$0x2200] =	vst v63  }
0x1d1: {  	p1 =	sne.s32 s2, $0x1;
	_ =	swait.ge [sflag:s7], $0x2000  }
.Ltmp1:
0x1d2: {  	[sflag:s7] =	ssyncset.done $0x0;
	(pc) =	sbr.rel @!p1 .LBB3_3-.Ltmp1, $4  }
0x1d3: {  	[sflag:s7] =	ssyncadd.s32 $0xFFFFE000  }
0x1d4: {  	[hbm4b:s4+s8] =	stream.strided.scatter [tilespmem:s5], [sflag:$0x2], $0x2000, s9, s8, $0x38;
	[tilespmem:$0x2200] =	vst v63  }
0x1d5: {  	s2 =	sadd.s32 $0xFFFFFFFF, s2;
	_ =	swait.ge [sflag:s3], $0x2000  }
0x1d6: {  	p0 =	por $0x1, $0x1;
	s1 =	sld [smem:$0x7FD];
	[sflag:s3] =	ssyncset.done $0x0  }
.LBB3_2:
0x1d7: {  	_ = 	snop  }
0x1d8: {  	[sflag:s3] =	ssyncadd.s32 $0xFFFFE000  }
0x1d9: {  	[tilespmem:s0], [sflag:$0x2] =	stream.linear.gather [hbm4b:s1+s0], $0x200, $0x38;
	[tilespmem:$0x2200] =	vst v63  }
0x1da: {  	_ =	swait.ge [sflag:s3], $0x200  }
0x1db: {  	[sflag:s3] =	ssyncset.done $0x0  }
0x1dc: {  	s1 =	rddreg [dreg:$0xe];
	[sflag:s3] =	ssyncadd.s32 $0xFFFFFE00  }
0x1dd: {  	[tilespmem:s5], [sflag:$0x1] =	stream.indirect.gather [hbm4b:s1+s5], $0x10, s0, s5, $0xb8;
	[tilespmem:$0x2200] =	vst v63  }
0x1de: {  	_ =	swait.ge [sflag:s7], $0x2000  }
0x1df: {  	[sflag:s7] =	ssyncset.done $0x0  }
0x1e0: {  	[sflag:s7] =	ssyncadd.s32 $0xFFFFE000  }
0x1e1: {  	[hbm4b:s31+s8] =	stream.strided.scatter [tilespmem:s5], [sflag:$0x2], $0x2000, s9, s8, $0x38;
	[tilespmem:$0x2200] =	vst v63  }
0x1e2: {  	_ =	swait.ge [sflag:s3], $0x2000  }
0x1e3: {  	s1 =	sld [smem:$0x7DF]  }
0x1e4: {  	[sflag:s3] =	ssyncset.done $0x0  }
0x1e5: {  	[sflag:s3] =	ssyncadd.s32 $0xFFFFE000  }
0x1e6: {  	[tilespmem:s0], [sflag:$0x2] =	stream.linear.gather [hbm4b:s1+s0], $0x200, $0x38;
	[tilespmem:$0x2200] =	vst v63  }
0x1e7: {  	_ =	swait.ge [sflag:s3], $0x200  }
0x1e8: {  	[sflag:s3] =	ssyncset.done $0x0  }
0x1e9: {  	s1 =	rddreg [dreg:$0xf];
	[sflag:s3] =	ssyncadd.s32 $0xFFFFFE00  }
0x1ea: {  	[tilespmem:s5], [sflag:$0x1] =	stream.indirect.gather [hbm4b:s1+s5], $0x10, s0, s5, $0xb8;
	[tilespmem:$0x2200] =	vst v63  }
0x1eb: {  	_ =	swait.ge [sflag:s7], $0x2000  }
0x1ec: {  	s1 =	sld [smem:$0x7E0]  }
0x1ed: {  	[sflag:s7] =	ssyncset.done $0x0  }
0x1ee: {  	[sflag:s7] =	ssyncadd.s32 $0xFFFFE000  }
0x1ef: {  	[hbm4b:s1+s8] =	stream.strided.scatter [tilespmem:s5], [sflag:$0x2], $0x2000, s9, s8, $0x38;
	[tilespmem:$0x2200] =	vst v63  }
0x1f0: {  	_ =	swait.ge [sflag:s3], $0x2000  }
0x1f1: {  	s1 =	sld [smem:$0x7E1]  }
0x1f2: {  	[sflag:s3] =	ssyncset.done $0x0  }
0x1f3: {  	[sflag:s3] =	ssyncadd.s32 $0xFFFFE000  }
0x1f4: {  	[tilespmem:s0], [sflag:$0x2] =	stream.linear.gather [hbm4b:s1+s0], $0x200, $0x38;
	[tilespmem:$0x2200] =	vst v63  }
0x1f5: {  	_ =	swait.ge [sflag:s3], $0x200  }
0x1f6: {  	[sflag:s3] =	ssyncset.done $0x0  }
0x1f7: {  	s1 =	rddreg [dreg:$0x10];
	[sflag:s3] =	ssyncadd.s32 $0xFFFFFE00  }
0x1f8: {  	[tilespmem:s5], [sflag:$0x1] =	stream.indirect.gather [hbm4b:s1+s5], $0x10, s0, s5, $0xb8;
	[tilespmem:$0x2200] =	vst v63  }
0x1f9: {  	_ =	swait.ge [sflag:s7], $0x2000  }
0x1fa: {  	s1 =	sld [smem:$0x7E2]  }
0x1fb: {  	[sflag:s7] =	ssyncset.done $0x0  }
0x1fc: {  	[sflag:s7] =	ssyncadd.s32 $0xFFFFE000  }
0x1fd: {  	[hbm4b:s1+s8] =	stream.strided.scatter [tilespmem:s5], [sflag:$0x2], $0x2000, s9, s8, $0x38;
	[tilespmem:$0x2200] =	vst v63  }
0x1fe: {  	_ =	swait.ge [sflag:s3], $0x2000  }
0x1ff: {  	s1 =	sld [smem:$0x7E3]  }
0x200: {  	[sflag:s3] =	ssyncset.done $0x0  }
0x201: {  	[sflag:s3] =	ssyncadd.s32 $0xFFFFE000  }
0x202: {  	[tilespmem:s0], [sflag:$0x2] =	stream.linear.gather [hbm4b:s1+s0], $0x200, $0x38;
	[tilespmem:$0x2200] =	vst v63  }
0x203: {  	_ =	swait.ge [sflag:s3], $0x200  }
0x204: {  	[sflag:s3] =	ssyncset.done $0x0  }
0x205: {  	s1 =	rddreg [dreg:$0x11];
	[sflag:s3] =	ssyncadd.s32 $0xFFFFFE00  }
0x206: {  	[tilespmem:s5], [sflag:$0x1] =	stream.indirect.gather [hbm4b:s1+s5], $0x10, s0, s5, $0xb8;
	[tilespmem:$0x2200] =	vst v63  }
0x207: {  	_ =	swait.ge [sflag:s7], $0x2000  }
0x208: {  	s1 =	sld [smem:$0x7E4]  }
0x209: {  	[sflag:s7] =	ssyncset.done $0x0  }
0x20a: {  	[sflag:s7] =	ssyncadd.s32 $0xFFFFE000  }
0x20b: {  	[hbm4b:s1+s8] =	stream.strided.scatter [tilespmem:s5], [sflag:$0x2], $0x2000, s9, s8, $0x38;
	[tilespmem:$0x2200] =	vst v63  }
0x20c: {  	_ =	swait.ge [sflag:s3], $0x2000  }
0x20d: {  	s1 =	sld [smem:$0x7E5]  }
0x20e: {  	[sflag:s3] =	ssyncset.done $0x0  }
0x20f: {  	[sflag:s3] =	ssyncadd.s32 $0xFFFFE000  }
0x210: {  	[tilespmem:s0], [sflag:$0x2] =	stream.linear.gather [hbm4b:s1+s0], $0x200, $0x38;
	[tilespmem:$0x2200] =	vst v63  }
0x211: {  	_ =	swait.ge [sflag:s3], $0x200  }
0x212: {  	[sflag:s3] =	ssyncset.done $0x0  }
0x213: {  	s1 =	rddreg [dreg:$0x12];
	[sflag:s3] =	ssyncadd.s32 $0xFFFFFE00  }
0x214: {  	[tilespmem:s5], [sflag:$0x1] =	stream.indirect.gather [hbm4b:s1+s5], $0x10, s0, s5, $0xb8;
	[tilespmem:$0x2200] =	vst v63  }
0x215: {  	_ =	swait.ge [sflag:s7], $0x2000  }
0x216: {  	s1 =	sld [smem:$0x7E6]  }
0x217: {  	[sflag:s7] =	ssyncset.done $0x0  }
0x218: {  	[sflag:s7] =	ssyncadd.s32 $0xFFFFE000  }
0x219: {  	[hbm4b:s1+s8] =	stream.strided.scatter [tilespmem:s5], [sflag:$0x2], $0x2000, s9, s8, $0x38;
	[tilespmem:$0x2200] =	vst v63  }
0x21a: {  	_ =	swait.ge [sflag:s3], $0x2000  }
0x21b: {  	s1 =	sld [smem:$0x7E7]  }
0x21c: {  	[sflag:s3] =	ssyncset.done $0x0  }
0x21d: {  	[sflag:s3] =	ssyncadd.s32 $0xFFFFE000  }
0x21e: {  	[tilespmem:s0], [sflag:$0x2] =	stream.linear.gather [hbm4b:s1+s0], $0x200, $0x38;
	[tilespmem:$0x2200] =	vst v63  }
0x21f: {  	_ =	swait.ge [sflag:s3], $0x200  }
0x220: {  	[sflag:s3] =	ssyncset.done $0x0  }
0x221: {  	s1 =	rddreg [dreg:$0x13];
	[sflag:s3] =	ssyncadd.s32 $0xFFFFFE00  }
0x222: {  	[tilespmem:s5], [sflag:$0x1] =	stream.indirect.gather [hbm4b:s1+s5], $0x10, s0, s5, $0xb8;
	[tilespmem:$0x2200] =	vst v63  }
0x223: {  	_ =	swait.ge [sflag:s7], $0x2000  }
0x224: {  	s1 =	sld [smem:$0x7E8]  }
0x225: {  	[sflag:s7] =	ssyncset.done $0x0  }
0x226: {  	[sflag:s7] =	ssyncadd.s32 $0xFFFFE000  }
0x227: {  	[hbm4b:s1+s8] =	stream.strided.scatter [tilespmem:s5], [sflag:$0x2], $0x2000, s9, s8, $0x38;
	[tilespmem:$0x2200] =	vst v63  }
0x228: {  	_ =	swait.ge [sflag:s3], $0x2000  }
0x229: {  	s1 =	sld [smem:$0x7E9]  }
0x22a: {  	[sflag:s3] =	ssyncset.done $0x0  }
0x22b: {  	[sflag:s3] =	ssyncadd.s32 $0xFFFFE000  }
0x22c: {  	[tilespmem:s0], [sflag:$0x2] =	stream.linear.gather [hbm4b:s1+s0], $0x200, $0x38;
	[tilespmem:$0x2200] =	vst v63  }
0x22d: {  	_ =	swait.ge [sflag:s3], $0x200  }
0x22e: {  	[sflag:s3] =	ssyncset.done $0x0  }
0x22f: {  	s1 =	rddreg [dreg:$0x14];
	[sflag:s3] =	ssyncadd.s32 $0xFFFFFE00  }
0x230: {  	[tilespmem:s5], [sflag:$0x1] =	stream.indirect.gather [hbm4b:s1+s5], $0x10, s0, s5, $0xb8;
	[tilespmem:$0x2200] =	vst v63  }
0x231: {  	_ =	swait.ge [sflag:s7], $0x2000  }
0x232: {  	s1 =	sld [smem:$0x7EA]  }
0x233: {  	[sflag:s7] =	ssyncset.done $0x0  }
0x234: {  	[sflag:s7] =	ssyncadd.s32 $0xFFFFE000  }
0x235: {  	[hbm4b:s1+s8] =	stream.strided.scatter [tilespmem:s5], [sflag:$0x2], $0x2000, s9, s8, $0x38;
	[tilespmem:$0x2200] =	vst v63  }
0x236: {  	_ =	swait.ge [sflag:s3], $0x2000  }
0x237: {  	s1 =	sld [smem:$0x7EB]  }
0x238: {  	[sflag:s3] =	ssyncset.done $0x0  }
0x239: {  	[sflag:s3] =	ssyncadd.s32 $0xFFFFE000  }
0x23a: {  	[tilespmem:s0], [sflag:$0x2] =	stream.linear.gather [hbm4b:s1+s0], $0x200, $0x38;
	[tilespmem:$0x2200] =	vst v63  }
0x23b: {  	_ =	swait.ge [sflag:s3], $0x200  }
0x23c: {  	[sflag:s3] =	ssyncset.done $0x0  }
0x23d: {  	s1 =	rddreg [dreg:$0x15];
	[sflag:s3] =	ssyncadd.s32 $0xFFFFFE00  }
0x23e: {  	[tilespmem:s5], [sflag:$0x1] =	stream.indirect.gather [hbm4b:s1+s5], $0x10, s0, s5, $0xb8;
	[tilespmem:$0x2200] =	vst v63  }
0x23f: {  	_ =	swait.ge [sflag:s7], $0x2000  }
0x240: {  	s1 =	sld [smem:$0x7EC]  }
0x241: {  	[sflag:s7] =	ssyncset.done $0x0  }
0x242: {  	[sflag:s7] =	ssyncadd.s32 $0xFFFFE000  }
0x243: {  	[hbm4b:s1+s8] =	stream.strided.scatter [tilespmem:s5], [sflag:$0x2], $0x2000, s9, s8, $0x38;
	[tilespmem:$0x2200] =	vst v63  }
0x244: {  	_ =	swait.ge [sflag:s3], $0x2000  }
0x245: {  	s1 =	sld [smem:$0x7ED]  }
0x246: {  	[sflag:s3] =	ssyncset.done $0x0  }
0x247: {  	[sflag:s3] =	ssyncadd.s32 $0xFFFFE000  }
0x248: {  	[tilespmem:s0], [sflag:$0x2] =	stream.linear.gather [hbm4b:s1+s0], $0x200, $0x38;
	[tilespmem:$0x2200] =	vst v63  }
0x249: {  	_ =	swait.ge [sflag:s3], $0x200  }
0x24a: {  	[sflag:s3] =	ssyncset.done $0x0  }
0x24b: {  	s1 =	rddreg [dreg:$0x16];
	[sflag:s3] =	ssyncadd.s32 $0xFFFFFE00  }
0x24c: {  	[tilespmem:s5], [sflag:$0x1] =	stream.indirect.gather [hbm4b:s1+s5], $0x10, s0, s5, $0xb8;
	[tilespmem:$0x2200] =	vst v63  }
0x24d: {  	_ =	swait.ge [sflag:s7], $0x2000  }
0x24e: {  	s1 =	sld [smem:$0x7EE]  }
0x24f: {  	[sflag:s7] =	ssyncset.done $0x0  }
0x250: {  	[sflag:s7] =	ssyncadd.s32 $0xFFFFE000  }
0x251: {  	[hbm4b:s1+s8] =	stream.strided.scatter [tilespmem:s5], [sflag:$0x2], $0x2000, s9, s8, $0x38;
	[tilespmem:$0x2200] =	vst v63  }
0x252: {  	_ =	swait.ge [sflag:s3], $0x2000  }
0x253: {  	s1 =	sld [smem:$0x7EF]  }
0x254: {  	[sflag:s3] =	ssyncset.done $0x0  }
0x255: {  	[sflag:s3] =	ssyncadd.s32 $0xFFFFE000  }
0x256: {  	[tilespmem:s0], [sflag:$0x2] =	stream.linear.gather [hbm4b:s1+s0], $0x200, $0x38;
	[tilespmem:$0x2200] =	vst v63  }
0x257: {  	_ =	swait.ge [sflag:s3], $0x200  }
0x258: {  	[sflag:s3] =	ssyncset.done $0x0  }
0x259: {  	s1 =	rddreg [dreg:$0x17];
	[sflag:s3] =	ssyncadd.s32 $0xFFFFFE00  }
0x25a: {  	[tilespmem:s5], [sflag:$0x1] =	stream.indirect.gather [hbm4b:s1+s5], $0x10, s0, s5, $0xb8;
	[tilespmem:$0x2200] =	vst v63  }
0x25b: {  	_ =	swait.ge [sflag:s7], $0x2000  }
0x25c: {  	s1 =	sld [smem:$0x7F0]  }
0x25d: {  	[sflag:s7] =	ssyncset.done $0x0  }
0x25e: {  	[sflag:s7] =	ssyncadd.s32 $0xFFFFE000  }
0x25f: {  	[hbm4b:s1+s8] =	stream.strided.scatter [tilespmem:s5], [sflag:$0x2], $0x2000, s9, s8, $0x38;
	[tilespmem:$0x2200] =	vst v63  }
0x260: {  	_ =	swait.ge [sflag:s3], $0x2000  }
0x261: {  	s1 =	sld [smem:$0x7F1]  }
0x262: {  	[sflag:s3] =	ssyncset.done $0x0  }
0x263: {  	[sflag:s3] =	ssyncadd.s32 $0xFFFFE000  }
0x264: {  	[tilespmem:s0], [sflag:$0x2] =	stream.linear.gather [hbm4b:s1+s0], $0x200, $0x38;
	[tilespmem:$0x2200] =	vst v63  }
0x265: {  	_ =	swait.ge [sflag:s3], $0x200  }
0x266: {  	[sflag:s3] =	ssyncset.done $0x0  }
0x267: {  	s1 =	rddreg [dreg:$0x18];
	[sflag:s3] =	ssyncadd.s32 $0xFFFFFE00  }
0x268: {  	[tilespmem:s5], [sflag:$0x1] =	stream.indirect.gather [hbm4b:s1+s5], $0x10, s0, s5, $0xb8;
	[tilespmem:$0x2200] =	vst v63  }
0x269: {  	_ =	swait.ge [sflag:s7], $0x2000  }
0x26a: {  	s1 =	sld [smem:$0x7F2]  }
0x26b: {  	[sflag:s7] =	ssyncset.done $0x0  }
0x26c: {  	[sflag:s7] =	ssyncadd.s32 $0xFFFFE000  }
0x26d: {  	[hbm4b:s1+s8] =	stream.strided.scatter [tilespmem:s5], [sflag:$0x2], $0x2000, s9, s8, $0x38;
	[tilespmem:$0x2200] =	vst v63  }
0x26e: {  	_ =	swait.ge [sflag:s3], $0x2000  }
0x26f: {  	s1 =	sld [smem:$0x7F3]  }
0x270: {  	[sflag:s3] =	ssyncset.done $0x0  }
0x271: {  	[sflag:s3] =	ssyncadd.s32 $0xFFFFE000  }
0x272: {  	[tilespmem:s0], [sflag:$0x2] =	stream.linear.gather [hbm4b:s1+s0], $0x200, $0x38;
	[tilespmem:$0x2200] =	vst v63  }
0x273: {  	_ =	swait.ge [sflag:s3], $0x200  }
0x274: {  	[sflag:s3] =	ssyncset.done $0x0  }
0x275: {  	s1 =	rddreg [dreg:$0x19];
	[sflag:s3] =	ssyncadd.s32 $0xFFFFFE00  }
0x276: {  	[tilespmem:s5], [sflag:$0x1] =	stream.indirect.gather [hbm4b:s1+s5], $0x10, s0, s5, $0xb8;
	[tilespmem:$0x2200] =	vst v63  }
0x277: {  	_ =	swait.ge [sflag:s7], $0x2000  }
0x278: {  	s1 =	sld [smem:$0x7F4]  }
0x279: {  	[sflag:s7] =	ssyncset.done $0x0  }
0x27a: {  	[sflag:s7] =	ssyncadd.s32 $0xFFFFE000  }
0x27b: {  	[hbm4b:s1+s8] =	stream.strided.scatter [tilespmem:s5], [sflag:$0x2], $0x2000, s9, s8, $0x38;
	[tilespmem:$0x2200] =	vst v63  }
0x27c: {  	_ =	swait.ge [sflag:s3], $0x2000  }
0x27d: {  	s1 =	sld [smem:$0x7F5]  }
0x27e: {  	[sflag:s3] =	ssyncset.done $0x0  }
0x27f: {  	[sflag:s3] =	ssyncadd.s32 $0xFFFFE000  }
0x280: {  	[tilespmem:s0], [sflag:$0x2] =	stream.linear.gather [hbm4b:s1+s0], $0x200, $0x38;
	[tilespmem:$0x2200] =	vst v63  }
0x281: {  	_ =	swait.ge [sflag:s3], $0x200  }
0x282: {  	[sflag:s3] =	ssyncset.done $0x0  }
0x283: {  	s1 =	rddreg [dreg:$0x1a];
	[sflag:s3] =	ssyncadd.s32 $0xFFFFFE00  }
0x284: {  	[tilespmem:s5], [sflag:$0x1] =	stream.indirect.gather [hbm4b:s1+s5], $0x10, s0, s5, $0xb8;
	[tilespmem:$0x2200] =	vst v63  }
0x285: {  	_ =	swait.ge [sflag:s7], $0x2000  }
0x286: {  	s1 =	sld [smem:$0x7F6]  }
0x287: {  	[sflag:s7] =	ssyncset.done $0x0  }
0x288: {  	[sflag:s7] =	ssyncadd.s32 $0xFFFFE000  }
0x289: {  	[hbm4b:s1+s8] =	stream.strided.scatter [tilespmem:s5], [sflag:$0x2], $0x2000, s9, s8, $0x38;
	[tilespmem:$0x2200] =	vst v63  }
0x28a: {  	_ =	swait.ge [sflag:s3], $0x2000  }
0x28b: {  	s1 =	sld [smem:$0x7F7]  }
0x28c: {  	[sflag:s3] =	ssyncset.done $0x0  }
0x28d: {  	[sflag:s3] =	ssyncadd.s32 $0xFFFFE000  }
0x28e: {  	[tilespmem:s0], [sflag:$0x2] =	stream.linear.gather [hbm4b:s1+s0], $0x200, $0x38;
	[tilespmem:$0x2200] =	vst v63  }
0x28f: {  	_ =	swait.ge [sflag:s3], $0x200  }
0x290: {  	[sflag:s3] =	ssyncset.done $0x0  }
0x291: {  	s1 =	rddreg [dreg:$0x1b];
	[sflag:s3] =	ssyncadd.s32 $0xFFFFFE00  }
0x292: {  	[tilespmem:s5], [sflag:$0x1] =	stream.indirect.gather [hbm4b:s1+s5], $0x10, s0, s5, $0xb8;
	[tilespmem:$0x2200] =	vst v63  }
0x293: {  	_ =	swait.ge [sflag:s7], $0x2000  }
0x294: {  	s1 =	sld [smem:$0x7F8]  }
0x295: {  	[sflag:s7] =	ssyncset.done $0x0  }
0x296: {  	[sflag:s7] =	ssyncadd.s32 $0xFFFFE000  }
0x297: {  	[hbm4b:s1+s8] =	stream.strided.scatter [tilespmem:s5], [sflag:$0x2], $0x2000, s9, s8, $0x38;
	[tilespmem:$0x2200] =	vst v63  }
0x298: {  	_ =	swait.ge [sflag:s3], $0x2000  }
0x299: {  	s1 =	sld [smem:$0x7F9]  }
0x29a: {  	[sflag:s3] =	ssyncset.done $0x0  }
0x29b: {  	[sflag:s3] =	ssyncadd.s32 $0xFFFFE000  }
0x29c: {  	[tilespmem:s0], [sflag:$0x2] =	stream.linear.gather [hbm4b:s1+s0], $0x200, $0x38;
	[tilespmem:$0x2200] =	vst v63  }
0x29d: {  	_ =	swait.ge [sflag:s3], $0x200  }
0x29e: {  	[sflag:s3] =	ssyncset.done $0x0  }
0x29f: {  	s1 =	rddreg [dreg:$0x1c];
	[sflag:s3] =	ssyncadd.s32 $0xFFFFFE00  }
0x2a0: {  	[tilespmem:s5], [sflag:$0x1] =	stream.indirect.gather [hbm4b:s1+s5], $0x10, s0, s5, $0xb8;
	[tilespmem:$0x2200] =	vst v63  }
0x2a1: {  	_ =	swait.ge [sflag:s7], $0x2000  }
0x2a2: {  	s1 =	sld [smem:$0x7FA]  }
0x2a3: {  	[sflag:s7] =	ssyncset.done $0x0  }
0x2a4: {  	[sflag:s7] =	ssyncadd.s32 $0xFFFFE000  }
0x2a5: {  	[hbm4b:s1+s8] =	stream.strided.scatter [tilespmem:s5], [sflag:$0x2], $0x2000, s9, s8, $0x38;
	[tilespmem:$0x2200] =	vst v63  }
0x2a6: {  	_ =	swait.ge [sflag:s3], $0x2000  }
0x2a7: {  	[sflag:s3] =	ssyncset.done $0x0  }
0x2a8: {  	[sflag:s3] =	ssyncadd.s32 $0xFFFFE000  }
0x2a9: {  	[tilespmem:s0], [sflag:$0x2] =	stream.linear.gather [hbm4b:s30+s0], $0x200, $0x38;
	[tilespmem:$0x2200] =	vst v63  }
0x2aa: {  	_ =	swait.ge [sflag:s3], $0x200  }
0x2ab: {  	[sflag:s3] =	ssyncset.done $0x0  }
0x2ac: {  	s1 =	rddreg [dreg:$0x1d];
	[sflag:s3] =	ssyncadd.s32 $0xFFFFFE00  }
0x2ad: {  	[tilespmem:s5], [sflag:$0x1] =	stream.indirect.gather [hbm4b:s1+s5], $0x10, s0, s5, $0xb8;
	[tilespmem:$0x2200] =	vst v63  }
0x2ae: {  	_ =	swait.ge [sflag:s7], $0x2000  }
0x2af: {  	[sflag:s7] =	ssyncset.done $0x0  }
0x2b0: {  	[sflag:s7] =	ssyncadd.s32 $0xFFFFE000  }
0x2b1: {  	[hbm4b:s29+s8] =	stream.strided.scatter [tilespmem:s5], [sflag:$0x2], $0x2000, s9, s8, $0x38;
	[tilespmem:$0x2200] =	vst v63  }
0x2b2: {  	_ =	swait.ge [sflag:s3], $0x2000  }
0x2b3: {  	[sflag:s3] =	ssyncset.done $0x0  }
0x2b4: {  	[sflag:s3] =	ssyncadd.s32 $0xFFFFE000  }
0x2b5: {  	[tilespmem:s0], [sflag:$0x2] =	stream.linear.gather [hbm4b:s28+s0], $0x200, $0x38;
	[tilespmem:$0x2200] =	vst v63  }
0x2b6: {  	_ =	swait.ge [sflag:s3], $0x200  }
0x2b7: {  	[sflag:s3] =	ssyncset.done $0x0  }
0x2b8: {  	s1 =	rddreg [dreg:$0x1e];
	[sflag:s3] =	ssyncadd.s32 $0xFFFFFE00  }
0x2b9: {  	[tilespmem:s5], [sflag:$0x1] =	stream.indirect.gather [hbm4b:s1+s5], $0x10, s0, s5, $0xb8;
	[tilespmem:$0x2200] =	vst v63  }
0x2ba: {  	_ =	swait.ge [sflag:s7], $0x2000  }
0x2bb: {  	[sflag:s7] =	ssyncset.done $0x0  }
0x2bc: {  	[sflag:s7] =	ssyncadd.s32 $0xFFFFE000  }
0x2bd: {  	[hbm4b:s26+s8] =	stream.strided.scatter [tilespmem:s5], [sflag:$0x2], $0x2000, s9, s8, $0x38;
	[tilespmem:$0x2200] =	vst v63  }
0x2be: {  	_ =	swait.ge [sflag:s3], $0x2000  }
0x2bf: {  	[sflag:s3] =	ssyncset.done $0x0  }
0x2c0: {  	[sflag:s3] =	ssyncadd.s32 $0xFFFFE000  }
0x2c1: {  	[tilespmem:s0], [sflag:$0x2] =	stream.linear.gather [hbm4b:s25+s0], $0x200, $0x38;
	[tilespmem:$0x2200] =	vst v63  }
0x2c2: {  	_ =	swait.ge [sflag:s3], $0x200  }
0x2c3: {  	[sflag:s3] =	ssyncset.done $0x0  }
0x2c4: {  	s1 =	rddreg [dreg:$0x1f];
	[sflag:s3] =	ssyncadd.s32 $0xFFFFFE00  }
0x2c5: {  	[tilespmem:s5], [sflag:$0x1] =	stream.indirect.gather [hbm4b:s1+s5], $0x10, s0, s5, $0xb8;
	[tilespmem:$0x2200] =	vst v63  }
0x2c6: {  	_ =	swait.ge [sflag:s7], $0x2000  }
0x2c7: {  	[sflag:s7] =	ssyncset.done $0x0  }
0x2c8: {  	[sflag:s7] =	ssyncadd.s32 $0xFFFFE000  }
0x2c9: {  	[hbm4b:s24+s8] =	stream.strided.scatter [tilespmem:s5], [sflag:$0x2], $0x2000, s9, s8, $0x38;
	[tilespmem:$0x2200] =	vst v63  }
0x2ca: {  	_ =	swait.ge [sflag:s3], $0x2000  }
0x2cb: {  	[sflag:s3] =	ssyncset.done $0x0  }
0x2cc: {  	[sflag:s3] =	ssyncadd.s32 $0xFFFFE000  }
0x2cd: {  	[tilespmem:s0], [sflag:$0x2] =	stream.linear.gather [hbm4b:s23+s0], $0x200, $0x38;
	[tilespmem:$0x2200] =	vst v63  }
0x2ce: {  	_ =	swait.ge [sflag:s3], $0x200  }
0x2cf: {  	s1 =	sld [smem:$0x7D7]  }
0x2d0: {  	[sflag:s3] =	ssyncset.done $0x0  }
0x2d1: {  	[sflag:s3] =	ssyncadd.s32 $0xFFFFFE00  }
0x2d2: {  	[tilespmem:s5], [sflag:$0x1] =	stream.indirect.gather [hbm4b:s1+s5], $0x10, s0, s5, $0xb8;
	[tilespmem:$0x2200] =	vst v63  }
0x2d3: {  	_ =	swait.ge [sflag:s7], $0x2000  }
0x2d4: {  	[sflag:s7] =	ssyncset.done $0x0  }
0x2d5: {  	[sflag:s7] =	ssyncadd.s32 $0xFFFFE000  }
0x2d6: {  	[hbm4b:s22+s8] =	stream.strided.scatter [tilespmem:s5], [sflag:$0x2], $0x2000, s9, s8, $0x38;
	[tilespmem:$0x2200] =	vst v63  }
0x2d7: {  	_ =	swait.ge [sflag:s3], $0x2000  }
0x2d8: {  	[sflag:s3] =	ssyncset.done $0x0  }
0x2d9: {  	[sflag:s3] =	ssyncadd.s32 $0xFFFFE000  }
0x2da: {  	[tilespmem:s0], [sflag:$0x2] =	stream.linear.gather [hbm4b:s21+s0], $0x200, $0x38;
	[tilespmem:$0x2200] =	vst v63  }
0x2db: {  	_ =	swait.ge [sflag:s3], $0x200  }
0x2dc: {  	s1 =	sld [smem:$0x7D8]  }
0x2dd: {  	[sflag:s3] =	ssyncset.done $0x0  }
0x2de: {  	[sflag:s3] =	ssyncadd.s32 $0xFFFFFE00  }
0x2df: {  	[tilespmem:s5], [sflag:$0x1] =	stream.indirect.gather [hbm4b:s1+s5], $0x10, s0, s5, $0xb8;
	[tilespmem:$0x2200] =	vst v63  }
0x2e0: {  	_ =	swait.ge [sflag:s7], $0x2000  }
0x2e1: {  	[sflag:s7] =	ssyncset.done $0x0  }
0x2e2: {  	[sflag:s7] =	ssyncadd.s32 $0xFFFFE000  }
0x2e3: {  	[hbm4b:s20+s8] =	stream.strided.scatter [tilespmem:s5], [sflag:$0x2], $0x2000, s9, s8, $0x38;
	[tilespmem:$0x2200] =	vst v63  }
0x2e4: {  	_ =	swait.ge [sflag:s3], $0x2000  }
0x2e5: {  	[sflag:s3] =	ssyncset.done $0x0  }
0x2e6: {  	[sflag:s3] =	ssyncadd.s32 $0xFFFFE000  }
0x2e7: {  	[tilespmem:s0], [sflag:$0x2] =	stream.linear.gather [hbm4b:s19+s0], $0x200, $0x38;
	[tilespmem:$0x2200] =	vst v63  }
0x2e8: {  	_ =	swait.ge [sflag:s3], $0x200  }
0x2e9: {  	s1 =	sld [smem:$0x7D9]  }
0x2ea: {  	[sflag:s3] =	ssyncset.done $0x0  }
0x2eb: {  	[sflag:s3] =	ssyncadd.s32 $0xFFFFFE00  }
0x2ec: {  	[tilespmem:s5], [sflag:$0x1] =	stream.indirect.gather [hbm4b:s1+s5], $0x10, s0, s5, $0xb8;
	[tilespmem:$0x2200] =	vst v63  }
0x2ed: {  	_ =	swait.ge [sflag:s7], $0x2000  }
0x2ee: {  	[sflag:s7] =	ssyncset.done $0x0  }
0x2ef: {  	[sflag:s7] =	ssyncadd.s32 $0xFFFFE000  }
0x2f0: {  	[hbm4b:s18+s8] =	stream.strided.scatter [tilespmem:s5], [sflag:$0x2], $0x2000, s9, s8, $0x38;
	[tilespmem:$0x2200] =	vst v63  }
0x2f1: {  	_ =	swait.ge [sflag:s3], $0x2000  }
0x2f2: {  	[sflag:s3] =	ssyncset.done $0x0  }
0x2f3: {  	[sflag:s3] =	ssyncadd.s32 $0xFFFFE000  }
0x2f4: {  	[tilespmem:s0], [sflag:$0x2] =	stream.linear.gather [hbm4b:s17+s0], $0x200, $0x38;
	[tilespmem:$0x2200] =	vst v63  }
0x2f5: {  	_ =	swait.ge [sflag:s3], $0x200  }
0x2f6: {  	s1 =	sld [smem:$0x7DA]  }
0x2f7: {  	[sflag:s3] =	ssyncset.done $0x0  }
0x2f8: {  	[sflag:s3] =	ssyncadd.s32 $0xFFFFFE00  }
0x2f9: {  	[tilespmem:s5], [sflag:$0x1] =	stream.indirect.gather [hbm4b:s1+s5], $0x10, s0, s5, $0xb8;
	[tilespmem:$0x2200] =	vst v63  }
0x2fa: {  	_ =	swait.ge [sflag:s7], $0x2000  }
0x2fb: {  	[sflag:s7] =	ssyncset.done $0x0  }
0x2fc: {  	[sflag:s7] =	ssyncadd.s32 $0xFFFFE000  }
0x2fd: {  	[hbm4b:s16+s8] =	stream.strided.scatter [tilespmem:s5], [sflag:$0x2], $0x2000, s9, s8, $0x38;
	[tilespmem:$0x2200] =	vst v63  }
0x2fe: {  	_ =	swait.ge [sflag:s3], $0x2000  }
0x2ff: {  	[sflag:s3] =	ssyncset.done $0x0  }
0x300: {  	[sflag:s3] =	ssyncadd.s32 $0xFFFFE000  }
0x301: {  	[tilespmem:s0], [sflag:$0x2] =	stream.linear.gather [hbm4b:s15+s0], $0x200, $0x38;
	[tilespmem:$0x2200] =	vst v63  }
0x302: {  	_ =	swait.ge [sflag:s3], $0x200  }
0x303: {  	s1 =	sld [smem:$0x7DB]  }
0x304: {  	[sflag:s3] =	ssyncset.done $0x0  }
0x305: {  	[sflag:s3] =	ssyncadd.s32 $0xFFFFFE00  }
0x306: {  	[tilespmem:s5], [sflag:$0x1] =	stream.indirect.gather [hbm4b:s1+s5], $0x10, s0, s5, $0xb8;
	[tilespmem:$0x2200] =	vst v63  }
0x307: {  	_ =	swait.ge [sflag:s7], $0x2000  }
0x308: {  	[sflag:s7] =	ssyncset.done $0x0  }
0x309: {  	[sflag:s7] =	ssyncadd.s32 $0xFFFFE000  }
0x30a: {  	[hbm4b:s14+s8] =	stream.strided.scatter [tilespmem:s5], [sflag:$0x2], $0x2000, s9, s8, $0x38;
	[tilespmem:$0x2200] =	vst v63  }
0x30b: {  	_ =	swait.ge [sflag:s3], $0x2000  }
0x30c: {  	[sflag:s3] =	ssyncset.done $0x0  }
0x30d: {  	[sflag:s3] =	ssyncadd.s32 $0xFFFFE000  }
0x30e: {  	[tilespmem:s0], [sflag:$0x2] =	stream.linear.gather [hbm4b:s13+s0], $0x200, $0x38;
	[tilespmem:$0x2200] =	vst v63  }
0x30f: {  	_ =	swait.ge [sflag:s3], $0x200  }
0x310: {  	s1 =	sld [smem:$0x7DC]  }
0x311: {  	[sflag:s3] =	ssyncset.done $0x0  }
0x312: {  	[sflag:s3] =	ssyncadd.s32 $0xFFFFFE00  }
0x313: {  	[tilespmem:s5], [sflag:$0x1] =	stream.indirect.gather [hbm4b:s1+s5], $0x10, s0, s5, $0xb8;
	[tilespmem:$0x2200] =	vst v63  }
0x314: {  	_ =	swait.ge [sflag:s7], $0x2000  }
0x315: {  	[sflag:s7] =	ssyncset.done $0x0  }
0x316: {  	[sflag:s7] =	ssyncadd.s32 $0xFFFFE000  }
0x317: {  	[hbm4b:s12+s8] =	stream.strided.scatter [tilespmem:s5], [sflag:$0x2], $0x2000, s9, s8, $0x38;
	[tilespmem:$0x2200] =	vst v63  }
0x318: {  	_ =	swait.ge [sflag:s3], $0x2000  }
0x319: {  	[sflag:s3] =	ssyncset.done $0x0  }
0x31a: {  	[sflag:s3] =	ssyncadd.s32 $0xFFFFE000  }
0x31b: {  	[tilespmem:s0], [sflag:$0x2] =	stream.linear.gather [hbm4b:s11+s0], $0x200, $0x38;
	[tilespmem:$0x2200] =	vst v63  }
0x31c: {  	_ =	swait.ge [sflag:s3], $0x200  }
0x31d: {  	s1 =	sld [smem:$0x7DD]  }
0x31e: {  	[sflag:s3] =	ssyncset.done $0x0  }
0x31f: {  	[sflag:s3] =	ssyncadd.s32 $0xFFFFFE00  }
0x320: {  	[tilespmem:s5], [sflag:$0x1] =	stream.indirect.gather [hbm4b:s1+s5], $0x10, s0, s5, $0xb8;
	[tilespmem:$0x2200] =	vst v63  }
0x321: {  	_ =	swait.ge [sflag:s7], $0x2000  }
0x322: {  	[sflag:s7] =	ssyncset.done $0x0  }
0x323: {  	[sflag:s7] =	ssyncadd.s32 $0xFFFFE000  }
0x324: {  	[hbm4b:s10+s8] =	stream.strided.scatter [tilespmem:s5], [sflag:$0x2], $0x2000, s9, s8, $0x38;
	[tilespmem:$0x2200] =	vst v63  }
0x325: {  	_ =	swait.ge [sflag:s3], $0x2000  }
0x326: {  	[sflag:s3] =	ssyncset.done $0x0  }
0x327: {  	[sflag:s3] =	ssyncadd.s32 $0xFFFFE000  }
0x328: {  	[tilespmem:s0], [sflag:$0x2] =	stream.linear.gather [hbm4b:s6+s0], $0x200, $0x38;
	[tilespmem:$0x2200] =	vst v63  }
0x329: {  	_ =	swait.ge [sflag:s3], $0x200  }
0x32a: {  	s1 =	sld [smem:$0x7DE]  }
0x32b: {  	[sflag:s3] =	ssyncset.done $0x0  }
0x32c: {  	[sflag:s3] =	ssyncadd.s32 $0xFFFFFE00  }
0x32d: {  	[tilespmem:s5], [sflag:$0x1] =	stream.indirect.gather [hbm4b:s1+s5], $0x10, s0, s5, $0xb8;
	[tilespmem:$0x2200] =	vst v63  }
0x32e: {  	p1 =	sne.s32 s2, $0x1;
	_ =	swait.ge [sflag:s7], $0x2000  }
.Ltmp2:
0x32f: {  	[sflag:s7] =	ssyncset.done $0x0;
	(pc) =	sbr.rel @p1 .LBB3_2-.Ltmp2, $4  }
0x330: {  	[sflag:s7] =	ssyncadd.s32 $0xFFFFE000  }
0x331: {  	[hbm4b:s4+s8] =	stream.strided.scatter [tilespmem:s5], [sflag:$0x2], $0x2000, s9, s8, $0x38;
	[tilespmem:$0x2200] =	vst v63  }
0x332: {  	_ =	swait.ge [sflag:s3], $0x2000  }
0x333: {  	s2 =	sadd.s32 $0xFFFFFFFF, s2;
	s1 =	sld [smem:$0x7FD];
	[sflag:s3] =	ssyncset.done $0x0  }
.LBB3_3:
0x334: {  	_ = 	snop  }
0x335: {  	[sflag:s3] =	ssyncadd.s32 @p0 $0xFFFFE000  }
0x336: {  	[tilespmem:s0], [sflag:$0x2] =	stream.linear.gather [hbm4b:s1+s0], $0x200, $0x38;
	[tilespmem:$0x2200] =	vst v63  }
0x337: {  	_ =	swait.ge [sflag:s3], $0x200  }
0x338: {  	[sflag:s3] =	ssyncset.done $0x0  }
0x339: {  	s2 =	rddreg [dreg:$0xe];
	[sflag:s3] =	ssyncadd.s32 $0xFFFFFE00  }
0x33a: {  	[tilespmem:s5], [sflag:$0x1] =	stream.indirect.gather [hbm4b:s2+s5], $0x10, s0, s5, $0xb8;
	[tilespmem:$0x2200] =	vst v63  }
0x33b: {  	_ =	swait.ge [sflag:s7], $0x2000  }
0x33c: {  	[sflag:s7] =	ssyncset.done $0x0  }
0x33d: {  	[sflag:s7] =	ssyncadd.s32 $0xFFFFE000  }
0x33e: {  	[hbm4b:s31+s8] =	stream.strided.scatter [tilespmem:s5], [sflag:$0x2], $0x2000, s9, s8, $0x38;
	[tilespmem:$0x2200] =	vst v63  }
0x33f: {  	_ =	swait.ge [sflag:s3], $0x2000  }
0x340: {  	s2 =	sld [smem:$0x7DF]  }
0x341: {  	[sflag:s3] =	ssyncset.done $0x0  }
0x342: {  	[sflag:s3] =	ssyncadd.s32 $0xFFFFE000  }
0x343: {  	[tilespmem:s0], [sflag:$0x2] =	stream.linear.gather [hbm4b:s2+s0], $0x200, $0x38;
	[tilespmem:$0x2200] =	vst v63  }
0x344: {  	_ =	swait.ge [sflag:s3], $0x200  }
0x345: {  	[sflag:s3] =	ssyncset.done $0x0  }
0x346: {  	s31 =	rddreg [dreg:$0xf];
	[sflag:s3] =	ssyncadd.s32 $0xFFFFFE00  }
0x347: {  	[tilespmem:s5], [sflag:$0x1] =	stream.indirect.gather [hbm4b:s31+s5], $0x10, s0, s5, $0xb8;
	[tilespmem:$0x2200] =	vst v63  }
0x348: {  	_ =	swait.ge [sflag:s7], $0x2000  }
0x349: {  	s2 =	sld [smem:$0x7E0]  }
0x34a: {  	[sflag:s7] =	ssyncset.done $0x0  }
0x34b: {  	[sflag:s7] =	ssyncadd.s32 $0xFFFFE000  }
0x34c: {  	[hbm4b:s2+s8] =	stream.strided.scatter [tilespmem:s5], [sflag:$0x2], $0x2000, s9, s8, $0x38;
	[tilespmem:$0x2200] =	vst v63  }
0x34d: {  	_ =	swait.ge [sflag:s3], $0x2000  }
0x34e: {  	s31 =	sld [smem:$0x7E1]  }
0x34f: {  	[sflag:s3] =	ssyncset.done $0x0  }
0x350: {  	[sflag:s3] =	ssyncadd.s32 $0xFFFFE000  }
0x351: {  	[tilespmem:s0], [sflag:$0x2] =	stream.linear.gather [hbm4b:s31+s0], $0x200, $0x38;
	[tilespmem:$0x2200] =	vst v63  }
0x352: {  	_ =	swait.ge [sflag:s3], $0x200  }
0x353: {  	[sflag:s3] =	ssyncset.done $0x0  }
0x354: {  	s2 =	rddreg [dreg:$0x10];
	[sflag:s3] =	ssyncadd.s32 $0xFFFFFE00  }
0x355: {  	[tilespmem:s5], [sflag:$0x1] =	stream.indirect.gather [hbm4b:s2+s5], $0x10, s0, s5, $0xb8;
	[tilespmem:$0x2200] =	vst v63  }
0x356: {  	_ =	swait.ge [sflag:s7], $0x2000  }
0x357: {  	s31 =	sld [smem:$0x7E2]  }
0x358: {  	[sflag:s7] =	ssyncset.done $0x0  }
0x359: {  	[sflag:s7] =	ssyncadd.s32 $0xFFFFE000  }
0x35a: {  	[hbm4b:s31+s8] =	stream.strided.scatter [tilespmem:s5], [sflag:$0x2], $0x2000, s9, s8, $0x38;
	[tilespmem:$0x2200] =	vst v63  }
0x35b: {  	_ =	swait.ge [sflag:s3], $0x2000  }
0x35c: {  	s2 =	sld [smem:$0x7E3]  }
0x35d: {  	[sflag:s3] =	ssyncset.done $0x0  }
0x35e: {  	[sflag:s3] =	ssyncadd.s32 $0xFFFFE000  }
0x35f: {  	[tilespmem:s0], [sflag:$0x2] =	stream.linear.gather [hbm4b:s2+s0], $0x200, $0x38;
	[tilespmem:$0x2200] =	vst v63  }
0x360: {  	_ =	swait.ge [sflag:s3], $0x200  }
0x361: {  	[sflag:s3] =	ssyncset.done $0x0  }
0x362: {  	s31 =	rddreg [dreg:$0x11];
	[sflag:s3] =	ssyncadd.s32 $0xFFFFFE00  }
0x363: {  	[tilespmem:s5], [sflag:$0x1] =	stream.indirect.gather [hbm4b:s31+s5], $0x10, s0, s5, $0xb8;
	[tilespmem:$0x2200] =	vst v63  }
0x364: {  	_ =	swait.ge [sflag:s7], $0x2000  }
0x365: {  	s2 =	sld [smem:$0x7E4]  }
0x366: {  	[sflag:s7] =	ssyncset.done $0x0  }
0x367: {  	[sflag:s7] =	ssyncadd.s32 $0xFFFFE000  }
0x368: {  	[hbm4b:s2+s8] =	stream.strided.scatter [tilespmem:s5], [sflag:$0x2], $0x2000, s9, s8, $0x38;
	[tilespmem:$0x2200] =	vst v63  }
0x369: {  	_ =	swait.ge [sflag:s3], $0x2000  }
0x36a: {  	s31 =	sld [smem:$0x7E5]  }
0x36b: {  	[sflag:s3] =	ssyncset.done $0x0  }
0x36c: {  	[sflag:s3] =	ssyncadd.s32 $0xFFFFE000  }
0x36d: {  	[tilespmem:s0], [sflag:$0x2] =	stream.linear.gather [hbm4b:s31+s0], $0x200, $0x38;
	[tilespmem:$0x2200] =	vst v63  }
0x36e: {  	_ =	swait.ge [sflag:s3], $0x200  }
0x36f: {  	[sflag:s3] =	ssyncset.done $0x0  }
0x370: {  	s2 =	rddreg [dreg:$0x12];
	[sflag:s3] =	ssyncadd.s32 $0xFFFFFE00  }
0x371: {  	[tilespmem:s5], [sflag:$0x1] =	stream.indirect.gather [hbm4b:s2+s5], $0x10, s0, s5, $0xb8;
	[tilespmem:$0x2200] =	vst v63  }
0x372: {  	_ =	swait.ge [sflag:s7], $0x2000  }
0x373: {  	s31 =	sld [smem:$0x7E6]  }
0x374: {  	[sflag:s7] =	ssyncset.done $0x0  }
0x375: {  	[sflag:s7] =	ssyncadd.s32 $0xFFFFE000  }
0x376: {  	[hbm4b:s31+s8] =	stream.strided.scatter [tilespmem:s5], [sflag:$0x2], $0x2000, s9, s8, $0x38;
	[tilespmem:$0x2200] =	vst v63  }
0x377: {  	_ =	swait.ge [sflag:s3], $0x2000  }
0x378: {  	s2 =	sld [smem:$0x7E7]  }
0x379: {  	[sflag:s3] =	ssyncset.done $0x0  }
0x37a: {  	[sflag:s3] =	ssyncadd.s32 $0xFFFFE000  }
0x37b: {  	[tilespmem:s0], [sflag:$0x2] =	stream.linear.gather [hbm4b:s2+s0], $0x200, $0x38;
	[tilespmem:$0x2200] =	vst v63  }
0x37c: {  	_ =	swait.ge [sflag:s3], $0x200  }
0x37d: {  	[sflag:s3] =	ssyncset.done $0x0  }
0x37e: {  	s31 =	rddreg [dreg:$0x13];
	[sflag:s3] =	ssyncadd.s32 $0xFFFFFE00  }
0x37f: {  	[tilespmem:s5], [sflag:$0x1] =	stream.indirect.gather [hbm4b:s31+s5], $0x10, s0, s5, $0xb8;
	[tilespmem:$0x2200] =	vst v63  }
0x380: {  	_ =	swait.ge [sflag:s7], $0x2000  }
0x381: {  	s2 =	sld [smem:$0x7E8]  }
0x382: {  	[sflag:s7] =	ssyncset.done $0x0  }
0x383: {  	[sflag:s7] =	ssyncadd.s32 $0xFFFFE000  }
0x384: {  	[hbm4b:s2+s8] =	stream.strided.scatter [tilespmem:s5], [sflag:$0x2], $0x2000, s9, s8, $0x38;
	[tilespmem:$0x2200] =	vst v63  }
0x385: {  	_ =	swait.ge [sflag:s3], $0x2000  }
0x386: {  	s31 =	sld [smem:$0x7E9]  }
0x387: {  	[sflag:s3] =	ssyncset.done $0x0  }
0x388: {  	[sflag:s3] =	ssyncadd.s32 $0xFFFFE000  }
0x389: {  	[tilespmem:s0], [sflag:$0x2] =	stream.linear.gather [hbm4b:s31+s0], $0x200, $0x38;
	[tilespmem:$0x2200] =	vst v63  }
0x38a: {  	_ =	swait.ge [sflag:s3], $0x200  }
0x38b: {  	[sflag:s3] =	ssyncset.done $0x0  }
0x38c: {  	s2 =	rddreg [dreg:$0x14];
	[sflag:s3] =	ssyncadd.s32 $0xFFFFFE00  }
0x38d: {  	[tilespmem:s5], [sflag:$0x1] =	stream.indirect.gather [hbm4b:s2+s5], $0x10, s0, s5, $0xb8;
	[tilespmem:$0x2200] =	vst v63  }
0x38e: {  	_ =	swait.ge [sflag:s7], $0x2000  }
0x38f: {  	s31 =	sld [smem:$0x7EA]  }
0x390: {  	[sflag:s7] =	ssyncset.done $0x0  }
0x391: {  	[sflag:s7] =	ssyncadd.s32 $0xFFFFE000  }
0x392: {  	[hbm4b:s31+s8] =	stream.strided.scatter [tilespmem:s5], [sflag:$0x2], $0x2000, s9, s8, $0x38;
	[tilespmem:$0x2200] =	vst v63  }
0x393: {  	_ =	swait.ge [sflag:s3], $0x2000  }
0x394: {  	s2 =	sld [smem:$0x7EB]  }
0x395: {  	[sflag:s3] =	ssyncset.done $0x0  }
0x396: {  	[sflag:s3] =	ssyncadd.s32 $0xFFFFE000  }
0x397: {  	[tilespmem:s0], [sflag:$0x2] =	stream.linear.gather [hbm4b:s2+s0], $0x200, $0x38;
	[tilespmem:$0x2200] =	vst v63  }
0x398: {  	_ =	swait.ge [sflag:s3], $0x200  }
0x399: {  	[sflag:s3] =	ssyncset.done $0x0  }
0x39a: {  	s31 =	rddreg [dreg:$0x15];
	[sflag:s3] =	ssyncadd.s32 $0xFFFFFE00  }
0x39b: {  	[tilespmem:s5], [sflag:$0x1] =	stream.indirect.gather [hbm4b:s31+s5], $0x10, s0, s5, $0xb8;
	[tilespmem:$0x2200] =	vst v63  }
0x39c: {  	_ =	swait.ge [sflag:s7], $0x2000  }
0x39d: {  	s2 =	sld [smem:$0x7EC]  }
0x39e: {  	[sflag:s7] =	ssyncset.done $0x0  }
0x39f: {  	[sflag:s7] =	ssyncadd.s32 $0xFFFFE000  }
0x3a0: {  	[hbm4b:s2+s8] =	stream.strided.scatter [tilespmem:s5], [sflag:$0x2], $0x2000, s9, s8, $0x38;
	[tilespmem:$0x2200] =	vst v63  }
0x3a1: {  	_ =	swait.ge [sflag:s3], $0x2000  }
0x3a2: {  	s31 =	sld [smem:$0x7ED]  }
0x3a3: {  	[sflag:s3] =	ssyncset.done $0x0  }
0x3a4: {  	[sflag:s3] =	ssyncadd.s32 $0xFFFFE000  }
0x3a5: {  	[tilespmem:s0], [sflag:$0x2] =	stream.linear.gather [hbm4b:s31+s0], $0x200, $0x38;
	[tilespmem:$0x2200] =	vst v63  }
0x3a6: {  	_ =	swait.ge [sflag:s3], $0x200  }
0x3a7: {  	[sflag:s3] =	ssyncset.done $0x0  }
0x3a8: {  	s2 =	rddreg [dreg:$0x16];
	[sflag:s3] =	ssyncadd.s32 $0xFFFFFE00  }
0x3a9: {  	[tilespmem:s5], [sflag:$0x1] =	stream.indirect.gather [hbm4b:s2+s5], $0x10, s0, s5, $0xb8;
	[tilespmem:$0x2200] =	vst v63  }
0x3aa: {  	_ =	swait.ge [sflag:s7], $0x2000  }
0x3ab: {  	s31 =	sld [smem:$0x7EE]  }
0x3ac: {  	[sflag:s7] =	ssyncset.done $0x0  }
0x3ad: {  	[sflag:s7] =	ssyncadd.s32 $0xFFFFE000  }
0x3ae: {  	[hbm4b:s31+s8] =	stream.strided.scatter [tilespmem:s5], [sflag:$0x2], $0x2000, s9, s8, $0x38;
	[tilespmem:$0x2200] =	vst v63  }
0x3af: {  	_ =	swait.ge [sflag:s3], $0x2000  }
0x3b0: {  	s2 =	sld [smem:$0x7EF]  }
0x3b1: {  	[sflag:s3] =	ssyncset.done $0x0  }
0x3b2: {  	[sflag:s3] =	ssyncadd.s32 $0xFFFFE000  }
0x3b3: {  	[tilespmem:s0], [sflag:$0x2] =	stream.linear.gather [hbm4b:s2+s0], $0x200, $0x38;
	[tilespmem:$0x2200] =	vst v63  }
0x3b4: {  	_ =	swait.ge [sflag:s3], $0x200  }
0x3b5: {  	[sflag:s3] =	ssyncset.done $0x0  }
0x3b6: {  	s31 =	rddreg [dreg:$0x17];
	[sflag:s3] =	ssyncadd.s32 $0xFFFFFE00  }
0x3b7: {  	[tilespmem:s5], [sflag:$0x1] =	stream.indirect.gather [hbm4b:s31+s5], $0x10, s0, s5, $0xb8;
	[tilespmem:$0x2200] =	vst v63  }
0x3b8: {  	_ =	swait.ge [sflag:s7], $0x2000  }
0x3b9: {  	s2 =	sld [smem:$0x7F0]  }
0x3ba: {  	[sflag:s7] =	ssyncset.done $0x0  }
0x3bb: {  	[sflag:s7] =	ssyncadd.s32 $0xFFFFE000  }
0x3bc: {  	[hbm4b:s2+s8] =	stream.strided.scatter [tilespmem:s5], [sflag:$0x2], $0x2000, s9, s8, $0x38;
	[tilespmem:$0x2200] =	vst v63  }
0x3bd: {  	_ =	swait.ge [sflag:s3], $0x2000  }
0x3be: {  	s31 =	sld [smem:$0x7F1]  }
0x3bf: {  	[sflag:s3] =	ssyncset.done $0x0  }
0x3c0: {  	[sflag:s3] =	ssyncadd.s32 $0xFFFFE000  }
0x3c1: {  	[tilespmem:s0], [sflag:$0x2] =	stream.linear.gather [hbm4b:s31+s0], $0x200, $0x38;
	[tilespmem:$0x2200] =	vst v63  }
0x3c2: {  	_ =	swait.ge [sflag:s3], $0x200  }
0x3c3: {  	[sflag:s3] =	ssyncset.done $0x0  }
0x3c4: {  	s2 =	rddreg [dreg:$0x18];
	[sflag:s3] =	ssyncadd.s32 $0xFFFFFE00  }
0x3c5: {  	[tilespmem:s5], [sflag:$0x1] =	stream.indirect.gather [hbm4b:s2+s5], $0x10, s0, s5, $0xb8;
	[tilespmem:$0x2200] =	vst v63  }
0x3c6: {  	_ =	swait.ge [sflag:s7], $0x2000  }
0x3c7: {  	s31 =	sld [smem:$0x7F2]  }
0x3c8: {  	[sflag:s7] =	ssyncset.done $0x0  }
0x3c9: {  	[sflag:s7] =	ssyncadd.s32 $0xFFFFE000  }
0x3ca: {  	[hbm4b:s31+s8] =	stream.strided.scatter [tilespmem:s5], [sflag:$0x2], $0x2000, s9, s8, $0x38;
	[tilespmem:$0x2200] =	vst v63  }
0x3cb: {  	_ =	swait.ge [sflag:s3], $0x2000  }
0x3cc: {  	s2 =	sld [smem:$0x7F3]  }
0x3cd: {  	[sflag:s3] =	ssyncset.done $0x0  }
0x3ce: {  	[sflag:s3] =	ssyncadd.s32 $0xFFFFE000  }
0x3cf: {  	[tilespmem:s0], [sflag:$0x2] =	stream.linear.gather [hbm4b:s2+s0], $0x200, $0x38;
	[tilespmem:$0x2200] =	vst v63  }
0x3d0: {  	_ =	swait.ge [sflag:s3], $0x200  }
0x3d1: {  	[sflag:s3] =	ssyncset.done $0x0  }
0x3d2: {  	s31 =	rddreg [dreg:$0x19];
	[sflag:s3] =	ssyncadd.s32 $0xFFFFFE00  }
0x3d3: {  	[tilespmem:s5], [sflag:$0x1] =	stream.indirect.gather [hbm4b:s31+s5], $0x10, s0, s5, $0xb8;
	[tilespmem:$0x2200] =	vst v63  }
0x3d4: {  	_ =	swait.ge [sflag:s7], $0x2000  }
0x3d5: {  	s2 =	sld [smem:$0x7F4]  }
0x3d6: {  	[sflag:s7] =	ssyncset.done $0x0  }
0x3d7: {  	[sflag:s7] =	ssyncadd.s32 $0xFFFFE000  }
0x3d8: {  	[hbm4b:s2+s8] =	stream.strided.scatter [tilespmem:s5], [sflag:$0x2], $0x2000, s9, s8, $0x38;
	[tilespmem:$0x2200] =	vst v63  }
0x3d9: {  	_ =	swait.ge [sflag:s3], $0x2000  }
0x3da: {  	s31 =	sld [smem:$0x7F5]  }
0x3db: {  	[sflag:s3] =	ssyncset.done $0x0  }
0x3dc: {  	[sflag:s3] =	ssyncadd.s32 $0xFFFFE000  }
0x3dd: {  	[tilespmem:s0], [sflag:$0x2] =	stream.linear.gather [hbm4b:s31+s0], $0x200, $0x38;
	[tilespmem:$0x2200] =	vst v63  }
0x3de: {  	_ =	swait.ge [sflag:s3], $0x200  }
0x3df: {  	[sflag:s3] =	ssyncset.done $0x0  }
0x3e0: {  	s2 =	rddreg [dreg:$0x1a];
	[sflag:s3] =	ssyncadd.s32 $0xFFFFFE00  }
0x3e1: {  	[tilespmem:s5], [sflag:$0x1] =	stream.indirect.gather [hbm4b:s2+s5], $0x10, s0, s5, $0xb8;
	[tilespmem:$0x2200] =	vst v63  }
0x3e2: {  	_ =	swait.ge [sflag:s7], $0x2000  }
0x3e3: {  	s31 =	sld [smem:$0x7F6]  }
0x3e4: {  	[sflag:s7] =	ssyncset.done $0x0  }
0x3e5: {  	[sflag:s7] =	ssyncadd.s32 $0xFFFFE000  }
0x3e6: {  	[hbm4b:s31+s8] =	stream.strided.scatter [tilespmem:s5], [sflag:$0x2], $0x2000, s9, s8, $0x38;
	[tilespmem:$0x2200] =	vst v63  }
0x3e7: {  	_ =	swait.ge [sflag:s3], $0x2000  }
0x3e8: {  	s2 =	sld [smem:$0x7F7]  }
0x3e9: {  	[sflag:s3] =	ssyncset.done $0x0  }
0x3ea: {  	[sflag:s3] =	ssyncadd.s32 $0xFFFFE000  }
0x3eb: {  	[tilespmem:s0], [sflag:$0x2] =	stream.linear.gather [hbm4b:s2+s0], $0x200, $0x38;
	[tilespmem:$0x2200] =	vst v63  }
0x3ec: {  	_ =	swait.ge [sflag:s3], $0x200  }
0x3ed: {  	[sflag:s3] =	ssyncset.done $0x0  }
0x3ee: {  	s31 =	rddreg [dreg:$0x1b];
	[sflag:s3] =	ssyncadd.s32 $0xFFFFFE00  }
0x3ef: {  	[tilespmem:s5], [sflag:$0x1] =	stream.indirect.gather [hbm4b:s31+s5], $0x10, s0, s5, $0xb8;
	[tilespmem:$0x2200] =	vst v63  }
0x3f0: {  	_ =	swait.ge [sflag:s7], $0x2000  }
0x3f1: {  	s2 =	sld [smem:$0x7F8]  }
0x3f2: {  	[sflag:s7] =	ssyncset.done $0x0  }
0x3f3: {  	[sflag:s7] =	ssyncadd.s32 $0xFFFFE000  }
0x3f4: {  	[hbm4b:s2+s8] =	stream.strided.scatter [tilespmem:s5], [sflag:$0x2], $0x2000, s9, s8, $0x38;
	[tilespmem:$0x2200] =	vst v63  }
0x3f5: {  	_ =	swait.ge [sflag:s3], $0x2000  }
0x3f6: {  	s31 =	sld [smem:$0x7F9]  }
0x3f7: {  	[sflag:s3] =	ssyncset.done $0x0  }
0x3f8: {  	[sflag:s3] =	ssyncadd.s32 $0xFFFFE000  }
0x3f9: {  	[tilespmem:s0], [sflag:$0x2] =	stream.linear.gather [hbm4b:s31+s0], $0x200, $0x38;
	[tilespmem:$0x2200] =	vst v63  }
0x3fa: {  	_ =	swait.ge [sflag:s3], $0x200  }
0x3fb: {  	[sflag:s3] =	ssyncset.done $0x0  }
0x3fc: {  	s2 =	rddreg [dreg:$0x1c];
	[sflag:s3] =	ssyncadd.s32 $0xFFFFFE00  }
0x3fd: {  	[tilespmem:s5], [sflag:$0x1] =	stream.indirect.gather [hbm4b:s2+s5], $0x10, s0, s5, $0xb8;
	[tilespmem:$0x2200] =	vst v63  }
0x3fe: {  	_ =	swait.ge [sflag:s7], $0x2000  }
0x3ff: {  	s31 =	sld [smem:$0x7FA]  }
0x400: {  	[sflag:s7] =	ssyncset.done $0x0  }
0x401: {  	[sflag:s7] =	ssyncadd.s32 $0xFFFFE000  }
0x402: {  	[hbm4b:s31+s8] =	stream.strided.scatter [tilespmem:s5], [sflag:$0x2], $0x2000, s9, s8, $0x38;
	[tilespmem:$0x2200] =	vst v63  }
0x403: {  	_ =	swait.ge [sflag:s3], $0x2000  }
0x404: {  	[sflag:s3] =	ssyncset.done $0x0  }
0x405: {  	[sflag:s3] =	ssyncadd.s32 $0xFFFFE000  }
0x406: {  	[tilespmem:s0], [sflag:$0x2] =	stream.linear.gather [hbm4b:s30+s0], $0x200, $0x38;
	[tilespmem:$0x2200] =	vst v63  }
0x407: {  	_ =	swait.ge [sflag:s3], $0x200  }
0x408: {  	[sflag:s3] =	ssyncset.done $0x0  }
0x409: {  	s2 =	rddreg [dreg:$0x1d];
	[sflag:s3] =	ssyncadd.s32 $0xFFFFFE00  }
0x40a: {  	[tilespmem:s5], [sflag:$0x1] =	stream.indirect.gather [hbm4b:s2+s5], $0x10, s0, s5, $0xb8;
	[tilespmem:$0x2200] =	vst v63  }
0x40b: {  	_ =	swait.ge [sflag:s7], $0x2000  }
0x40c: {  	[sflag:s7] =	ssyncset.done $0x0  }
0x40d: {  	[sflag:s7] =	ssyncadd.s32 $0xFFFFE000  }
0x40e: {  	[hbm4b:s29+s8] =	stream.strided.scatter [tilespmem:s5], [sflag:$0x2], $0x2000, s9, s8, $0x38;
	[tilespmem:$0x2200] =	vst v63  }
0x40f: {  	_ =	swait.ge [sflag:s3], $0x2000  }
0x410: {  	[sflag:s3] =	ssyncset.done $0x0  }
0x411: {  	[sflag:s3] =	ssyncadd.s32 $0xFFFFE000  }
0x412: {  	[tilespmem:s0], [sflag:$0x2] =	stream.linear.gather [hbm4b:s28+s0], $0x200, $0x38;
	[tilespmem:$0x2200] =	vst v63  }
0x413: {  	_ =	swait.ge [sflag:s3], $0x200  }
0x414: {  	[sflag:s3] =	ssyncset.done $0x0  }
0x415: {  	s30 =	rddreg [dreg:$0x1e];
	[sflag:s3] =	ssyncadd.s32 $0xFFFFFE00  }
0x416: {  	[tilespmem:s5], [sflag:$0x1] =	stream.indirect.gather [hbm4b:s30+s5], $0x10, s0, s5, $0xb8;
	[tilespmem:$0x2200] =	vst v63  }
0x417: {  	_ =	swait.ge [sflag:s7], $0x2000  }
0x418: {  	[sflag:s7] =	ssyncset.done $0x0  }
0x419: {  	[sflag:s7] =	ssyncadd.s32 $0xFFFFE000  }
0x41a: {  	[hbm4b:s26+s8] =	stream.strided.scatter [tilespmem:s5], [sflag:$0x2], $0x2000, s9, s8, $0x38;
	[tilespmem:$0x2200] =	vst v63  }
0x41b: {  	_ =	swait.ge [sflag:s3], $0x2000  }
0x41c: {  	[sflag:s3] =	ssyncset.done $0x0  }
0x41d: {  	[sflag:s3] =	ssyncadd.s32 $0xFFFFE000  }
0x41e: {  	[tilespmem:s0], [sflag:$0x2] =	stream.linear.gather [hbm4b:s25+s0], $0x200, $0x38;
	[tilespmem:$0x2200] =	vst v63  }
0x41f: {  	_ =	swait.ge [sflag:s3], $0x200  }
0x420: {  	[sflag:s3] =	ssyncset.done $0x0  }
0x421: {  	s31 =	rddreg [dreg:$0x1f];
	[sflag:s3] =	ssyncadd.s32 $0xFFFFFE00  }
0x422: {  	[tilespmem:s5], [sflag:$0x1] =	stream.indirect.gather [hbm4b:s31+s5], $0x10, s0, s5, $0xb8;
	[tilespmem:$0x2200] =	vst v63  }
0x423: {  	_ =	swait.ge [sflag:s7], $0x2000  }
0x424: {  	[sflag:s7] =	ssyncset.done $0x0  }
0x425: {  	[sflag:s7] =	ssyncadd.s32 $0xFFFFE000  }
0x426: {  	[hbm4b:s24+s8] =	stream.strided.scatter [tilespmem:s5], [sflag:$0x2], $0x2000, s9, s8, $0x38;
	[tilespmem:$0x2200] =	vst v63  }
0x427: {  	_ =	swait.ge [sflag:s3], $0x2000  }
0x428: {  	[sflag:s3] =	ssyncset.done $0x0  }
0x429: {  	[sflag:s3] =	ssyncadd.s32 $0xFFFFE000  }
0x42a: {  	[tilespmem:s0], [sflag:$0x2] =	stream.linear.gather [hbm4b:s23+s0], $0x200, $0x38;
	[tilespmem:$0x2200] =	vst v63  }
0x42b: {  	_ =	swait.ge [sflag:s3], $0x200  }
0x42c: {  	s2 =	sld [smem:$0x7D7]  }
0x42d: {  	[sflag:s3] =	ssyncset.done $0x0  }
0x42e: {  	[sflag:s3] =	ssyncadd.s32 $0xFFFFFE00  }
0x42f: {  	[tilespmem:s5], [sflag:$0x1] =	stream.indirect.gather [hbm4b:s2+s5], $0x10, s0, s5, $0xb8;
	[tilespmem:$0x2200] =	vst v63  }
0x430: {  	_ =	swait.ge [sflag:s7], $0x2000  }
0x431: {  	[sflag:s7] =	ssyncset.done $0x0  }
0x432: {  	[sflag:s7] =	ssyncadd.s32 $0xFFFFE000  }
0x433: {  	[hbm4b:s22+s8] =	stream.strided.scatter [tilespmem:s5], [sflag:$0x2], $0x2000, s9, s8, $0x38;
	[tilespmem:$0x2200] =	vst v63  }
0x434: {  	_ =	swait.ge [sflag:s3], $0x2000  }
0x435: {  	[sflag:s3] =	ssyncset.done $0x0  }
0x436: {  	[sflag:s3] =	ssyncadd.s32 $0xFFFFE000  }
0x437: {  	[tilespmem:s0], [sflag:$0x2] =	stream.linear.gather [hbm4b:s21+s0], $0x200, $0x38;
	[tilespmem:$0x2200] =	vst v63  }
0x438: {  	_ =	swait.ge [sflag:s3], $0x200  }
0x439: {  	s23 =	sld [smem:$0x7D8]  }
0x43a: {  	[sflag:s3] =	ssyncset.done $0x0  }
0x43b: {  	[sflag:s3] =	ssyncadd.s32 $0xFFFFFE00  }
0x43c: {  	[tilespmem:s5], [sflag:$0x1] =	stream.indirect.gather [hbm4b:s23+s5], $0x10, s0, s5, $0xb8;
	[tilespmem:$0x2200] =	vst v63  }
0x43d: {  	_ =	swait.ge [sflag:s7], $0x2000  }
0x43e: {  	[sflag:s7] =	ssyncset.done $0x0  }
0x43f: {  	[sflag:s7] =	ssyncadd.s32 $0xFFFFE000  }
0x440: {  	[hbm4b:s20+s8] =	stream.strided.scatter [tilespmem:s5], [sflag:$0x2], $0x2000, s9, s8, $0x38;
	[tilespmem:$0x2200] =	vst v63  }
0x441: {  	_ =	swait.ge [sflag:s3], $0x2000  }
0x442: {  	[sflag:s3] =	ssyncset.done $0x0  }
0x443: {  	[sflag:s3] =	ssyncadd.s32 $0xFFFFE000  }
0x444: {  	[tilespmem:s0], [sflag:$0x2] =	stream.linear.gather [hbm4b:s19+s0], $0x200, $0x38;
	[tilespmem:$0x2200] =	vst v63  }
0x445: {  	_ =	swait.ge [sflag:s3], $0x200  }
0x446: {  	s24 =	sld [smem:$0x7D9]  }
0x447: {  	[sflag:s3] =	ssyncset.done $0x0  }
0x448: {  	[sflag:s3] =	ssyncadd.s32 $0xFFFFFE00  }
0x449: {  	[tilespmem:s5], [sflag:$0x1] =	stream.indirect.gather [hbm4b:s24+s5], $0x10, s0, s5, $0xb8;
	[tilespmem:$0x2200] =	vst v63  }
0x44a: {  	_ =	swait.ge [sflag:s7], $0x2000  }
0x44b: {  	[sflag:s7] =	ssyncset.done $0x0  }
0x44c: {  	[sflag:s7] =	ssyncadd.s32 $0xFFFFE000  }
0x44d: {  	[hbm4b:s18+s8] =	stream.strided.scatter [tilespmem:s5], [sflag:$0x2], $0x2000, s9, s8, $0x38;
	[tilespmem:$0x2200] =	vst v63  }
0x44e: {  	_ =	swait.ge [sflag:s3], $0x2000  }
0x44f: {  	[sflag:s3] =	ssyncset.done $0x0  }
0x450: {  	[sflag:s3] =	ssyncadd.s32 $0xFFFFE000  }
0x451: {  	[tilespmem:s0], [sflag:$0x2] =	stream.linear.gather [hbm4b:s17+s0], $0x200, $0x38;
	[tilespmem:$0x2200] =	vst v63  }
0x452: {  	_ =	swait.ge [sflag:s3], $0x200  }
0x453: {  	s25 =	sld [smem:$0x7DA]  }
0x454: {  	[sflag:s3] =	ssyncset.done $0x0  }
0x455: {  	[sflag:s3] =	ssyncadd.s32 $0xFFFFFE00  }
0x456: {  	[tilespmem:s5], [sflag:$0x1] =	stream.indirect.gather [hbm4b:s25+s5], $0x10, s0, s5, $0xb8;
	[tilespmem:$0x2200] =	vst v63  }
0x457: {  	_ =	swait.ge [sflag:s7], $0x2000  }
0x458: {  	[sflag:s7] =	ssyncset.done $0x0  }
0x459: {  	[sflag:s7] =	ssyncadd.s32 $0xFFFFE000  }
0x45a: {  	[hbm4b:s16+s8] =	stream.strided.scatter [tilespmem:s5], [sflag:$0x2], $0x2000, s9, s8, $0x38;
	[tilespmem:$0x2200] =	vst v63  }
0x45b: {  	_ =	swait.ge [sflag:s3], $0x2000  }
0x45c: {  	[sflag:s3] =	ssyncset.done $0x0  }
0x45d: {  	[sflag:s3] =	ssyncadd.s32 $0xFFFFE000  }
0x45e: {  	[tilespmem:s0], [sflag:$0x2] =	stream.linear.gather [hbm4b:s15+s0], $0x200, $0x38;
	[tilespmem:$0x2200] =	vst v63  }
0x45f: {  	_ =	swait.ge [sflag:s3], $0x200  }
0x460: {  	s26 =	sld [smem:$0x7DB]  }
0x461: {  	[sflag:s3] =	ssyncset.done $0x0  }
0x462: {  	[sflag:s3] =	ssyncadd.s32 $0xFFFFFE00  }
0x463: {  	[tilespmem:s5], [sflag:$0x1] =	stream.indirect.gather [hbm4b:s26+s5], $0x10, s0, s5, $0xb8;
	[tilespmem:$0x2200] =	vst v63  }
0x464: {  	_ =	swait.ge [sflag:s7], $0x2000  }
0x465: {  	[sflag:s7] =	ssyncset.done $0x0  }
0x466: {  	[sflag:s7] =	ssyncadd.s32 $0xFFFFE000  }
0x467: {  	[hbm4b:s14+s8] =	stream.strided.scatter [tilespmem:s5], [sflag:$0x2], $0x2000, s9, s8, $0x38;
	[tilespmem:$0x2200] =	vst v63  }
0x468: {  	_ =	swait.ge [sflag:s3], $0x2000  }
0x469: {  	[sflag:s3] =	ssyncset.done $0x0  }
0x46a: {  	[sflag:s3] =	ssyncadd.s32 $0xFFFFE000  }
0x46b: {  	[tilespmem:s0], [sflag:$0x2] =	stream.linear.gather [hbm4b:s13+s0], $0x200, $0x38;
	[tilespmem:$0x2200] =	vst v63  }
0x46c: {  	_ =	swait.ge [sflag:s3], $0x200  }
0x46d: {  	s28 =	sld [smem:$0x7DC]  }
0x46e: {  	[sflag:s3] =	ssyncset.done $0x0  }
0x46f: {  	[sflag:s3] =	ssyncadd.s32 $0xFFFFFE00  }
0x470: {  	[tilespmem:s5], [sflag:$0x1] =	stream.indirect.gather [hbm4b:s28+s5], $0x10, s0, s5, $0xb8;
	[tilespmem:$0x2200] =	vst v63  }
0x471: {  	_ =	swait.ge [sflag:s7], $0x2000  }
0x472: {  	[sflag:s7] =	ssyncset.done $0x0  }
0x473: {  	[sflag:s7] =	ssyncadd.s32 $0xFFFFE000  }
0x474: {  	[hbm4b:s12+s8] =	stream.strided.scatter [tilespmem:s5], [sflag:$0x2], $0x2000, s9, s8, $0x38;
	[tilespmem:$0x2200] =	vst v63  }
0x475: {  	_ =	swait.ge [sflag:s3], $0x2000  }
0x476: {  	[sflag:s3] =	ssyncset.done $0x0  }
0x477: {  	[sflag:s3] =	ssyncadd.s32 $0xFFFFE000  }
0x478: {  	[tilespmem:s0], [sflag:$0x2] =	stream.linear.gather [hbm4b:s11+s0], $0x200, $0x38;
	[tilespmem:$0x2200] =	vst v63  }
0x479: {  	_ =	swait.ge [sflag:s3], $0x200  }
0x47a: {  	s29 =	sld [smem:$0x7DD]  }
0x47b: {  	[sflag:s3] =	ssyncset.done $0x0  }
0x47c: {  	[sflag:s3] =	ssyncadd.s32 $0xFFFFFE00  }
0x47d: {  	[tilespmem:s5], [sflag:$0x1] =	stream.indirect.gather [hbm4b:s29+s5], $0x10, s0, s5, $0xb8;
	[tilespmem:$0x2200] =	vst v63  }
0x47e: {  	_ =	swait.ge [sflag:s7], $0x2000  }
0x47f: {  	[sflag:s7] =	ssyncset.done $0x0  }
0x480: {  	[sflag:s7] =	ssyncadd.s32 $0xFFFFE000  }
0x481: {  	[hbm4b:s10+s8] =	stream.strided.scatter [tilespmem:s5], [sflag:$0x2], $0x2000, s9, s8, $0x38;
	[tilespmem:$0x2200] =	vst v63  }
0x482: {  	_ =	swait.ge [sflag:s3], $0x2000  }
0x483: {  	[sflag:s3] =	ssyncset.done $0x0  }
0x484: {  	[sflag:s3] =	ssyncadd.s32 $0xFFFFE000  }
0x485: {  	[tilespmem:s0], [sflag:$0x2] =	stream.linear.gather [hbm4b:s6+s0], $0x200, $0x38;
	[tilespmem:$0x2200] =	vst v63  }
0x486: {  	_ =	swait.ge [sflag:s3], $0x200  }
0x487: {  	s30 =	sld [smem:$0x7DE]  }
0x488: {  	[sflag:s3] =	ssyncset.done $0x0  }
0x489: {  	[sflag:s3] =	ssyncadd.s32 $0xFFFFFE00  }
0x48a: {  	[tilespmem:s5], [sflag:$0x1] =	stream.indirect.gather [hbm4b:s30+s5], $0x10, s0, s5, $0xb8;
	[tilespmem:$0x2200] =	vst v63  }
0x48b: {  	_ =	swait.ge [sflag:s7], $0x2000  }
0x48c: {  	[sflag:s7] =	ssyncset.done $0x0  }
0x48d: {  	[sflag:s7] =	ssyncadd.s32 $0xFFFFE000  }
0x48e: {  	[hbm4b:s4+s8] =	stream.strided.scatter [tilespmem:s5], [sflag:$0x2], $0x2000, s9, s8, $0x38;
	[tilespmem:$0x2200] =	vst v63  }
0x48f: {  	_ =	swait.ge [sflag:s3], $0x2000  }
0x490: {  	[sflag:s3] =	ssyncset.done $0x0  }
0x491: {  	[sflag:s3] =	ssyncadd.s32 $0xFFFFE000  }
0x492: {  	_ =	sfence.sel $0x180000  }
0x493: {  	[bflag:$0x0] =	sbarrier.arrive $0xFFFF  }
0x494: {  	_ =	strace $0x90000047  }
0x495: {  	[bflag:$0x2] =	sbarrier.arrive $0xFFFF  }
0x496: {  	s0 =	sld [smem:$0x7D6]  }
0x497: {  	s31 =	stileid.u32  }
0x498: {  	p0 =	sne.s32 s31, $0x0  }
0x499: {  	s0 =	sadd.s32 @!p0 $0x100000, s0  }
0x49a: {  	[sflag:s0] =	ssyncadd.tile.s32 @!p0 $0x1;
	_ =	shalt  }
.Lfunc_end3:
_tile_overlayer_lowered:
.L_overlay_start_3:
0x49b: {  	(tag) =	ssettag $0x3  }
0x49c: {  	s0 =	rddreg [dreg:$0x0];
	s2 =	stileid.u32  }
0x49d: {  	s1 =	rddreg [dreg:$0x1];
	p0 =	sne.s32 s2, $0x0  }
0x49e: {  	s3 =	rddreg [dreg:$0x2];
	[bflag:$0x3] =	sbarrier.arrive $0xFFFF;
	s2 =	simm.s32 @!p0 $0x1C02  }
0x49f: {  	[timem:s3], [sflag:s2] =	dma.local @!p0 [hbm:s0], s1  }
0x4a0: {  	s0 =	simm.s32 @!p0 $0x2  }
0x4a1: {  	_ =	swait.ge @!p0 [sflag:s0], s1  }
0x4a2: {  	s1 =	ssub.s32 @!p0 $0x0, s1;
	[sflag:s0] =	ssyncset.done @!p0 $0x0  }
0x4a3: {  	[sflag:s0] =	ssyncadd.s32 @!p0 s1  }
0x4a4: {  	[bflag:$0x3] =	sbarrier.arrive $0xFFFF  }
0x4a5: {  	_ =	shalt  }

</sc_bundles>
